<compile_context>
chip_gen: v7x
topology: tpu7x:2x2x1
jax: 0.10.2.dev20260603
libtpu: 0.0.44.dev20260713+nightly
codegen_flags: <defaults>
</compile_context>

<pallas_src>
import functools

import jax
import jax.numpy as jnp
from jax import lax
from jax.experimental import pallas as pl
from jax.experimental.pallas import tpu as pltpu
from jax.experimental.pallas import tpu_sc as plsc

N = 10000
D = 128
E = 320000

NC = 2
NS = 16
NW = NC * NS
B = 128
CH = -(-E // (NW * B))
CAP = NW * CH * B
CH0 = 101
CH1 = 2 * CH - CH0
CHM = max(CH0, CH1)
NPR = N + 8
NPD = NS * 8 * 128
DPT = NPD // NS
RPT = (N // NS) // 8 * 8
TAIL = N - NS * RPT

_mesh = plsc.VectorSubcoreMesh(core_axis_name="c", subcore_axis_name="s")



@functools.partial(
    pl.kernel,
    out_type=jax.ShapeDtypeStruct((NC, NPD // 128, 128), jnp.float32),
    mesh=_mesh,
    scratch_types=[
        pltpu.VMEM((CH, B), jnp.int32),
        pltpu.VMEM((DPT,), jnp.float32),
        pltpu.VMEM((B,), jnp.float32),
        pltpu.VMEM((DPT // 128, 128), jnp.float32),
        pltpu.VMEM_SHARED((NPD,), jnp.float32),
    ],
)
def _sc_degree(dstp, out, dst_v, ones_i, ones_b, stage_v, deg_sh):
    c = lax.axis_index("c")
    s = lax.axis_index("s")
    wid = s * NC + c
    for i in range(DPT // 16):
        ones_i[pl.ds(i * 16, 16)] = jnp.full((16,), 1.0, jnp.float32)
    for i in range(B // 16):
        ones_b[pl.ds(i * 16, 16)] = jnp.full((16,), 1.0, jnp.float32)
    pltpu.sync_copy(dstp.at[wid], dst_v)
    pltpu.sync_copy(ones_i, deg_sh.at[pl.ds(s * DPT, DPT)])
    plsc.subcore_barrier()

    def body(j, carry):
        pltpu.sync_copy(ones_b, deg_sh.at[dst_v.at[j]], add=True)
        return carry

    lax.fori_loop(0, CH, body, 0)
    plsc.subcore_barrier()
    for t in range(DPT // 128):
        pltpu.sync_copy(deg_sh.at[pl.ds(s * DPT + t * 128, 128)], stage_v.at[t])
    pltpu.sync_copy(stage_v, out.at[c].at[pl.ds(s * (DPT // 128), DPT // 128)])


@functools.partial(
    pl.kernel,
    out_type=jax.ShapeDtypeStruct((NC, N, D), jnp.float32),
    mesh=_mesh,
    scratch_types=[
        pltpu.VMEM((CHM, B), jnp.int32),
        pltpu.VMEM((CHM, B), jnp.int32),
        pltpu.VMEM((B, D), jnp.float32),
        pltpu.VMEM_SHARED((NPR, D), jnp.float32),
        pltpu.SemaphoreType.DMA,
    ],
)
def _sc_aggregate(t_hbm, srcp0, dstp0, srcp1, dstp1, out, src_v, dst_v, rows,
                  acc_sh, sg):
    c = lax.axis_index("c")
    s = lax.axis_index("s")
    pltpu.sync_copy(t_hbm.at[pl.ds(s * RPT, RPT)], acc_sh.at[pl.ds(s * RPT, RPT)])

    @pl.when(s == NS - 1)
    def _init_tail():
        pltpu.sync_copy(t_hbm.at[pl.ds(NS * RPT, TAIL)],
                        acc_sh.at[pl.ds(NS * RPT, TAIL)])

    @pl.when(c == 0)
    def _load_idx0():
        pltpu.sync_copy(srcp0.at[s], src_v.at[pl.ds(0, CH0)])
        pltpu.sync_copy(dstp0.at[s], dst_v.at[pl.ds(0, CH0)])

    @pl.when(c == 1)
    def _load_idx1():
        pltpu.sync_copy(srcp1.at[s], src_v.at[pl.ds(0, CH1)])
        pltpu.sync_copy(dstp1.at[s], dst_v.at[pl.ds(0, CH1)])

    plsc.subcore_barrier()

    def body(j, carry):
        pltpu.async_copy(t_hbm.at[src_v.at[j]], rows, sg).wait()
        pltpu.sync_copy(rows, acc_sh.at[dst_v.at[j]], add=True)
        return carry

    lax.fori_loop(0, jnp.where(c == 0, CH0, CH1), body, 0)
    plsc.subcore_barrier()
    pltpu.sync_copy(acc_sh.at[pl.ds(s * RPT, RPT)], out.at[c].at[pl.ds(s * RPT, RPT)])

    @pl.when(s == NS - 1)
    def _out_tail():
        pltpu.sync_copy(acc_sh.at[pl.ds(NS * RPT, TAIL)],
                        out.at[c].at[pl.ds(NS * RPT, TAIL)])



def _tc_dis_body(degp_ref, out_ref):
    dp = degp_ref[0]
    d = dp[0:1, :] + dp[1:2, :] - 1.0
    dis = lax.rsqrt(jnp.maximum(d, 1e-12))
    bc = jnp.broadcast_to(dis, (128, 128))
    i0 = lax.broadcasted_iota(jnp.int32, (128, 128), 0)
    i1 = lax.broadcasted_iota(jnp.int32, (128, 128), 1)
    diag = jnp.where(i0 == i1, bc, 0.0)
    out_ref[...] = jnp.dot(diag, jnp.ones((128, 128), jnp.float32),
                           preferred_element_type=jnp.float32, precision=jax.lax.Precision.HIGHEST)


def _tc_dis(degp):
    return pl.pallas_call(
        _tc_dis_body,
        grid=(NPD // 128,),
        in_specs=[pl.BlockSpec((1, 2, 128), lambda r: (r, 0, 0))],
        out_specs=pl.BlockSpec((128, 128), lambda r: (r, 0)),
        out_shape=jax.ShapeDtypeStruct((NPD, D), jnp.float32),
    )(degp)


def _tc_in_body(x_ref, w_ref, dis_ref, out_ref):
    out_ref[...] = dis_ref[...] * jnp.dot(
        x_ref[...], w_ref[...], preferred_element_type=jnp.float32, precision=jax.lax.Precision.HIGHEST)


def _tc_in(x, w, dis):
    return pl.pallas_call(
        _tc_in_body,
        out_shape=jax.ShapeDtypeStruct((N, D), jnp.float32),
    )(x, w, dis)


def _bn_relu(a_ref, tp_ref, dis_ref, b_ref, g_ref, be_ref):
    dis = dis_ref[...]
    u = dis * (a_ref[0] + a_ref[1] - tp_ref[...]) + b_ref[...]
    mu = jnp.mean(u, axis=0, keepdims=True)
    var = jnp.mean((u - mu) ** 2, axis=0, keepdims=True)
    y = (u - mu) * lax.rsqrt(var + 1e-5) * g_ref[...] + be_ref[...]
    return jnp.maximum(y, 0.0), dis


def _tc_mid_body(a_ref, tp_ref, dis_ref, b_ref, g_ref, be_ref, w_ref, out_ref):
    y, dis = _bn_relu(a_ref, tp_ref, dis_ref, b_ref, g_ref, be_ref)
    out_ref[...] = dis * jnp.dot(y, w_ref[...], preferred_element_type=jnp.float32, precision=jax.lax.Precision.HIGHEST)


def _tc_mid(a, tp, dis, b, g, be, w):
    return pl.pallas_call(
        _tc_mid_body,
        out_shape=jax.ShapeDtypeStruct((N, D), jnp.float32),
    )(a, tp, dis, b.reshape(1, D), g.reshape(1, D), be.reshape(1, D), w)


def _tc_fin_body(a_ref, tp_ref, dis_ref, b_ref, g_ref, be_ref,
                 mw0_ref, mb0_ref, mw1_ref, mb1_ref, out_ref):
    y, _ = _bn_relu(a_ref, tp_ref, dis_ref, b_ref, g_ref, be_ref)
    z = jnp.maximum(
        jnp.dot(y, mw0_ref[...], preferred_element_type=jnp.float32, precision=jax.lax.Precision.HIGHEST) + mb0_ref[...],
        0.0)
    out_ref[...] = jnp.dot(z, mw1_ref[...],
                           preferred_element_type=jnp.float32, precision=jax.lax.Precision.HIGHEST) + mb1_ref[...]


def _tc_fin(a, tp, dis, b, g, be, mw0, mb0, mw1, mb1):
    return pl.pallas_call(
        _tc_fin_body,
        out_shape=jax.ShapeDtypeStruct((N, D), jnp.float32),
    )(a, tp, dis, b.reshape(1, D), g.reshape(1, D), be.reshape(1, D),
      mw0, mb0.reshape(1, D), mw1, mb1.reshape(1, D))



def kernel(x, edge_index, W0, b0, g0, be0, W1, b1, g1, be1, W2, b2, g2, be2,
           mW0, mb0, mW1, mb1):
    src, dst = edge_index[0], edge_index[1]
    pad = CAP - E
    srcf = jnp.concatenate([src, jnp.zeros((pad,), src.dtype)])
    dstf = jnp.concatenate([dst, jnp.full((pad,), N, dst.dtype)])
    dstp = dstf.reshape(NW, CH, B)
    e0 = NS * CH0 * B
    srcp0 = srcf[:e0].reshape(NS, CH0, B)
    dstp0 = dstf[:e0].reshape(NS, CH0, B)
    srcp1 = srcf[e0:].reshape(NS, CH1, B)
    dstp1 = dstf[e0:].reshape(NS, CH1, B)

    degp = _sc_degree(dstp)
    dis = _tc_dis(jnp.transpose(degp, (1, 0, 2)))[:N]

    t = _tc_in(x, W0, dis)
    a = _sc_aggregate(t, srcp0, dstp0, srcp1, dstp1)
    t1 = _tc_mid(a, t, dis, b0, g0, be0, W1)
    a1 = _sc_aggregate(t1, srcp0, dstp0, srcp1, dstp1)
    t2 = _tc_mid(a1, t1, dis, b1, g1, be1, W2)
    a2 = _sc_aggregate(t2, srcp0, dstp0, srcp1, dstp1)
    return _tc_fin(a2, t2, dis, b2, g2, be2, mW0, mb0, mW1, mb1)

# --- scband reference (transcript-rebuilt; emitter-appended) ---
"""Pipeline reference for scband-gcnmodel-1821066133824 (READ-ONLY COPY).

The authoritative reference and input builder live on the scoring server;
editing this copy changes nothing except your own understanding.
"""

import jax, jax.numpy as jnp
import numpy as np

N = 10000
E = 320000
D = 128


def setup_inputs(seed: int = 0) -> dict:
    key = jax.random.key(seed)
    ks = jax.random.split(key, 24)
    s = 1.0 / np.sqrt(D)
    inp = {}
    inp['x'] = jax.random.normal(ks[0], (N, D), dtype=jnp.float32)
    inp['edge_index'] = jax.random.randint(ks[1], (2, E), 0, N, dtype=jnp.int32)
    # 3 GCNConv layers: weight [D, D], bias [D]
    for i in range(3):
        inp[f'W{i}'] = jax.random.uniform(ks[2 + 2 * i], (D, D), jnp.float32, -s, s)
        inp[f'b{i}'] = jax.random.uniform(ks[3 + 2 * i], (D,), jnp.float32, -s, s)
        # batch norm gamma/beta
        inp[f'g{i}'] = jnp.ones((D,), jnp.float32)
        inp[f'be{i}'] = jnp.zeros((D,), jnp.float32)
    # final MLP: Linear(D,D) -> ReLU -> Dropout(eval: identity) -> Linear(D,D)
    inp['mW0'] = jax.random.uniform(ks[10], (D, D), jnp.float32, -s, s)
    inp['mb0'] = jax.random.uniform(ks[11], (D,), jnp.float32, -s, s)
    inp['mW1'] = jax.random.uniform(ks[12], (D, D), jnp.float32, -s, s)
    inp['mb1'] = jax.random.uniform(ks[13], (D,), jnp.float32, -s, s)
    return inp


def _gcn_conv(x, src2, dst2, norm, W, b):
    # PyG GCNConv: h = x @ W; aggregate normalized messages; add bias
    h = x @ W
    msg = h[src2] * norm[:, None]
    out = jnp.zeros((N, W.shape[1]), jnp.float32).at[dst2].add(msg)
    return out + b


def _batch_norm(x, g, b, eps=1e-5):
    mu = jnp.mean(x, axis=0)
    var = jnp.var(x, axis=0)
    return (x - mu) * jax.lax.rsqrt(var + eps) * g + b


def reference(x, edge_index, W0, b0, g0, be0, W1, b1, g1, be1, W2, b2, g2, be2, mW0, mb0, mW1, mb1):
    src, dst = edge_index[0], edge_index[1]
    loop = jnp.arange(N, dtype=src.dtype)
    src2 = jnp.concatenate([src, loop])
    dst2 = jnp.concatenate([dst, loop])
    deg = jnp.zeros((N,), jnp.float32).at[dst2].add(1.0)
    dis = jnp.where(deg > 0, jax.lax.rsqrt(jnp.maximum(deg, 1e-12)), 0.0)
    norm = dis[src2] * dis[dst2]

    convs = [(W0, b0, g0, be0), (W1, b1, g1, be1), (W2, b2, g2, be2)]
    h = x
    for (W, b, g, be) in convs:
        h = _gcn_conv(h, src2, dst2, norm, W, b)
        h = _batch_norm(h, g, be)
        h = jax.nn.relu(h)
        # dropout: identity in eval/deterministic reference
    h = jax.nn.relu(h @ mW0 + mb0)
    out = h @ mW1 + mb1
    return out

if __name__ == "__main__":
    import jax
    _d = setup_inputs()
    print(jax.jit(kernel)(*tuple(_d.values())))

</pallas_src>

<mosaic_0001>
#map = affine_map<(d0, d1) -> (0, 0)>
#map1 = affine_map<(d0, d1) -> (0, 0, 0)>
module attributes {stable_mosaic.version = 14 : i64} {
  func.func @_sc_aggregate(%arg0: i32, %arg1: i32, %arg2: memref<10000x128xf32, #tpu.memory_space<hbm>>, %arg3: memref<16x101x128xi32, #tpu.memory_space<hbm>>, %arg4: memref<16x101x128xi32, #tpu.memory_space<hbm>>, %arg5: memref<16x57x128xi32, #tpu.memory_space<hbm>>, %arg6: memref<16x57x128xi32, #tpu.memory_space<hbm>>, %arg7: memref<2x10000x128xf32, #tpu.memory_space<hbm>>, %arg8: memref<101x128xi32, #tpu.memory_space<vmem>>, %arg9: memref<101x128xi32, #tpu.memory_space<vmem>>, %arg10: memref<128x128xf32, #tpu.memory_space<vmem>>, %arg11: memref<10008x128xf32, #tpu.memory_space<vmem_shared>>, %arg12: memref<!tpu.dma_semaphore, #tpu.memory_space<semaphore_mem>>) attributes {dimension_semantics = [#tpu.dimension_semantics<core_parallel>, #tpu.dimension_semantics<subcore_parallel>], iteration_bounds = array<i64: 2, 16>, scalar_prefetch = 0 : i64, scratch_operands = 5 : i64, tpu.core_type = #tpu.core_type<sc_vector_subcore>, window_params = [{transform_indices = #map}, {transform_indices = #map1}, {transform_indices = #map1}, {transform_indices = #map1}, {transform_indices = #map1}, {transform_indices = #map1}]} {
    %mul3A = arith.constant 624 : i32
    %mul3A_0 = arith.muli %arg1, %mul3A : i32
    %mul3A_1 = arith.constant 624 : i32
    %mul3A_2 = arith.muli %arg1, %mul3A_1 : i32
    "tpu.region"() ({
      %run_scoped3A = tpu.sem_alloc : memref<!tpu.dma_semaphore, #tpu.memory_space<semaphore_mem>>
      %dma_start3A = arith.constant 0 : i32
      %dma_start3A_37 = tpu.memref_slice %arg11[%mul3A_2, %dma_start3A] : memref<10008x128xf32, #tpu.memory_space<vmem_shared>> -> memref<624x128xf32, #tpu.memory_space<vmem_shared>>
      %dma_start3A_38 = arith.constant 0 : i32
      %dma_start3A_39 = tpu.memref_slice %arg2[%mul3A_0, %dma_start3A_38] : memref<10000x128xf32, #tpu.memory_space<hbm>> -> memref<624x128xf32, #tpu.memory_space<hbm>>
      tpu.enqueue_dma source(%dma_start3A_39 : memref<624x128xf32, #tpu.memory_space<hbm>>) target(%dma_start3A_37 : memref<624x128xf32, #tpu.memory_space<vmem_shared>>) target_semaphore(%run_scoped3A : memref<!tpu.dma_semaphore, #tpu.memory_space<semaphore_mem>>)
      %dma_wait3A = arith.constant 0 : i32
      %dma_wait3A_40 = tpu.memref_slice %arg11[%mul3A_2, %dma_wait3A] : memref<10008x128xf32, #tpu.memory_space<vmem_shared>> -> memref<624x128xf32, #tpu.memory_space<vmem_shared>>
      %dma_wait3A_41 = arith.constant 0 : i32
      %dma_wait3A_42 = tpu.memref_slice %arg2[%mul3A_0, %dma_wait3A_41] : memref<10000x128xf32, #tpu.memory_space<hbm>> -> memref<624x128xf32, #tpu.memory_space<hbm>>
      tpu.wait_dma2 semaphore(%run_scoped3A : memref<!tpu.dma_semaphore, #tpu.memory_space<semaphore_mem>>) src(%dma_wait3A_42 : memref<624x128xf32, #tpu.memory_space<hbm>>) dst(%dma_wait3A_40 : memref<624x128xf32, #tpu.memory_space<vmem_shared>>)
      tpu.yield
    }) : () -> ()
    %eq3A = arith.constant 15 : i32
    %eq3A_3 = arith.cmpi eq, %arg1, %eq3A : i32
    %convert_element_type3A = arith.extui %eq3A_3 : i1 to i32
    %cond3A = arith.constant 0 : i32
    %cond3A_4 = arith.cmpi ne, %convert_element_type3A, %cond3A : i32
    scf.if %cond3A_4 {
      "tpu.region"() ({
        %run_scoped3A = tpu.sem_alloc : memref<!tpu.dma_semaphore, #tpu.memory_space<semaphore_mem>>
        %dma_start3A = arith.constant 9984 : i32
        %dma_start3A_37 = arith.constant 0 : i32
        %dma_start3A_38 = tpu.memref_slice %arg11[%dma_start3A, %dma_start3A_37] : memref<10008x128xf32, #tpu.memory_space<vmem_shared>> -> memref<16x128xf32, #tpu.memory_space<vmem_shared>>
        %dma_start3A_39 = arith.constant 9984 : i32
        %dma_start3A_40 = arith.constant 0 : i32
        %dma_start3A_41 = tpu.memref_slice %arg2[%dma_start3A_39, %dma_start3A_40] : memref<10000x128xf32, #tpu.memory_space<hbm>> -> memref<16x128xf32, #tpu.memory_space<hbm>>
        tpu.enqueue_dma source(%dma_start3A_41 : memref<16x128xf32, #tpu.memory_space<hbm>>) target(%dma_start3A_38 : memref<16x128xf32, #tpu.memory_space<vmem_shared>>) target_semaphore(%run_scoped3A : memref<!tpu.dma_semaphore, #tpu.memory_space<semaphore_mem>>)
        %dma_wait3A = arith.constant 9984 : i32
        %dma_wait3A_42 = arith.constant 0 : i32
        %dma_wait3A_43 = tpu.memref_slice %arg11[%dma_wait3A, %dma_wait3A_42] : memref<10008x128xf32, #tpu.memory_space<vmem_shared>> -> memref<16x128xf32, #tpu.memory_space<vmem_shared>>
        %dma_wait3A_44 = arith.constant 9984 : i32
        %dma_wait3A_45 = arith.constant 0 : i32
        %dma_wait3A_46 = tpu.memref_slice %arg2[%dma_wait3A_44, %dma_wait3A_45] : memref<10000x128xf32, #tpu.memory_space<hbm>> -> memref<16x128xf32, #tpu.memory_space<hbm>>
        tpu.wait_dma2 semaphore(%run_scoped3A : memref<!tpu.dma_semaphore, #tpu.memory_space<semaphore_mem>>) src(%dma_wait3A_46 : memref<16x128xf32, #tpu.memory_space<hbm>>) dst(%dma_wait3A_43 : memref<16x128xf32, #tpu.memory_space<vmem_shared>>)
        tpu.yield
      }) : () -> ()
    } else {
    }
    %eq3A_5 = arith.constant 0 : i32
    %eq3A_6 = arith.cmpi eq, %arg0, %eq3A_5 : i32
    %convert_element_type3A_7 = arith.extui %eq3A_6 : i1 to i32
    %cond3A_8 = arith.constant 0 : i32
    %cond3A_9 = arith.cmpi ne, %convert_element_type3A_7, %cond3A_8 : i32
    scf.if %cond3A_9 {
      "tpu.region"() ({
        %run_scoped3A = tpu.sem_alloc : memref<!tpu.dma_semaphore, #tpu.memory_space<semaphore_mem>>
        %dma_start3A = arith.constant 0 : i32
        %dma_start3A_37 = arith.constant 0 : i32
        %dma_start3A_38 = tpu.memref_slice %arg8[%dma_start3A, %dma_start3A_37] : memref<101x128xi32, #tpu.memory_space<vmem>> -> memref<101x128xi32, #tpu.memory_space<vmem>>
        %dma_start3A_39 = arith.constant 0 : i32
        %dma_start3A_40 = arith.constant 0 : i32
        %dma_start3A_41 = tpu.memref_slice %arg3[%arg1, %dma_start3A_39, %dma_start3A_40] : memref<16x101x128xi32, #tpu.memory_space<hbm>> -> memref<1x101x128xi32, #tpu.memory_space<hbm>>
        %dma_start3A_42 = tpu.memref_squeeze %dma_start3A_41 : memref<1x101x128xi32, #tpu.memory_space<hbm>> -> memref<101x128xi32, #tpu.memory_space<hbm>>
        %dma_start3A_43 = arith.constant 0 : i32
        %dma_start3A_44 = arith.constant 0 : i32
        %dma_start3A_45 = tpu.memref_slice %arg8[%dma_start3A_43, %dma_start3A_44] : memref<101x128xi32, #tpu.memory_space<vmem>> -> memref<101x128xi32, #tpu.memory_space<vmem>>
        %dma_start3A_46 = arith.constant 0 : i32
        %dma_start3A_47 = arith.constant 0 : i32
        %dma_start3A_48 = tpu.memref_slice %arg3[%arg1, %dma_start3A_46, %dma_start3A_47] : memref<16x101x128xi32, #tpu.memory_space<hbm>> -> memref<1x101x128xi32, #tpu.memory_space<hbm>>
        %dma_start3A_49 = tpu.memref_squeeze %dma_start3A_48 : memref<1x101x128xi32, #tpu.memory_space<hbm>> -> memref<101x128xi32, #tpu.memory_space<hbm>>
        tpu.enqueue_dma source(%dma_start3A_49 : memref<101x128xi32, #tpu.memory_space<hbm>>) target(%dma_start3A_45 : memref<101x128xi32, #tpu.memory_space<vmem>>) target_semaphore(%run_scoped3A : memref<!tpu.dma_semaphore, #tpu.memory_space<semaphore_mem>>)
        %dma_wait3A = arith.constant 0 : i32
        %dma_wait3A_50 = arith.constant 0 : i32
        %dma_wait3A_51 = tpu.memref_slice %arg8[%dma_wait3A, %dma_wait3A_50] : memref<101x128xi32, #tpu.memory_space<vmem>> -> memref<101x128xi32, #tpu.memory_space<vmem>>
        %dma_wait3A_52 = arith.constant 0 : i32
        %dma_wait3A_53 = arith.constant 0 : i32
        %dma_wait3A_54 = tpu.memref_slice %arg3[%arg1, %dma_wait3A_52, %dma_wait3A_53] : memref<16x101x128xi32, #tpu.memory_space<hbm>> -> memref<1x101x128xi32, #tpu.memory_space<hbm>>
        %dma_wait3A_55 = tpu.memref_squeeze %dma_wait3A_54 : memref<1x101x128xi32, #tpu.memory_space<hbm>> -> memref<101x128xi32, #tpu.memory_space<hbm>>
        %dma_wait3A_56 = arith.constant 0 : i32
        %dma_wait3A_57 = arith.constant 0 : i32
        %dma_wait3A_58 = tpu.memref_slice %arg8[%dma_wait3A_56, %dma_wait3A_57] : memref<101x128xi32, #tpu.memory_space<vmem>> -> memref<101x128xi32, #tpu.memory_space<vmem>>
        %dma_wait3A_59 = arith.constant 0 : i32
        %dma_wait3A_60 = arith.constant 0 : i32
        %dma_wait3A_61 = tpu.memref_slice %arg3[%arg1, %dma_wait3A_59, %dma_wait3A_60] : memref<16x101x128xi32, #tpu.memory_space<hbm>> -> memref<1x101x128xi32, #tpu.memory_space<hbm>>
        %dma_wait3A_62 = tpu.memref_squeeze %dma_wait3A_61 : memref<1x101x128xi32, #tpu.memory_space<hbm>> -> memref<101x128xi32, #tpu.memory_space<hbm>>
        tpu.wait_dma2 semaphore(%run_scoped3A : memref<!tpu.dma_semaphore, #tpu.memory_space<semaphore_mem>>) src(%dma_wait3A_62 : memref<101x128xi32, #tpu.memory_space<hbm>>) dst(%dma_wait3A_58 : memref<101x128xi32, #tpu.memory_space<vmem>>)
        tpu.yield
      }) : () -> ()
      "tpu.region"() ({
        %run_scoped3A = tpu.sem_alloc : memref<!tpu.dma_semaphore, #tpu.memory_space<semaphore_mem>>
        %dma_start3A = arith.constant 0 : i32
        %dma_start3A_37 = arith.constant 0 : i32
        %dma_start3A_38 = tpu.memref_slice %arg9[%dma_start3A, %dma_start3A_37] : memref<101x128xi32, #tpu.memory_space<vmem>> -> memref<101x128xi32, #tpu.memory_space<vmem>>
        %dma_start3A_39 = arith.constant 0 : i32
        %dma_start3A_40 = arith.constant 0 : i32
        %dma_start3A_41 = tpu.memref_slice %arg4[%arg1, %dma_start3A_39, %dma_start3A_40] : memref<16x101x128xi32, #tpu.memory_space<hbm>> -> memref<1x101x128xi32, #tpu.memory_space<hbm>>
        %dma_start3A_42 = tpu.memref_squeeze %dma_start3A_41 : memref<1x101x128xi32, #tpu.memory_space<hbm>> -> memref<101x128xi32, #tpu.memory_space<hbm>>
        %dma_start3A_43 = arith.constant 0 : i32
        %dma_start3A_44 = arith.constant 0 : i32
        %dma_start3A_45 = tpu.memref_slice %arg9[%dma_start3A_43, %dma_start3A_44] : memref<101x128xi32, #tpu.memory_space<vmem>> -> memref<101x128xi32, #tpu.memory_space<vmem>>
        %dma_start3A_46 = arith.constant 0 : i32
        %dma_start3A_47 = arith.constant 0 : i32
        %dma_start3A_48 = tpu.memref_slice %arg4[%arg1, %dma_start3A_46, %dma_start3A_47] : memref<16x101x128xi32, #tpu.memory_space<hbm>> -> memref<1x101x128xi32, #tpu.memory_space<hbm>>
        %dma_start3A_49 = tpu.memref_squeeze %dma_start3A_48 : memref<1x101x128xi32, #tpu.memory_space<hbm>> -> memref<101x128xi32, #tpu.memory_space<hbm>>
        tpu.enqueue_dma source(%dma_start3A_49 : memref<101x128xi32, #tpu.memory_space<hbm>>) target(%dma_start3A_45 : memref<101x128xi32, #tpu.memory_space<vmem>>) target_semaphore(%run_scoped3A : memref<!tpu.dma_semaphore, #tpu.memory_space<semaphore_mem>>)
        %dma_wait3A = arith.constant 0 : i32
        %dma_wait3A_50 = arith.constant 0 : i32
        %dma_wait3A_51 = tpu.memref_slice %arg9[%dma_wait3A, %dma_wait3A_50] : memref<101x128xi32, #tpu.memory_space<vmem>> -> memref<101x128xi32, #tpu.memory_space<vmem>>
        %dma_wait3A_52 = arith.constant 0 : i32
        %dma_wait3A_53 = arith.constant 0 : i32
        %dma_wait3A_54 = tpu.memref_slice %arg4[%arg1, %dma_wait3A_52, %dma_wait3A_53] : memref<16x101x128xi32, #tpu.memory_space<hbm>> -> memref<1x101x128xi32, #tpu.memory_space<hbm>>
        %dma_wait3A_55 = tpu.memref_squeeze %dma_wait3A_54 : memref<1x101x128xi32, #tpu.memory_space<hbm>> -> memref<101x128xi32, #tpu.memory_space<hbm>>
        %dma_wait3A_56 = arith.constant 0 : i32
        %dma_wait3A_57 = arith.constant 0 : i32
        %dma_wait3A_58 = tpu.memref_slice %arg9[%dma_wait3A_56, %dma_wait3A_57] : memref<101x128xi32, #tpu.memory_space<vmem>> -> memref<101x128xi32, #tpu.memory_space<vmem>>
        %dma_wait3A_59 = arith.constant 0 : i32
        %dma_wait3A_60 = arith.constant 0 : i32
        %dma_wait3A_61 = tpu.memref_slice %arg4[%arg1, %dma_wait3A_59, %dma_wait3A_60] : memref<16x101x128xi32, #tpu.memory_space<hbm>> -> memref<1x101x128xi32, #tpu.memory_space<hbm>>
        %dma_wait3A_62 = tpu.memref_squeeze %dma_wait3A_61 : memref<1x101x128xi32, #tpu.memory_space<hbm>> -> memref<101x128xi32, #tpu.memory_space<hbm>>
        tpu.wait_dma2 semaphore(%run_scoped3A : memref<!tpu.dma_semaphore, #tpu.memory_space<semaphore_mem>>) src(%dma_wait3A_62 : memref<101x128xi32, #tpu.memory_space<hbm>>) dst(%dma_wait3A_58 : memref<101x128xi32, #tpu.memory_space<vmem>>)
        tpu.yield
      }) : () -> ()
    } else {
    }
    %eq3A_10 = arith.constant 1 : i32
    %eq3A_11 = arith.cmpi eq, %arg0, %eq3A_10 : i32
    %convert_element_type3A_12 = arith.extui %eq3A_11 : i1 to i32
    %cond3A_13 = arith.constant 0 : i32
    %cond3A_14 = arith.cmpi ne, %convert_element_type3A_12, %cond3A_13 : i32
    scf.if %cond3A_14 {
      "tpu.region"() ({
        %run_scoped3A = tpu.sem_alloc : memref<!tpu.dma_semaphore, #tpu.memory_space<semaphore_mem>>
        %dma_start3A = arith.constant 0 : i32
        %dma_start3A_37 = arith.constant 0 : i32
        %dma_start3A_38 = tpu.memref_slice %arg8[%dma_start3A, %dma_start3A_37] : memref<101x128xi32, #tpu.memory_space<vmem>> -> memref<57x128xi32, #tpu.memory_space<vmem>>
        %dma_start3A_39 = arith.constant 0 : i32
        %dma_start3A_40 = arith.constant 0 : i32
        %dma_start3A_41 = tpu.memref_slice %arg5[%arg1, %dma_start3A_39, %dma_start3A_40] : memref<16x57x128xi32, #tpu.memory_space<hbm>> -> memref<1x57x128xi32, #tpu.memory_space<hbm>>
        %dma_start3A_42 = tpu.memref_squeeze %dma_start3A_41 : memref<1x57x128xi32, #tpu.memory_space<hbm>> -> memref<57x128xi32, #tpu.memory_space<hbm>>
        %dma_start3A_43 = arith.constant 0 : i32
        %dma_start3A_44 = arith.constant 0 : i32
        %dma_start3A_45 = tpu.memref_slice %arg8[%dma_start3A_43, %dma_start3A_44] : memref<101x128xi32, #tpu.memory_space<vmem>> -> memref<57x128xi32, #tpu.memory_space<vmem>>
        %dma_start3A_46 = arith.constant 0 : i32
        %dma_start3A_47 = arith.constant 0 : i32
        %dma_start3A_48 = tpu.memref_slice %arg5[%arg1, %dma_start3A_46, %dma_start3A_47] : memref<16x57x128xi32, #tpu.memory_space<hbm>> -> memref<1x57x128xi32, #tpu.memory_space<hbm>>
        %dma_start3A_49 = tpu.memref_squeeze %dma_start3A_48 : memref<1x57x128xi32, #tpu.memory_space<hbm>> -> memref<57x128xi32, #tpu.memory_space<hbm>>
        tpu.enqueue_dma source(%dma_start3A_49 : memref<57x128xi32, #tpu.memory_space<hbm>>) target(%dma_start3A_45 : memref<57x128xi32, #tpu.memory_space<vmem>>) target_semaphore(%run_scoped3A : memref<!tpu.dma_semaphore, #tpu.memory_space<semaphore_mem>>)
        %dma_wait3A = arith.constant 0 : i32
        %dma_wait3A_50 = arith.constant 0 : i32
        %dma_wait3A_51 = tpu.memref_slice %arg8[%dma_wait3A, %dma_wait3A_50] : memref<101x128xi32, #tpu.memory_space<vmem>> -> memref<57x128xi32, #tpu.memory_space<vmem>>
        %dma_wait3A_52 = arith.constant 0 : i32
        %dma_wait3A_53 = arith.constant 0 : i32
        %dma_wait3A_54 = tpu.memref_slice %arg5[%arg1, %dma_wait3A_52, %dma_wait3A_53] : memref<16x57x128xi32, #tpu.memory_space<hbm>> -> memref<1x57x128xi32, #tpu.memory_space<hbm>>
        %dma_wait3A_55 = tpu.memref_squeeze %dma_wait3A_54 : memref<1x57x128xi32, #tpu.memory_space<hbm>> -> memref<57x128xi32, #tpu.memory_space<hbm>>
        %dma_wait3A_56 = arith.constant 0 : i32
        %dma_wait3A_57 = arith.constant 0 : i32
        %dma_wait3A_58 = tpu.memref_slice %arg8[%dma_wait3A_56, %dma_wait3A_57] : memref<101x128xi32, #tpu.memory_space<vmem>> -> memref<57x128xi32, #tpu.memory_space<vmem>>
        %dma_wait3A_59 = arith.constant 0 : i32
        %dma_wait3A_60 = arith.constant 0 : i32
        %dma_wait3A_61 = tpu.memref_slice %arg5[%arg1, %dma_wait3A_59, %dma_wait3A_60] : memref<16x57x128xi32, #tpu.memory_space<hbm>> -> memref<1x57x128xi32, #tpu.memory_space<hbm>>
        %dma_wait3A_62 = tpu.memref_squeeze %dma_wait3A_61 : memref<1x57x128xi32, #tpu.memory_space<hbm>> -> memref<57x128xi32, #tpu.memory_space<hbm>>
        tpu.wait_dma2 semaphore(%run_scoped3A : memref<!tpu.dma_semaphore, #tpu.memory_space<semaphore_mem>>) src(%dma_wait3A_62 : memref<57x128xi32, #tpu.memory_space<hbm>>) dst(%dma_wait3A_58 : memref<57x128xi32, #tpu.memory_space<vmem>>)
        tpu.yield
      }) : () -> ()
      "tpu.region"() ({
        %run_scoped3A = tpu.sem_alloc : memref<!tpu.dma_semaphore, #tpu.memory_space<semaphore_mem>>
        %dma_start3A = arith.constant 0 : i32
        %dma_start3A_37 = arith.constant 0 : i32
        %dma_start3A_38 = tpu.memref_slice %arg9[%dma_start3A, %dma_start3A_37] : memref<101x128xi32, #tpu.memory_space<vmem>> -> memref<57x128xi32, #tpu.memory_space<vmem>>
        %dma_start3A_39 = arith.constant 0 : i32
        %dma_start3A_40 = arith.constant 0 : i32
        %dma_start3A_41 = tpu.memref_slice %arg6[%arg1, %dma_start3A_39, %dma_start3A_40] : memref<16x57x128xi32, #tpu.memory_space<hbm>> -> memref<1x57x128xi32, #tpu.memory_space<hbm>>
        %dma_start3A_42 = tpu.memref_squeeze %dma_start3A_41 : memref<1x57x128xi32, #tpu.memory_space<hbm>> -> memref<57x128xi32, #tpu.memory_space<hbm>>
        %dma_start3A_43 = arith.constant 0 : i32
        %dma_start3A_44 = arith.constant 0 : i32
        %dma_start3A_45 = tpu.memref_slice %arg9[%dma_start3A_43, %dma_start3A_44] : memref<101x128xi32, #tpu.memory_space<vmem>> -> memref<57x128xi32, #tpu.memory_space<vmem>>
        %dma_start3A_46 = arith.constant 0 : i32
        %dma_start3A_47 = arith.constant 0 : i32
        %dma_start3A_48 = tpu.memref_slice %arg6[%arg1, %dma_start3A_46, %dma_start3A_47] : memref<16x57x128xi32, #tpu.memory_space<hbm>> -> memref<1x57x128xi32, #tpu.memory_space<hbm>>
        %dma_start3A_49 = tpu.memref_squeeze %dma_start3A_48 : memref<1x57x128xi32, #tpu.memory_space<hbm>> -> memref<57x128xi32, #tpu.memory_space<hbm>>
        tpu.enqueue_dma source(%dma_start3A_49 : memref<57x128xi32, #tpu.memory_space<hbm>>) target(%dma_start3A_45 : memref<57x128xi32, #tpu.memory_space<vmem>>) target_semaphore(%run_scoped3A : memref<!tpu.dma_semaphore, #tpu.memory_space<semaphore_mem>>)
        %dma_wait3A = arith.constant 0 : i32
        %dma_wait3A_50 = arith.constant 0 : i32
        %dma_wait3A_51 = tpu.memref_slice %arg9[%dma_wait3A, %dma_wait3A_50] : memref<101x128xi32, #tpu.memory_space<vmem>> -> memref<57x128xi32, #tpu.memory_space<vmem>>
        %dma_wait3A_52 = arith.constant 0 : i32
        %dma_wait3A_53 = arith.constant 0 : i32
        %dma_wait3A_54 = tpu.memref_slice %arg6[%arg1, %dma_wait3A_52, %dma_wait3A_53] : memref<16x57x128xi32, #tpu.memory_space<hbm>> -> memref<1x57x128xi32, #tpu.memory_space<hbm>>
        %dma_wait3A_55 = tpu.memref_squeeze %dma_wait3A_54 : memref<1x57x128xi32, #tpu.memory_space<hbm>> -> memref<57x128xi32, #tpu.memory_space<hbm>>
        %dma_wait3A_56 = arith.constant 0 : i32
        %dma_wait3A_57 = arith.constant 0 : i32
        %dma_wait3A_58 = tpu.memref_slice %arg9[%dma_wait3A_56, %dma_wait3A_57] : memref<101x128xi32, #tpu.memory_space<vmem>> -> memref<57x128xi32, #tpu.memory_space<vmem>>
        %dma_wait3A_59 = arith.constant 0 : i32
        %dma_wait3A_60 = arith.constant 0 : i32
        %dma_wait3A_61 = tpu.memref_slice %arg6[%arg1, %dma_wait3A_59, %dma_wait3A_60] : memref<16x57x128xi32, #tpu.memory_space<hbm>> -> memref<1x57x128xi32, #tpu.memory_space<hbm>>
        %dma_wait3A_62 = tpu.memref_squeeze %dma_wait3A_61 : memref<1x57x128xi32, #tpu.memory_space<hbm>> -> memref<57x128xi32, #tpu.memory_space<hbm>>
        tpu.wait_dma2 semaphore(%run_scoped3A : memref<!tpu.dma_semaphore, #tpu.memory_space<semaphore_mem>>) src(%dma_wait3A_62 : memref<57x128xi32, #tpu.memory_space<hbm>>) dst(%dma_wait3A_58 : memref<57x128xi32, #tpu.memory_space<vmem>>)
        tpu.yield
      }) : () -> ()
    } else {
    }
    %barrier3A = arith.constant 0 : index
    tpu.barrier barrier_id(%barrier3A)
    %eq3A_15 = arith.constant 0 : i32
    %eq3A_16 = arith.cmpi eq, %arg0, %eq3A_15 : i32
    %jit3A = arith.constant 101 : i32
    %jit3A_17 = arith.constant 57 : i32
    %select_n3A = arith.select %eq3A_16, %jit3A, %jit3A_17 : i32
    %while3A = arith.constant 0 : i32
    %while3A_18 = arith.constant 0 : i32
    %while3A_19 = arith.subi %select_n3A, %while3A_18 : i32
    %while3A_20 = arith.addi %while3A_18, %while3A_19 : i32
    %while3A_21 = arith.constant 1 : i32
    %while3A_22 = arith.divsi %while3A_19, %while3A_21 : i32
    %while3A_23 = arith.muli %while3A_22, %while3A_21 : i32
    %while3A_24 = arith.addi %while3A_18, %while3A_23 : i32
    %while3A_25 = arith.constant 1 : i32
    scf.for %while3A_37 = %while3A_18 to %while3A_24 step %while3A_25  : i32 {
      %dma_start3A = arith.constant 0 : i32
      %dma_start3A_38 = tpu.memref_slice %arg8[%while3A_37, %dma_start3A] : memref<101x128xi32, #tpu.memory_space<vmem>> -> memref<1x128xi32, #tpu.memory_space<vmem>>
      %dma_start3A_39 = tpu.memref_squeeze %dma_start3A_38 : memref<1x128xi32, #tpu.memory_space<vmem>> -> memref<128xi32, #tpu.memory_space<vmem>>
      %dma_start3A_40 = arith.constant 0 : i32
      %dma_start3A_41 = arith.constant 0 : i32
      %dma_start3A_42 = tpu.memref_slice %arg2[%dma_start3A_40, %dma_start3A_41] : memref<10000x128xf32, #tpu.memory_space<hbm>> -> memref<10000x128xf32, #tpu.memory_space<hbm>>
      tpu.enqueue_indirect_dma source(%dma_start3A_42 : memref<10000x128xf32, #tpu.memory_space<hbm>>) target(%arg10 : memref<128x128xf32, #tpu.memory_space<vmem>>) offsets(%dma_start3A_39 : memref<128xi32, #tpu.memory_space<vmem>>) semaphore(%arg12 : memref<!tpu.dma_semaphore, #tpu.memory_space<semaphore_mem>>)
      %dma_wait3A = arith.constant 0 : i32
      %dma_wait3A_43 = tpu.memref_slice %arg8[%while3A_37, %dma_wait3A] : memref<101x128xi32, #tpu.memory_space<vmem>> -> memref<1x128xi32, #tpu.memory_space<vmem>>
      %dma_wait3A_44 = tpu.memref_squeeze %dma_wait3A_43 : memref<1x128xi32, #tpu.memory_space<vmem>> -> memref<128xi32, #tpu.memory_space<vmem>>
      %dma_wait3A_45 = arith.constant 0 : i32
      %dma_wait3A_46 = arith.constant 0 : i32
      %dma_wait3A_47 = tpu.memref_slice %arg2[%dma_wait3A_45, %dma_wait3A_46] : memref<10000x128xf32, #tpu.memory_space<hbm>> -> memref<10000x128xf32, #tpu.memory_space<hbm>>
      tpu.wait_indirect_dma semaphore(%arg12 : memref<!tpu.dma_semaphore, #tpu.memory_space<semaphore_mem>>) src(%dma_wait3A_47 : memref<10000x128xf32, #tpu.memory_space<hbm>>) dst(%arg10 : memref<128x128xf32, #tpu.memory_space<vmem>>)
      "tpu.region"() ({
        %run_scoped3A = tpu.sem_alloc : memref<!tpu.dma_semaphore, #tpu.memory_space<semaphore_mem>>
        %dma_start3A_48 = arith.constant 0 : i32
        %dma_start3A_49 = tpu.memref_slice %arg9[%while3A_37, %dma_start3A_48] : memref<101x128xi32, #tpu.memory_space<vmem>> -> memref<1x128xi32, #tpu.memory_space<vmem>>
        %dma_start3A_50 = tpu.memref_squeeze %dma_start3A_49 : memref<1x128xi32, #tpu.memory_space<vmem>> -> memref<128xi32, #tpu.memory_space<vmem>>
        %dma_start3A_51 = arith.constant 0 : i32
        %dma_start3A_52 = arith.constant 0 : i32
        %dma_start3A_53 = tpu.memref_slice %arg11[%dma_start3A_51, %dma_start3A_52] : memref<10008x128xf32, #tpu.memory_space<vmem_shared>> -> memref<10008x128xf32, #tpu.memory_space<vmem_shared>>
        tpu.enqueue_indirect_dma source(%arg10 : memref<128x128xf32, #tpu.memory_space<vmem>>) target(%dma_start3A_53 : memref<10008x128xf32, #tpu.memory_space<vmem_shared>>) offsets(%dma_start3A_50 : memref<128xi32, #tpu.memory_space<vmem>>) semaphore(%run_scoped3A : memref<!tpu.dma_semaphore, #tpu.memory_space<semaphore_mem>>) {add = true}
        %dma_wait3A_54 = arith.constant 0 : i32
        %dma_wait3A_55 = tpu.memref_slice %arg9[%while3A_37, %dma_wait3A_54] : memref<101x128xi32, #tpu.memory_space<vmem>> -> memref<1x128xi32, #tpu.memory_space<vmem>>
        %dma_wait3A_56 = tpu.memref_squeeze %dma_wait3A_55 : memref<1x128xi32, #tpu.memory_space<vmem>> -> memref<128xi32, #tpu.memory_space<vmem>>
        %dma_wait3A_57 = arith.constant 0 : i32
        %dma_wait3A_58 = arith.constant 0 : i32
        %dma_wait3A_59 = tpu.memref_slice %arg11[%dma_wait3A_57, %dma_wait3A_58] : memref<10008x128xf32, #tpu.memory_space<vmem_shared>> -> memref<10008x128xf32, #tpu.memory_space<vmem_shared>>
        tpu.wait_indirect_dma semaphore(%run_scoped3A : memref<!tpu.dma_semaphore, #tpu.memory_space<semaphore_mem>>) src(%arg10 : memref<128x128xf32, #tpu.memory_space<vmem>>) dst(%dma_wait3A_59 : memref<10008x128xf32, #tpu.memory_space<vmem_shared>>)
        tpu.yield
      }) : () -> ()
    }
    %while3A_26 = arith.constant 1 : i32
    scf.for %while3A_37 = %while3A_24 to %while3A_20 step %while3A_26  : i32 {
      %dma_start3A = arith.constant 0 : i32
      %dma_start3A_38 = tpu.memref_slice %arg8[%while3A_37, %dma_start3A] : memref<101x128xi32, #tpu.memory_space<vmem>> -> memref<1x128xi32, #tpu.memory_space<vmem>>
      %dma_start3A_39 = tpu.memref_squeeze %dma_start3A_38 : memref<1x128xi32, #tpu.memory_space<vmem>> -> memref<128xi32, #tpu.memory_space<vmem>>
      %dma_start3A_40 = arith.constant 0 : i32
      %dma_start3A_41 = arith.constant 0 : i32
      %dma_start3A_42 = tpu.memref_slice %arg2[%dma_start3A_40, %dma_start3A_41] : memref<10000x128xf32, #tpu.memory_space<hbm>> -> memref<10000x128xf32, #tpu.memory_space<hbm>>
      tpu.enqueue_indirect_dma source(%dma_start3A_42 : memref<10000x128xf32, #tpu.memory_space<hbm>>) target(%arg10 : memref<128x128xf32, #tpu.memory_space<vmem>>) offsets(%dma_start3A_39 : memref<128xi32, #tpu.memory_space<vmem>>) semaphore(%arg12 : memref<!tpu.dma_semaphore, #tpu.memory_space<semaphore_mem>>)
      %dma_wait3A = arith.constant 0 : i32
      %dma_wait3A_43 = tpu.memref_slice %arg8[%while3A_37, %dma_wait3A] : memref<101x128xi32, #tpu.memory_space<vmem>> -> memref<1x128xi32, #tpu.memory_space<vmem>>
      %dma_wait3A_44 = tpu.memref_squeeze %dma_wait3A_43 : memref<1x128xi32, #tpu.memory_space<vmem>> -> memref<128xi32, #tpu.memory_space<vmem>>
      %dma_wait3A_45 = arith.constant 0 : i32
      %dma_wait3A_46 = arith.constant 0 : i32
      %dma_wait3A_47 = tpu.memref_slice %arg2[%dma_wait3A_45, %dma_wait3A_46] : memref<10000x128xf32, #tpu.memory_space<hbm>> -> memref<10000x128xf32, #tpu.memory_space<hbm>>
      tpu.wait_indirect_dma semaphore(%arg12 : memref<!tpu.dma_semaphore, #tpu.memory_space<semaphore_mem>>) src(%dma_wait3A_47 : memref<10000x128xf32, #tpu.memory_space<hbm>>) dst(%arg10 : memref<128x128xf32, #tpu.memory_space<vmem>>)
      "tpu.region"() ({
        %run_scoped3A = tpu.sem_alloc : memref<!tpu.dma_semaphore, #tpu.memory_space<semaphore_mem>>
        %dma_start3A_48 = arith.constant 0 : i32
        %dma_start3A_49 = tpu.memref_slice %arg9[%while3A_37, %dma_start3A_48] : memref<101x128xi32, #tpu.memory_space<vmem>> -> memref<1x128xi32, #tpu.memory_space<vmem>>
        %dma_start3A_50 = tpu.memref_squeeze %dma_start3A_49 : memref<1x128xi32, #tpu.memory_space<vmem>> -> memref<128xi32, #tpu.memory_space<vmem>>
        %dma_start3A_51 = arith.constant 0 : i32
        %dma_start3A_52 = arith.constant 0 : i32
        %dma_start3A_53 = tpu.memref_slice %arg11[%dma_start3A_51, %dma_start3A_52] : memref<10008x128xf32, #tpu.memory_space<vmem_shared>> -> memref<10008x128xf32, #tpu.memory_space<vmem_shared>>
        tpu.enqueue_indirect_dma source(%arg10 : memref<128x128xf32, #tpu.memory_space<vmem>>) target(%dma_start3A_53 : memref<10008x128xf32, #tpu.memory_space<vmem_shared>>) offsets(%dma_start3A_50 : memref<128xi32, #tpu.memory_space<vmem>>) semaphore(%run_scoped3A : memref<!tpu.dma_semaphore, #tpu.memory_space<semaphore_mem>>) {add = true}
        %dma_wait3A_54 = arith.constant 0 : i32
        %dma_wait3A_55 = tpu.memref_slice %arg9[%while3A_37, %dma_wait3A_54] : memref<101x128xi32, #tpu.memory_space<vmem>> -> memref<1x128xi32, #tpu.memory_space<vmem>>
        %dma_wait3A_56 = tpu.memref_squeeze %dma_wait3A_55 : memref<1x128xi32, #tpu.memory_space<vmem>> -> memref<128xi32, #tpu.memory_space<vmem>>
        %dma_wait3A_57 = arith.constant 0 : i32
        %dma_wait3A_58 = arith.constant 0 : i32
        %dma_wait3A_59 = tpu.memref_slice %arg11[%dma_wait3A_57, %dma_wait3A_58] : memref<10008x128xf32, #tpu.memory_space<vmem_shared>> -> memref<10008x128xf32, #tpu.memory_space<vmem_shared>>
        tpu.wait_indirect_dma semaphore(%run_scoped3A : memref<!tpu.dma_semaphore, #tpu.memory_space<semaphore_mem>>) src(%arg10 : memref<128x128xf32, #tpu.memory_space<vmem>>) dst(%dma_wait3A_59 : memref<10008x128xf32, #tpu.memory_space<vmem_shared>>)
        tpu.yield
      }) : () -> ()
    }
    %barrier3A_27 = arith.constant 0 : index
    tpu.barrier barrier_id(%barrier3A_27)
    %mul3A_28 = arith.constant 624 : i32
    %mul3A_29 = arith.muli %arg1, %mul3A_28 : i32
    %mul3A_30 = arith.constant 624 : i32
    %mul3A_31 = arith.muli %arg1, %mul3A_30 : i32
    "tpu.region"() ({
      %run_scoped3A = tpu.sem_alloc : memref<!tpu.dma_semaphore, #tpu.memory_space<semaphore_mem>>
      %dma_start3A = arith.constant 0 : i32
      %dma_start3A_37 = arith.constant 0 : i32
      %dma_start3A_38 = tpu.memref_slice %arg7[%arg0, %dma_start3A, %dma_start3A_37] : memref<2x10000x128xf32, #tpu.memory_space<hbm>> -> memref<1x10000x128xf32, #tpu.memory_space<hbm>>
      %dma_start3A_39 = tpu.memref_squeeze %dma_start3A_38 : memref<1x10000x128xf32, #tpu.memory_space<hbm>> -> memref<10000x128xf32, #tpu.memory_space<hbm>>
      %dma_start3A_40 = arith.constant 0 : i32
      %dma_start3A_41 = tpu.memref_slice %dma_start3A_39[%mul3A_31, %dma_start3A_40] : memref<10000x128xf32, #tpu.memory_space<hbm>> -> memref<624x128xf32, #tpu.memory_space<hbm>>
      %dma_start3A_42 = arith.constant 0 : i32
      %dma_start3A_43 = tpu.memref_slice %arg11[%mul3A_29, %dma_start3A_42] : memref<10008x128xf32, #tpu.memory_space<vmem_shared>> -> memref<624x128xf32, #tpu.memory_space<vmem_shared>>
      tpu.enqueue_dma source(%dma_start3A_43 : memref<624x128xf32, #tpu.memory_space<vmem_shared>>) target(%dma_start3A_41 : memref<624x128xf32, #tpu.memory_space<hbm>>) target_semaphore(%run_scoped3A : memref<!tpu.dma_semaphore, #tpu.memory_space<semaphore_mem>>)
      %dma_wait3A = arith.constant 0 : i32
      %dma_wait3A_44 = arith.constant 0 : i32
      %dma_wait3A_45 = tpu.memref_slice %arg7[%arg0, %dma_wait3A, %dma_wait3A_44] : memref<2x10000x128xf32, #tpu.memory_space<hbm>> -> memref<1x10000x128xf32, #tpu.memory_space<hbm>>
      %dma_wait3A_46 = tpu.memref_squeeze %dma_wait3A_45 : memref<1x10000x128xf32, #tpu.memory_space<hbm>> -> memref<10000x128xf32, #tpu.memory_space<hbm>>
      %dma_wait3A_47 = arith.constant 0 : i32
      %dma_wait3A_48 = tpu.memref_slice %dma_wait3A_46[%mul3A_31, %dma_wait3A_47] : memref<10000x128xf32, #tpu.memory_space<hbm>> -> memref<624x128xf32, #tpu.memory_space<hbm>>
      %dma_wait3A_49 = arith.constant 0 : i32
      %dma_wait3A_50 = tpu.memref_slice %arg11[%mul3A_29, %dma_wait3A_49] : memref<10008x128xf32, #tpu.memory_space<vmem_shared>> -> memref<624x128xf32, #tpu.memory_space<vmem_shared>>
      tpu.wait_dma2 semaphore(%run_scoped3A : memref<!tpu.dma_semaphore, #tpu.memory_space<semaphore_mem>>) src(%dma_wait3A_50 : memref<624x128xf32, #tpu.memory_space<vmem_shared>>) dst(%dma_wait3A_48 : memref<624x128xf32, #tpu.memory_space<hbm>>)
      tpu.yield
    }) : () -> ()
    %eq3A_32 = arith.constant 15 : i32
    %eq3A_33 = arith.cmpi eq, %arg1, %eq3A_32 : i32
    %convert_element_type3A_34 = arith.extui %eq3A_33 : i1 to i32
    %cond3A_35 = arith.constant 0 : i32
    %cond3A_36 = arith.cmpi ne, %convert_element_type3A_34, %cond3A_35 : i32
    scf.if %cond3A_36 {
      "tpu.region"() ({
        %run_scoped3A = tpu.sem_alloc : memref<!tpu.dma_semaphore, #tpu.memory_space<semaphore_mem>>
        %dma_start3A = arith.constant 0 : i32
        %dma_start3A_37 = arith.constant 0 : i32
        %dma_start3A_38 = tpu.memref_slice %arg7[%arg0, %dma_start3A, %dma_start3A_37] : memref<2x10000x128xf32, #tpu.memory_space<hbm>> -> memref<1x10000x128xf32, #tpu.memory_space<hbm>>
        %dma_start3A_39 = tpu.memref_squeeze %dma_start3A_38 : memref<1x10000x128xf32, #tpu.memory_space<hbm>> -> memref<10000x128xf32, #tpu.memory_space<hbm>>
        %dma_start3A_40 = arith.constant 9984 : i32
        %dma_start3A_41 = arith.constant 0 : i32
        %dma_start3A_42 = tpu.memref_slice %dma_start3A_39[%dma_start3A_40, %dma_start3A_41] : memref<10000x128xf32, #tpu.memory_space<hbm>> -> memref<16x128xf32, #tpu.memory_space<hbm>>
        %dma_start3A_43 = arith.constant 9984 : i32
        %dma_start3A_44 = arith.constant 0 : i32
        %dma_start3A_45 = tpu.memref_slice %arg11[%dma_start3A_43, %dma_start3A_44] : memref<10008x128xf32, #tpu.memory_space<vmem_shared>> -> memref<16x128xf32, #tpu.memory_space<vmem_shared>>
        tpu.enqueue_dma source(%dma_start3A_45 : memref<16x128xf32, #tpu.memory_space<vmem_shared>>) target(%dma_start3A_42 : memref<16x128xf32, #tpu.memory_space<hbm>>) target_semaphore(%run_scoped3A : memref<!tpu.dma_semaphore, #tpu.memory_space<semaphore_mem>>)
        %dma_wait3A = arith.constant 0 : i32
        %dma_wait3A_46 = arith.constant 0 : i32
        %dma_wait3A_47 = tpu.memref_slice %arg7[%arg0, %dma_wait3A, %dma_wait3A_46] : memref<2x10000x128xf32, #tpu.memory_space<hbm>> -> memref<1x10000x128xf32, #tpu.memory_space<hbm>>
        %dma_wait3A_48 = tpu.memref_squeeze %dma_wait3A_47 : memref<1x10000x128xf32, #tpu.memory_space<hbm>> -> memref<10000x128xf32, #tpu.memory_space<hbm>>
        %dma_wait3A_49 = arith.constant 9984 : i32
        %dma_wait3A_50 = arith.constant 0 : i32
        %dma_wait3A_51 = tpu.memref_slice %dma_wait3A_48[%dma_wait3A_49, %dma_wait3A_50] : memref<10000x128xf32, #tpu.memory_space<hbm>> -> memref<16x128xf32, #tpu.memory_space<hbm>>
        %dma_wait3A_52 = arith.constant 9984 : i32
        %dma_wait3A_53 = arith.constant 0 : i32
        %dma_wait3A_54 = tpu.memref_slice %arg11[%dma_wait3A_52, %dma_wait3A_53] : memref<10008x128xf32, #tpu.memory_space<vmem_shared>> -> memref<16x128xf32, #tpu.memory_space<vmem_shared>>
        tpu.wait_dma2 semaphore(%run_scoped3A : memref<!tpu.dma_semaphore, #tpu.memory_space<semaphore_mem>>) src(%dma_wait3A_54 : memref<16x128xf32, #tpu.memory_space<vmem_shared>>) dst(%dma_wait3A_51 : memref<16x128xf32, #tpu.memory_space<hbm>>)
        tpu.yield
      }) : () -> ()
    } else {
    }
    return
  }
}

#map = affine_map<(d0, d1) -> (0, 0, 0)>
module attributes {stable_mosaic.version = 14 : i64} {
  func.func @_sc_degree(%arg0: i32, %arg1: i32, %arg2: memref<32x79x128xi32, #tpu.memory_space<hbm>>, %arg3: memref<2x128x128xf32, #tpu.memory_space<hbm>>, %arg4: memref<79x128xi32, #tpu.memory_space<vmem>>, %arg5: memref<1024xf32, #tpu.memory_space<vmem>>, %arg6: memref<128xf32, #tpu.memory_space<vmem>>, %arg7: memref<8x128xf32, #tpu.memory_space<vmem>>, %arg8: memref<16384xf32, #tpu.memory_space<vmem_shared>>) attributes {dimension_semantics = [#tpu.dimension_semantics<core_parallel>, #tpu.dimension_semantics<subcore_parallel>], iteration_bounds = array<i64: 2, 16>, scalar_prefetch = 0 : i64, scratch_operands = 5 : i64, tpu.core_type = #tpu.core_type<sc_vector_subcore>, window_params = [{transform_indices = #map}, {transform_indices = #map}]} {
    %mul3A = arith.constant 2 : i32
    %mul3A_0 = arith.muli %arg1, %mul3A : i32
    %add3A = arith.addi %mul3A_0, %arg0 : i32
    %broadcast_in_dim3A = arith.constant 1.000000e+00 : f32
    %broadcast_in_dim3A_1 = vector.broadcast %broadcast_in_dim3A : f32 to vector<16xf32>
    %swap3A = arith.constant 0 : index
    %swap3A_2 = tpu.vector_load %arg5[%swap3A] {strides = array<i32>} : memref<1024xf32, #tpu.memory_space<vmem>>, vector<16xf32>,
    %swap3A_3 = vector.shape_cast %swap3A_2 : vector<16xf32> to vector<16xf32>
    %swap3A_4 = vector.shape_cast %broadcast_in_dim3A_1 : vector<16xf32> to vector<16xf32>
    tpu.vector_store %arg5[%swap3A], %swap3A_4 {strides = array<i32>} : memref<1024xf32, #tpu.memory_space<vmem>>, vector<16xf32>,
    %broadcast_in_dim3A_5 = arith.constant 1.000000e+00 : f32
    %broadcast_in_dim3A_6 = vector.broadcast %broadcast_in_dim3A_5 : f32 to vector<16xf32>
    %swap3A_7 = arith.constant 16 : index
    %swap3A_8 = tpu.vector_load %arg5[%swap3A_7] {strides = array<i32>} : memref<1024xf32, #tpu.memory_space<vmem>>, vector<16xf32>,
    %swap3A_9 = vector.shape_cast %swap3A_8 : vector<16xf32> to vector<16xf32>
    %swap3A_10 = vector.shape_cast %broadcast_in_dim3A_6 : vector<16xf32> to vector<16xf32>
    tpu.vector_store %arg5[%swap3A_7], %swap3A_10 {strides = array<i32>} : memref<1024xf32, #tpu.memory_space<vmem>>, vector<16xf32>,
    %broadcast_in_dim3A_11 = arith.constant 1.000000e+00 : f32
    %broadcast_in_dim3A_12 = vector.broadcast %broadcast_in_dim3A_11 : f32 to vector<16xf32>
    %swap3A_13 = arith.constant 32 : index
    %swap3A_14 = tpu.vector_load %arg5[%swap3A_13] {strides = array<i32>} : memref<1024xf32, #tpu.memory_space<vmem>>, vector<16xf32>,
    %swap3A_15 = vector.shape_cast %swap3A_14 : vector<16xf32> to vector<16xf32>
    %swap3A_16 = vector.shape_cast %broadcast_in_dim3A_12 : vector<16xf32> to vector<16xf32>
    tpu.vector_store %arg5[%swap3A_13], %swap3A_16 {strides = array<i32>} : memref<1024xf32, #tpu.memory_space<vmem>>, vector<16xf32>,
    %broadcast_in_dim3A_17 = arith.constant 1.000000e+00 : f32
    %broadcast_in_dim3A_18 = vector.broadcast %broadcast_in_dim3A_17 : f32 to vector<16xf32>
    %swap3A_19 = arith.constant 48 : index
    %swap3A_20 = tpu.vector_load %arg5[%swap3A_19] {strides = array<i32>} : memref<1024xf32, #tpu.memory_space<vmem>>, vector<16xf32>,
    %swap3A_21 = vector.shape_cast %swap3A_20 : vector<16xf32> to vector<16xf32>
    %swap3A_22 = vector.shape_cast %broadcast_in_dim3A_18 : vector<16xf32> to vector<16xf32>
    tpu.vector_store %arg5[%swap3A_19], %swap3A_22 {strides = array<i32>} : memref<1024xf32, #tpu.memory_space<vmem>>, vector<16xf32>,
    %broadcast_in_dim3A_23 = arith.constant 1.000000e+00 : f32
    %broadcast_in_dim3A_24 = vector.broadcast %broadcast_in_dim3A_23 : f32 to vector<16xf32>
    %swap3A_25 = arith.constant 64 : index
    %swap3A_26 = tpu.vector_load %arg5[%swap3A_25] {strides = array<i32>} : memref<1024xf32, #tpu.memory_space<vmem>>, vector<16xf32>,
    %swap3A_27 = vector.shape_cast %swap3A_26 : vector<16xf32> to vector<16xf32>
    %swap3A_28 = vector.shape_cast %broadcast_in_dim3A_24 : vector<16xf32> to vector<16xf32>
    tpu.vector_store %arg5[%swap3A_25], %swap3A_28 {strides = array<i32>} : memref<1024xf32, #tpu.memory_space<vmem>>, vector<16xf32>,
    %broadcast_in_dim3A_29 = arith.constant 1.000000e+00 : f32
    %broadcast_in_dim3A_30 = vector.broadcast %broadcast_in_dim3A_29 : f32 to vector<16xf32>
    %swap3A_31 = arith.constant 80 : index
    %swap3A_32 = tpu.vector_load %arg5[%swap3A_31] {strides = array<i32>} : memref<1024xf32, #tpu.memory_space<vmem>>, vector<16xf32>,
    %swap3A_33 = vector.shape_cast %swap3A_32 : vector<16xf32> to vector<16xf32>
    %swap3A_34 = vector.shape_cast %broadcast_in_dim3A_30 : vector<16xf32> to vector<16xf32>
    tpu.vector_store %arg5[%swap3A_31], %swap3A_34 {strides = array<i32>} : memref<1024xf32, #tpu.memory_space<vmem>>, vector<16xf32>,
    %broadcast_in_dim3A_35 = arith.constant 1.000000e+00 : f32
    %broadcast_in_dim3A_36 = vector.broadcast %broadcast_in_dim3A_35 : f32 to vector<16xf32>
    %swap3A_37 = arith.constant 96 : index
    %swap3A_38 = tpu.vector_load %arg5[%swap3A_37] {strides = array<i32>} : memref<1024xf32, #tpu.memory_space<vmem>>, vector<16xf32>,
    %swap3A_39 = vector.shape_cast %swap3A_38 : vector<16xf32> to vector<16xf32>
    %swap3A_40 = vector.shape_cast %broadcast_in_dim3A_36 : vector<16xf32> to vector<16xf32>
    tpu.vector_store %arg5[%swap3A_37], %swap3A_40 {strides = array<i32>} : memref<1024xf32, #tpu.memory_space<vmem>>, vector<16xf32>,
    %broadcast_in_dim3A_41 = arith.constant 1.000000e+00 : f32
    %broadcast_in_dim3A_42 = vector.broadcast %broadcast_in_dim3A_41 : f32 to vector<16xf32>
    %swap3A_43 = arith.constant 112 : index
    %swap3A_44 = tpu.vector_load %arg5[%swap3A_43] {strides = array<i32>} : memref<1024xf32, #tpu.memory_space<vmem>>, vector<16xf32>,
    %swap3A_45 = vector.shape_cast %swap3A_44 : vector<16xf32> to vector<16xf32>
    %swap3A_46 = vector.shape_cast %broadcast_in_dim3A_42 : vector<16xf32> to vector<16xf32>
    tpu.vector_store %arg5[%swap3A_43], %swap3A_46 {strides = array<i32>} : memref<1024xf32, #tpu.memory_space<vmem>>, vector<16xf32>,
    %broadcast_in_dim3A_47 = arith.constant 1.000000e+00 : f32
    %broadcast_in_dim3A_48 = vector.broadcast %broadcast_in_dim3A_47 : f32 to vector<16xf32>
    %swap3A_49 = arith.constant 128 : index
    %swap3A_50 = tpu.vector_load %arg5[%swap3A_49] {strides = array<i32>} : memref<1024xf32, #tpu.memory_space<vmem>>, vector<16xf32>,
    %swap3A_51 = vector.shape_cast %swap3A_50 : vector<16xf32> to vector<16xf32>
    %swap3A_52 = vector.shape_cast %broadcast_in_dim3A_48 : vector<16xf32> to vector<16xf32>
    tpu.vector_store %arg5[%swap3A_49], %swap3A_52 {strides = array<i32>} : memref<1024xf32, #tpu.memory_space<vmem>>, vector<16xf32>,
    %broadcast_in_dim3A_53 = arith.constant 1.000000e+00 : f32
    %broadcast_in_dim3A_54 = vector.broadcast %broadcast_in_dim3A_53 : f32 to vector<16xf32>
    %swap3A_55 = arith.constant 144 : index
    %swap3A_56 = tpu.vector_load %arg5[%swap3A_55] {strides = array<i32>} : memref<1024xf32, #tpu.memory_space<vmem>>, vector<16xf32>,
    %swap3A_57 = vector.shape_cast %swap3A_56 : vector<16xf32> to vector<16xf32>
    %swap3A_58 = vector.shape_cast %broadcast_in_dim3A_54 : vector<16xf32> to vector<16xf32>
    tpu.vector_store %arg5[%swap3A_55], %swap3A_58 {strides = array<i32>} : memref<1024xf32, #tpu.memory_space<vmem>>, vector<16xf32>,
    %broadcast_in_dim3A_59 = arith.constant 1.000000e+00 : f32
    %broadcast_in_dim3A_60 = vector.broadcast %broadcast_in_dim3A_59 : f32 to vector<16xf32>
    %swap3A_61 = arith.constant 160 : index
    %swap3A_62 = tpu.vector_load %arg5[%swap3A_61] {strides = array<i32>} : memref<1024xf32, #tpu.memory_space<vmem>>, vector<16xf32>,
    %swap3A_63 = vector.shape_cast %swap3A_62 : vector<16xf32> to vector<16xf32>
    %swap3A_64 = vector.shape_cast %broadcast_in_dim3A_60 : vector<16xf32> to vector<16xf32>
    tpu.vector_store %arg5[%swap3A_61], %swap3A_64 {strides = array<i32>} : memref<1024xf32, #tpu.memory_space<vmem>>, vector<16xf32>,
    %broadcast_in_dim3A_65 = arith.constant 1.000000e+00 : f32
    %broadcast_in_dim3A_66 = vector.broadcast %broadcast_in_dim3A_65 : f32 to vector<16xf32>
    %swap3A_67 = arith.constant 176 : index
    %swap3A_68 = tpu.vector_load %arg5[%swap3A_67] {strides = array<i32>} : memref<1024xf32, #tpu.memory_space<vmem>>, vector<16xf32>,
    %swap3A_69 = vector.shape_cast %swap3A_68 : vector<16xf32> to vector<16xf32>
    %swap3A_70 = vector.shape_cast %broadcast_in_dim3A_66 : vector<16xf32> to vector<16xf32>
    tpu.vector_store %arg5[%swap3A_67], %swap3A_70 {strides = array<i32>} : memref<1024xf32, #tpu.memory_space<vmem>>, vector<16xf32>,
    %broadcast_in_dim3A_71 = arith.constant 1.000000e+00 : f32
    %broadcast_in_dim3A_72 = vector.broadcast %broadcast_in_dim3A_71 : f32 to vector<16xf32>
    %swap3A_73 = arith.constant 192 : index
    %swap3A_74 = tpu.vector_load %arg5[%swap3A_73] {strides = array<i32>} : memref<1024xf32, #tpu.memory_space<vmem>>, vector<16xf32>,
    %swap3A_75 = vector.shape_cast %swap3A_74 : vector<16xf32> to vector<16xf32>
    %swap3A_76 = vector.shape_cast %broadcast_in_dim3A_72 : vector<16xf32> to vector<16xf32>
    tpu.vector_store %arg5[%swap3A_73], %swap3A_76 {strides = array<i32>} : memref<1024xf32, #tpu.memory_space<vmem>>, vector<16xf32>,
    %broadcast_in_dim3A_77 = arith.constant 1.000000e+00 : f32
    %broadcast_in_dim3A_78 = vector.broadcast %broadcast_in_dim3A_77 : f32 to vector<16xf32>
    %swap3A_79 = arith.constant 208 : index
    %swap3A_80 = tpu.vector_load %arg5[%swap3A_79] {strides = array<i32>} : memref<1024xf32, #tpu.memory_space<vmem>>, vector<16xf32>,
    %swap3A_81 = vector.shape_cast %swap3A_80 : vector<16xf32> to vector<16xf32>
    %swap3A_82 = vector.shape_cast %broadcast_in_dim3A_78 : vector<16xf32> to vector<16xf32>
    tpu.vector_store %arg5[%swap3A_79], %swap3A_82 {strides = array<i32>} : memref<1024xf32, #tpu.memory_space<vmem>>, vector<16xf32>,
    %broadcast_in_dim3A_83 = arith.constant 1.000000e+00 : f32
    %broadcast_in_dim3A_84 = vector.broadcast %broadcast_in_dim3A_83 : f32 to vector<16xf32>
    %swap3A_85 = arith.constant 224 : index
    %swap3A_86 = tpu.vector_load %arg5[%swap3A_85] {strides = array<i32>} : memref<1024xf32, #tpu.memory_space<vmem>>, vector<16xf32>,
    %swap3A_87 = vector.shape_cast %swap3A_86 : vector<16xf32> to vector<16xf32>
    %swap3A_88 = vector.shape_cast %broadcast_in_dim3A_84 : vector<16xf32> to vector<16xf32>
    tpu.vector_store %arg5[%swap3A_85], %swap3A_88 {strides = array<i32>} : memref<1024xf32, #tpu.memory_space<vmem>>, vector<16xf32>,
    %broadcast_in_dim3A_89 = arith.constant 1.000000e+00 : f32
    %broadcast_in_dim3A_90 = vector.broadcast %broadcast_in_dim3A_89 : f32 to vector<16xf32>
    %swap3A_91 = arith.constant 240 : index
    %swap3A_92 = tpu.vector_load %arg5[%swap3A_91] {strides = array<i32>} : memref<1024xf32, #tpu.memory_space<vmem>>, vector<16xf32>,
    %swap3A_93 = vector.shape_cast %swap3A_92 : vector<16xf32> to vector<16xf32>
    %swap3A_94 = vector.shape_cast %broadcast_in_dim3A_90 : vector<16xf32> to vector<16xf32>
    tpu.vector_store %arg5[%swap3A_91], %swap3A_94 {strides = array<i32>} : memref<1024xf32, #tpu.memory_space<vmem>>, vector<16xf32>,
    %broadcast_in_dim3A_95 = arith.constant 1.000000e+00 : f32
    %broadcast_in_dim3A_96 = vector.broadcast %broadcast_in_dim3A_95 : f32 to vector<16xf32>
    %swap3A_97 = arith.constant 256 : index
    %swap3A_98 = tpu.vector_load %arg5[%swap3A_97] {strides = array<i32>} : memref<1024xf32, #tpu.memory_space<vmem>>, vector<16xf32>,
    %swap3A_99 = vector.shape_cast %swap3A_98 : vector<16xf32> to vector<16xf32>
    %swap3A_100 = vector.shape_cast %broadcast_in_dim3A_96 : vector<16xf32> to vector<16xf32>
    tpu.vector_store %arg5[%swap3A_97], %swap3A_100 {strides = array<i32>} : memref<1024xf32, #tpu.memory_space<vmem>>, vector<16xf32>,
    %broadcast_in_dim3A_101 = arith.constant 1.000000e+00 : f32
    %broadcast_in_dim3A_102 = vector.broadcast %broadcast_in_dim3A_101 : f32 to vector<16xf32>
    %swap3A_103 = arith.constant 272 : index
    %swap3A_104 = tpu.vector_load %arg5[%swap3A_103] {strides = array<i32>} : memref<1024xf32, #tpu.memory_space<vmem>>, vector<16xf32>,
    %swap3A_105 = vector.shape_cast %swap3A_104 : vector<16xf32> to vector<16xf32>
    %swap3A_106 = vector.shape_cast %broadcast_in_dim3A_102 : vector<16xf32> to vector<16xf32>
    tpu.vector_store %arg5[%swap3A_103], %swap3A_106 {strides = array<i32>} : memref<1024xf32, #tpu.memory_space<vmem>>, vector<16xf32>,
    %broadcast_in_dim3A_107 = arith.constant 1.000000e+00 : f32
    %broadcast_in_dim3A_108 = vector.broadcast %broadcast_in_dim3A_107 : f32 to vector<16xf32>
    %swap3A_109 = arith.constant 288 : index
    %swap3A_110 = tpu.vector_load %arg5[%swap3A_109] {strides = array<i32>} : memref<1024xf32, #tpu.memory_space<vmem>>, vector<16xf32>,
    %swap3A_111 = vector.shape_cast %swap3A_110 : vector<16xf32> to vector<16xf32>
    %swap3A_112 = vector.shape_cast %broadcast_in_dim3A_108 : vector<16xf32> to vector<16xf32>
    tpu.vector_store %arg5[%swap3A_109], %swap3A_112 {strides = array<i32>} : memref<1024xf32, #tpu.memory_space<vmem>>, vector<16xf32>,
    %broadcast_in_dim3A_113 = arith.constant 1.000000e+00 : f32
    %broadcast_in_dim3A_114 = vector.broadcast %broadcast_in_dim3A_113 : f32 to vector<16xf32>
    %swap3A_115 = arith.constant 304 : index
    %swap3A_116 = tpu.vector_load %arg5[%swap3A_115] {strides = array<i32>} : memref<1024xf32, #tpu.memory_space<vmem>>, vector<16xf32>,
    %swap3A_117 = vector.shape_cast %swap3A_116 : vector<16xf32> to vector<16xf32>
    %swap3A_118 = vector.shape_cast %broadcast_in_dim3A_114 : vector<16xf32> to vector<16xf32>
    tpu.vector_store %arg5[%swap3A_115], %swap3A_118 {strides = array<i32>} : memref<1024xf32, #tpu.memory_space<vmem>>, vector<16xf32>,
    %broadcast_in_dim3A_119 = arith.constant 1.000000e+00 : f32
    %broadcast_in_dim3A_120 = vector.broadcast %broadcast_in_dim3A_119 : f32 to vector<16xf32>
    %swap3A_121 = arith.constant 320 : index
    %swap3A_122 = tpu.vector_load %arg5[%swap3A_121] {strides = array<i32>} : memref<1024xf32, #tpu.memory_space<vmem>>, vector<16xf32>,
    %swap3A_123 = vector.shape_cast %swap3A_122 : vector<16xf32> to vector<16xf32>
    %swap3A_124 = vector.shape_cast %broadcast_in_dim3A_120 : vector<16xf32> to vector<16xf32>
    tpu.vector_store %arg5[%swap3A_121], %swap3A_124 {strides = array<i32>} : memref<1024xf32, #tpu.memory_space<vmem>>, vector<16xf32>,
    %broadcast_in_dim3A_125 = arith.constant 1.000000e+00 : f32
    %broadcast_in_dim3A_126 = vector.broadcast %broadcast_in_dim3A_125 : f32 to vector<16xf32>
    %swap3A_127 = arith.constant 336 : index
    %swap3A_128 = tpu.vector_load %arg5[%swap3A_127] {strides = array<i32>} : memref<1024xf32, #tpu.memory_space<vmem>>, vector<16xf32>,
    %swap3A_129 = vector.shape_cast %swap3A_128 : vector<16xf32> to vector<16xf32>
    %swap3A_130 = vector.shape_cast %broadcast_in_dim3A_126 : vector<16xf32> to vector<16xf32>
    tpu.vector_store %arg5[%swap3A_127], %swap3A_130 {strides = array<i32>} : memref<1024xf32, #tpu.memory_space<vmem>>, vector<16xf32>,
    %broadcast_in_dim3A_131 = arith.constant 1.000000e+00 : f32
    %broadcast_in_dim3A_132 = vector.broadcast %broadcast_in_dim3A_131 : f32 to vector<16xf32>
    %swap3A_133 = arith.constant 352 : index
    %swap3A_134 = tpu.vector_load %arg5[%swap3A_133] {strides = array<i32>} : memref<1024xf32, #tpu.memory_space<vmem>>, vector<16xf32>,
    %swap3A_135 = vector.shape_cast %swap3A_134 : vector<16xf32> to vector<16xf32>
    %swap3A_136 = vector.shape_cast %broadcast_in_dim3A_132 : vector<16xf32> to vector<16xf32>
    tpu.vector_store %arg5[%swap3A_133], %swap3A_136 {strides = array<i32>} : memref<1024xf32, #tpu.memory_space<vmem>>, vector<16xf32>,
    %broadcast_in_dim3A_137 = arith.constant 1.000000e+00 : f32
    %broadcast_in_dim3A_138 = vector.broadcast %broadcast_in_dim3A_137 : f32 to vector<16xf32>
    %swap3A_139 = arith.constant 368 : index
    %swap3A_140 = tpu.vector_load %arg5[%swap3A_139] {strides = array<i32>} : memref<1024xf32, #tpu.memory_space<vmem>>, vector<16xf32>,
    %swap3A_141 = vector.shape_cast %swap3A_140 : vector<16xf32> to vector<16xf32>
    %swap3A_142 = vector.shape_cast %broadcast_in_dim3A_138 : vector<16xf32> to vector<16xf32>
    tpu.vector_store %arg5[%swap3A_139], %swap3A_142 {strides = array<i32>} : memref<1024xf32, #tpu.memory_space<vmem>>, vector<16xf32>,
    %broadcast_in_dim3A_143 = arith.constant 1.000000e+00 : f32
    %broadcast_in_dim3A_144 = vector.broadcast %broadcast_in_dim3A_143 : f32 to vector<16xf32>
    %swap3A_145 = arith.constant 384 : index
    %swap3A_146 = tpu.vector_load %arg5[%swap3A_145] {strides = array<i32>} : memref<1024xf32, #tpu.memory_space<vmem>>, vector<16xf32>,
    %swap3A_147 = vector.shape_cast %swap3A_146 : vector<16xf32> to vector<16xf32>
    %swap3A_148 = vector.shape_cast %broadcast_in_dim3A_144 : vector<16xf32> to vector<16xf32>
    tpu.vector_store %arg5[%swap3A_145], %swap3A_148 {strides = array<i32>} : memref<1024xf32, #tpu.memory_space<vmem>>, vector<16xf32>,
    %broadcast_in_dim3A_149 = arith.constant 1.000000e+00 : f32
    %broadcast_in_dim3A_150 = vector.broadcast %broadcast_in_dim3A_149 : f32 to vector<16xf32>
    %swap3A_151 = arith.constant 400 : index
    %swap3A_152 = tpu.vector_load %arg5[%swap3A_151] {strides = array<i32>} : memref<1024xf32, #tpu.memory_space<vmem>>, vector<16xf32>,
    %swap3A_153 = vector.shape_cast %swap3A_152 : vector<16xf32> to vector<16xf32>
    %swap3A_154 = vector.shape_cast %broadcast_in_dim3A_150 : vector<16xf32> to vector<16xf32>
    tpu.vector_store %arg5[%swap3A_151], %swap3A_154 {strides = array<i32>} : memref<1024xf32, #tpu.memory_space<vmem>>, vector<16xf32>,
    %broadcast_in_dim3A_155 = arith.constant 1.000000e+00 : f32
    %broadcast_in_dim3A_156 = vector.broadcast %broadcast_in_dim3A_155 : f32 to vector<16xf32>
    %swap3A_157 = arith.constant 416 : index
    %swap3A_158 = tpu.vector_load %arg5[%swap3A_157] {strides = array<i32>} : memref<1024xf32, #tpu.memory_space<vmem>>, vector<16xf32>,
    %swap3A_159 = vector.shape_cast %swap3A_158 : vector<16xf32> to vector<16xf32>
    %swap3A_160 = vector.shape_cast %broadcast_in_dim3A_156 : vector<16xf32> to vector<16xf32>
    tpu.vector_store %arg5[%swap3A_157], %swap3A_160 {strides = array<i32>} : memref<1024xf32, #tpu.memory_space<vmem>>, vector<16xf32>,
    %broadcast_in_dim3A_161 = arith.constant 1.000000e+00 : f32
    %broadcast_in_dim3A_162 = vector.broadcast %broadcast_in_dim3A_161 : f32 to vector<16xf32>
    %swap3A_163 = arith.constant 432 : index
    %swap3A_164 = tpu.vector_load %arg5[%swap3A_163] {strides = array<i32>} : memref<1024xf32, #tpu.memory_space<vmem>>, vector<16xf32>,
    %swap3A_165 = vector.shape_cast %swap3A_164 : vector<16xf32> to vector<16xf32>
    %swap3A_166 = vector.shape_cast %broadcast_in_dim3A_162 : vector<16xf32> to vector<16xf32>
    tpu.vector_store %arg5[%swap3A_163], %swap3A_166 {strides = array<i32>} : memref<1024xf32, #tpu.memory_space<vmem>>, vector<16xf32>,
    %broadcast_in_dim3A_167 = arith.constant 1.000000e+00 : f32
    %broadcast_in_dim3A_168 = vector.broadcast %broadcast_in_dim3A_167 : f32 to vector<16xf32>
    %swap3A_169 = arith.constant 448 : index
    %swap3A_170 = tpu.vector_load %arg5[%swap3A_169] {strides = array<i32>} : memref<1024xf32, #tpu.memory_space<vmem>>, vector<16xf32>,
    %swap3A_171 = vector.shape_cast %swap3A_170 : vector<16xf32> to vector<16xf32>
    %swap3A_172 = vector.shape_cast %broadcast_in_dim3A_168 : vector<16xf32> to vector<16xf32>
    tpu.vector_store %arg5[%swap3A_169], %swap3A_172 {strides = array<i32>} : memref<1024xf32, #tpu.memory_space<vmem>>, vector<16xf32>,
    %broadcast_in_dim3A_173 = arith.constant 1.000000e+00 : f32
    %broadcast_in_dim3A_174 = vector.broadcast %broadcast_in_dim3A_173 : f32 to vector<16xf32>
    %swap3A_175 = arith.constant 464 : index
    %swap3A_176 = tpu.vector_load %arg5[%swap3A_175] {strides = array<i32>} : memref<1024xf32, #tpu.memory_space<vmem>>, vector<16xf32>,
    %swap3A_177 = vector.shape_cast %swap3A_176 : vector<16xf32> to vector<16xf32>
    %swap3A_178 = vector.shape_cast %broadcast_in_dim3A_174 : vector<16xf32> to vector<16xf32>
    tpu.vector_store %arg5[%swap3A_175], %swap3A_178 {strides = array<i32>} : memref<1024xf32, #tpu.memory_space<vmem>>, vector<16xf32>,
    %broadcast_in_dim3A_179 = arith.constant 1.000000e+00 : f32
    %broadcast_in_dim3A_180 = vector.broadcast %broadcast_in_dim3A_179 : f32 to vector<16xf32>
    %swap3A_181 = arith.constant 480 : index
    %swap3A_182 = tpu.vector_load %arg5[%swap3A_181] {strides = array<i32>} : memref<1024xf32, #tpu.memory_space<vmem>>, vector<16xf32>,
    %swap3A_183 = vector.shape_cast %swap3A_182 : vector<16xf32> to vector<16xf32>
    %swap3A_184 = vector.shape_cast %broadcast_in_dim3A_180 : vector<16xf32> to vector<16xf32>
    tpu.vector_store %arg5[%swap3A_181], %swap3A_184 {strides = array<i32>} : memref<1024xf32, #tpu.memory_space<vmem>>, vector<16xf32>,
    %broadcast_in_dim3A_185 = arith.constant 1.000000e+00 : f32
    %broadcast_in_dim3A_186 = vector.broadcast %broadcast_in_dim3A_185 : f32 to vector<16xf32>
    %swap3A_187 = arith.constant 496 : index
    %swap3A_188 = tpu.vector_load %arg5[%swap3A_187] {strides = array<i32>} : memref<1024xf32, #tpu.memory_space<vmem>>, vector<16xf32>,
    %swap3A_189 = vector.shape_cast %swap3A_188 : vector<16xf32> to vector<16xf32>
    %swap3A_190 = vector.shape_cast %broadcast_in_dim3A_186 : vector<16xf32> to vector<16xf32>
    tpu.vector_store %arg5[%swap3A_187], %swap3A_190 {strides = array<i32>} : memref<1024xf32, #tpu.memory_space<vmem>>, vector<16xf32>,
    %broadcast_in_dim3A_191 = arith.constant 1.000000e+00 : f32
    %broadcast_in_dim3A_192 = vector.broadcast %broadcast_in_dim3A_191 : f32 to vector<16xf32>
    %swap3A_193 = arith.constant 512 : index
    %swap3A_194 = tpu.vector_load %arg5[%swap3A_193] {strides = array<i32>} : memref<1024xf32, #tpu.memory_space<vmem>>, vector<16xf32>,
    %swap3A_195 = vector.shape_cast %swap3A_194 : vector<16xf32> to vector<16xf32>
    %swap3A_196 = vector.shape_cast %broadcast_in_dim3A_192 : vector<16xf32> to vector<16xf32>
    tpu.vector_store %arg5[%swap3A_193], %swap3A_196 {strides = array<i32>} : memref<1024xf32, #tpu.memory_space<vmem>>, vector<16xf32>,
    %broadcast_in_dim3A_197 = arith.constant 1.000000e+00 : f32
    %broadcast_in_dim3A_198 = vector.broadcast %broadcast_in_dim3A_197 : f32 to vector<16xf32>
    %swap3A_199 = arith.constant 528 : index
    %swap3A_200 = tpu.vector_load %arg5[%swap3A_199] {strides = array<i32>} : memref<1024xf32, #tpu.memory_space<vmem>>, vector<16xf32>,
    %swap3A_201 = vector.shape_cast %swap3A_200 : vector<16xf32> to vector<16xf32>
    %swap3A_202 = vector.shape_cast %broadcast_in_dim3A_198 : vector<16xf32> to vector<16xf32>
    tpu.vector_store %arg5[%swap3A_199], %swap3A_202 {strides = array<i32>} : memref<1024xf32, #tpu.memory_space<vmem>>, vector<16xf32>,
    %broadcast_in_dim3A_203 = arith.constant 1.000000e+00 : f32
    %broadcast_in_dim3A_204 = vector.broadcast %broadcast_in_dim3A_203 : f32 to vector<16xf32>
    %swap3A_205 = arith.constant 544 : index
    %swap3A_206 = tpu.vector_load %arg5[%swap3A_205] {strides = array<i32>} : memref<1024xf32, #tpu.memory_space<vmem>>, vector<16xf32>,
    %swap3A_207 = vector.shape_cast %swap3A_206 : vector<16xf32> to vector<16xf32>
    %swap3A_208 = vector.shape_cast %broadcast_in_dim3A_204 : vector<16xf32> to vector<16xf32>
    tpu.vector_store %arg5[%swap3A_205], %swap3A_208 {strides = array<i32>} : memref<1024xf32, #tpu.memory_space<vmem>>, vector<16xf32>,
    %broadcast_in_dim3A_209 = arith.constant 1.000000e+00 : f32
    %broadcast_in_dim3A_210 = vector.broadcast %broadcast_in_dim3A_209 : f32 to vector<16xf32>
    %swap3A_211 = arith.constant 560 : index
    %swap3A_212 = tpu.vector_load %arg5[%swap3A_211] {strides = array<i32>} : memref<1024xf32, #tpu.memory_space<vmem>>, vector<16xf32>,
    %swap3A_213 = vector.shape_cast %swap3A_212 : vector<16xf32> to vector<16xf32>
    %swap3A_214 = vector.shape_cast %broadcast_in_dim3A_210 : vector<16xf32> to vector<16xf32>
    tpu.vector_store %arg5[%swap3A_211], %swap3A_214 {strides = array<i32>} : memref<1024xf32, #tpu.memory_space<vmem>>, vector<16xf32>,
    %broadcast_in_dim3A_215 = arith.constant 1.000000e+00 : f32
    %broadcast_in_dim3A_216 = vector.broadcast %broadcast_in_dim3A_215 : f32 to vector<16xf32>
    %swap3A_217 = arith.constant 576 : index
    %swap3A_218 = tpu.vector_load %arg5[%swap3A_217] {strides = array<i32>} : memref<1024xf32, #tpu.memory_space<vmem>>, vector<16xf32>,
    %swap3A_219 = vector.shape_cast %swap3A_218 : vector<16xf32> to vector<16xf32>
    %swap3A_220 = vector.shape_cast %broadcast_in_dim3A_216 : vector<16xf32> to vector<16xf32>
    tpu.vector_store %arg5[%swap3A_217], %swap3A_220 {strides = array<i32>} : memref<1024xf32, #tpu.memory_space<vmem>>, vector<16xf32>,
    %broadcast_in_dim3A_221 = arith.constant 1.000000e+00 : f32
    %broadcast_in_dim3A_222 = vector.broadcast %broadcast_in_dim3A_221 : f32 to vector<16xf32>
    %swap3A_223 = arith.constant 592 : index
    %swap3A_224 = tpu.vector_load %arg5[%swap3A_223] {strides = array<i32>} : memref<1024xf32, #tpu.memory_space<vmem>>, vector<16xf32>,
    %swap3A_225 = vector.shape_cast %swap3A_224 : vector<16xf32> to vector<16xf32>
    %swap3A_226 = vector.shape_cast %broadcast_in_dim3A_222 : vector<16xf32> to vector<16xf32>
    tpu.vector_store %arg5[%swap3A_223], %swap3A_226 {strides = array<i32>} : memref<1024xf32, #tpu.memory_space<vmem>>, vector<16xf32>,
    %broadcast_in_dim3A_227 = arith.constant 1.000000e+00 : f32
    %broadcast_in_dim3A_228 = vector.broadcast %broadcast_in_dim3A_227 : f32 to vector<16xf32>
    %swap3A_229 = arith.constant 608 : index
    %swap3A_230 = tpu.vector_load %arg5[%swap3A_229] {strides = array<i32>} : memref<1024xf32, #tpu.memory_space<vmem>>, vector<16xf32>,
    %swap3A_231 = vector.shape_cast %swap3A_230 : vector<16xf32> to vector<16xf32>
    %swap3A_232 = vector.shape_cast %broadcast_in_dim3A_228 : vector<16xf32> to vector<16xf32>
    tpu.vector_store %arg5[%swap3A_229], %swap3A_232 {strides = array<i32>} : memref<1024xf32, #tpu.memory_space<vmem>>, vector<16xf32>,
    %broadcast_in_dim3A_233 = arith.constant 1.000000e+00 : f32
    %broadcast_in_dim3A_234 = vector.broadcast %broadcast_in_dim3A_233 : f32 to vector<16xf32>
    %swap3A_235 = arith.constant 624 : index
    %swap3A_236 = tpu.vector_load %arg5[%swap3A_235] {strides = array<i32>} : memref<1024xf32, #tpu.memory_space<vmem>>, vector<16xf32>,
    %swap3A_237 = vector.shape_cast %swap3A_236 : vector<16xf32> to vector<16xf32>
    %swap3A_238 = vector.shape_cast %broadcast_in_dim3A_234 : vector<16xf32> to vector<16xf32>
    tpu.vector_store %arg5[%swap3A_235], %swap3A_238 {strides = array<i32>} : memref<1024xf32, #tpu.memory_space<vmem>>, vector<16xf32>,
    %broadcast_in_dim3A_239 = arith.constant 1.000000e+00 : f32
    %broadcast_in_dim3A_240 = vector.broadcast %broadcast_in_dim3A_239 : f32 to vector<16xf32>
    %swap3A_241 = arith.constant 640 : index
    %swap3A_242 = tpu.vector_load %arg5[%swap3A_241] {strides = array<i32>} : memref<1024xf32, #tpu.memory_space<vmem>>, vector<16xf32>,
    %swap3A_243 = vector.shape_cast %swap3A_242 : vector<16xf32> to vector<16xf32>
    %swap3A_244 = vector.shape_cast %broadcast_in_dim3A_240 : vector<16xf32> to vector<16xf32>
    tpu.vector_store %arg5[%swap3A_241], %swap3A_244 {strides = array<i32>} : memref<1024xf32, #tpu.memory_space<vmem>>, vector<16xf32>,
    %broadcast_in_dim3A_245 = arith.constant 1.000000e+00 : f32
    %broadcast_in_dim3A_246 = vector.broadcast %broadcast_in_dim3A_245 : f32 to vector<16xf32>
    %swap3A_247 = arith.constant 656 : index
    %swap3A_248 = tpu.vector_load %arg5[%swap3A_247] {strides = array<i32>} : memref<1024xf32, #tpu.memory_space<vmem>>, vector<16xf32>,
    %swap3A_249 = vector.shape_cast %swap3A_248 : vector<16xf32> to vector<16xf32>
    %swap3A_250 = vector.shape_cast %broadcast_in_dim3A_246 : vector<16xf32> to vector<16xf32>
    tpu.vector_store %arg5[%swap3A_247], %swap3A_250 {strides = array<i32>} : memref<1024xf32, #tpu.memory_space<vmem>>, vector<16xf32>,
    %broadcast_in_dim3A_251 = arith.constant 1.000000e+00 : f32
    %broadcast_in_dim3A_252 = vector.broadcast %broadcast_in_dim3A_251 : f32 to vector<16xf32>
    %swap3A_253 = arith.constant 672 : index
    %swap3A_254 = tpu.vector_load %arg5[%swap3A_253] {strides = array<i32>} : memref<1024xf32, #tpu.memory_space<vmem>>, vector<16xf32>,
    %swap3A_255 = vector.shape_cast %swap3A_254 : vector<16xf32> to vector<16xf32>
    %swap3A_256 = vector.shape_cast %broadcast_in_dim3A_252 : vector<16xf32> to vector<16xf32>
    tpu.vector_store %arg5[%swap3A_253], %swap3A_256 {strides = array<i32>} : memref<1024xf32, #tpu.memory_space<vmem>>, vector<16xf32>,
    %broadcast_in_dim3A_257 = arith.constant 1.000000e+00 : f32
    %broadcast_in_dim3A_258 = vector.broadcast %broadcast_in_dim3A_257 : f32 to vector<16xf32>
    %swap3A_259 = arith.constant 688 : index
    %swap3A_260 = tpu.vector_load %arg5[%swap3A_259] {strides = array<i32>} : memref<1024xf32, #tpu.memory_space<vmem>>, vector<16xf32>,
    %swap3A_261 = vector.shape_cast %swap3A_260 : vector<16xf32> to vector<16xf32>
    %swap3A_262 = vector.shape_cast %broadcast_in_dim3A_258 : vector<16xf32> to vector<16xf32>
    tpu.vector_store %arg5[%swap3A_259], %swap3A_262 {strides = array<i32>} : memref<1024xf32, #tpu.memory_space<vmem>>, vector<16xf32>,
    %broadcast_in_dim3A_263 = arith.constant 1.000000e+00 : f32
    %broadcast_in_dim3A_264 = vector.broadcast %broadcast_in_dim3A_263 : f32 to vector<16xf32>
    %swap3A_265 = arith.constant 704 : index
    %swap3A_266 = tpu.vector_load %arg5[%swap3A_265] {strides = array<i32>} : memref<1024xf32, #tpu.memory_space<vmem>>, vector<16xf32>,
    %swap3A_267 = vector.shape_cast %swap3A_266 : vector<16xf32> to vector<16xf32>
    %swap3A_268 = vector.shape_cast %broadcast_in_dim3A_264 : vector<16xf32> to vector<16xf32>
    tpu.vector_store %arg5[%swap3A_265], %swap3A_268 {strides = array<i32>} : memref<1024xf32, #tpu.memory_space<vmem>>, vector<16xf32>,
    %broadcast_in_dim3A_269 = arith.constant 1.000000e+00 : f32
    %broadcast_in_dim3A_270 = vector.broadcast %broadcast_in_dim3A_269 : f32 to vector<16xf32>
    %swap3A_271 = arith.constant 720 : index
    %swap3A_272 = tpu.vector_load %arg5[%swap3A_271] {strides = array<i32>} : memref<1024xf32, #tpu.memory_space<vmem>>, vector<16xf32>,
    %swap3A_273 = vector.shape_cast %swap3A_272 : vector<16xf32> to vector<16xf32>
    %swap3A_274 = vector.shape_cast %broadcast_in_dim3A_270 : vector<16xf32> to vector<16xf32>
    tpu.vector_store %arg5[%swap3A_271], %swap3A_274 {strides = array<i32>} : memref<1024xf32, #tpu.memory_space<vmem>>, vector<16xf32>,
    %broadcast_in_dim3A_275 = arith.constant 1.000000e+00 : f32
    %broadcast_in_dim3A_276 = vector.broadcast %broadcast_in_dim3A_275 : f32 to vector<16xf32>
    %swap3A_277 = arith.constant 736 : index
    %swap3A_278 = tpu.vector_load %arg5[%swap3A_277] {strides = array<i32>} : memref<1024xf32, #tpu.memory_space<vmem>>, vector<16xf32>,
    %swap3A_279 = vector.shape_cast %swap3A_278 : vector<16xf32> to vector<16xf32>
    %swap3A_280 = vector.shape_cast %broadcast_in_dim3A_276 : vector<16xf32> to vector<16xf32>
    tpu.vector_store %arg5[%swap3A_277], %swap3A_280 {strides = array<i32>} : memref<1024xf32, #tpu.memory_space<vmem>>, vector<16xf32>,
    %broadcast_in_dim3A_281 = arith.constant 1.000000e+00 : f32
    %broadcast_in_dim3A_282 = vector.broadcast %broadcast_in_dim3A_281 : f32 to vector<16xf32>
    %swap3A_283 = arith.constant 752 : index
    %swap3A_284 = tpu.vector_load %arg5[%swap3A_283] {strides = array<i32>} : memref<1024xf32, #tpu.memory_space<vmem>>, vector<16xf32>,
    %swap3A_285 = vector.shape_cast %swap3A_284 : vector<16xf32> to vector<16xf32>
    %swap3A_286 = vector.shape_cast %broadcast_in_dim3A_282 : vector<16xf32> to vector<16xf32>
    tpu.vector_store %arg5[%swap3A_283], %swap3A_286 {strides = array<i32>} : memref<1024xf32, #tpu.memory_space<vmem>>, vector<16xf32>,
    %broadcast_in_dim3A_287 = arith.constant 1.000000e+00 : f32
    %broadcast_in_dim3A_288 = vector.broadcast %broadcast_in_dim3A_287 : f32 to vector<16xf32>
    %swap3A_289 = arith.constant 768 : index
    %swap3A_290 = tpu.vector_load %arg5[%swap3A_289] {strides = array<i32>} : memref<1024xf32, #tpu.memory_space<vmem>>, vector<16xf32>,
    %swap3A_291 = vector.shape_cast %swap3A_290 : vector<16xf32> to vector<16xf32>
    %swap3A_292 = vector.shape_cast %broadcast_in_dim3A_288 : vector<16xf32> to vector<16xf32>
    tpu.vector_store %arg5[%swap3A_289], %swap3A_292 {strides = array<i32>} : memref<1024xf32, #tpu.memory_space<vmem>>, vector<16xf32>,
    %broadcast_in_dim3A_293 = arith.constant 1.000000e+00 : f32
    %broadcast_in_dim3A_294 = vector.broadcast %broadcast_in_dim3A_293 : f32 to vector<16xf32>
    %swap3A_295 = arith.constant 784 : index
    %swap3A_296 = tpu.vector_load %arg5[%swap3A_295] {strides = array<i32>} : memref<1024xf32, #tpu.memory_space<vmem>>, vector<16xf32>,
    %swap3A_297 = vector.shape_cast %swap3A_296 : vector<16xf32> to vector<16xf32>
    %swap3A_298 = vector.shape_cast %broadcast_in_dim3A_294 : vector<16xf32> to vector<16xf32>
    tpu.vector_store %arg5[%swap3A_295], %swap3A_298 {strides = array<i32>} : memref<1024xf32, #tpu.memory_space<vmem>>, vector<16xf32>,
    %broadcast_in_dim3A_299 = arith.constant 1.000000e+00 : f32
    %broadcast_in_dim3A_300 = vector.broadcast %broadcast_in_dim3A_299 : f32 to vector<16xf32>
    %swap3A_301 = arith.constant 800 : index
    %swap3A_302 = tpu.vector_load %arg5[%swap3A_301] {strides = array<i32>} : memref<1024xf32, #tpu.memory_space<vmem>>, vector<16xf32>,
    %swap3A_303 = vector.shape_cast %swap3A_302 : vector<16xf32> to vector<16xf32>
    %swap3A_304 = vector.shape_cast %broadcast_in_dim3A_300 : vector<16xf32> to vector<16xf32>
    tpu.vector_store %arg5[%swap3A_301], %swap3A_304 {strides = array<i32>} : memref<1024xf32, #tpu.memory_space<vmem>>, vector<16xf32>,
    %broadcast_in_dim3A_305 = arith.constant 1.000000e+00 : f32
    %broadcast_in_dim3A_306 = vector.broadcast %broadcast_in_dim3A_305 : f32 to vector<16xf32>
    %swap3A_307 = arith.constant 816 : index
    %swap3A_308 = tpu.vector_load %arg5[%swap3A_307] {strides = array<i32>} : memref<1024xf32, #tpu.memory_space<vmem>>, vector<16xf32>,
    %swap3A_309 = vector.shape_cast %swap3A_308 : vector<16xf32> to vector<16xf32>
    %swap3A_310 = vector.shape_cast %broadcast_in_dim3A_306 : vector<16xf32> to vector<16xf32>
    tpu.vector_store %arg5[%swap3A_307], %swap3A_310 {strides = array<i32>} : memref<1024xf32, #tpu.memory_space<vmem>>, vector<16xf32>,
    %broadcast_in_dim3A_311 = arith.constant 1.000000e+00 : f32
    %broadcast_in_dim3A_312 = vector.broadcast %broadcast_in_dim3A_311 : f32 to vector<16xf32>
    %swap3A_313 = arith.constant 832 : index
    %swap3A_314 = tpu.vector_load %arg5[%swap3A_313] {strides = array<i32>} : memref<1024xf32, #tpu.memory_space<vmem>>, vector<16xf32>,
    %swap3A_315 = vector.shape_cast %swap3A_314 : vector<16xf32> to vector<16xf32>
    %swap3A_316 = vector.shape_cast %broadcast_in_dim3A_312 : vector<16xf32> to vector<16xf32>
    tpu.vector_store %arg5[%swap3A_313], %swap3A_316 {strides = array<i32>} : memref<1024xf32, #tpu.memory_space<vmem>>, vector<16xf32>,
    %broadcast_in_dim3A_317 = arith.constant 1.000000e+00 : f32
    %broadcast_in_dim3A_318 = vector.broadcast %broadcast_in_dim3A_317 : f32 to vector<16xf32>
    %swap3A_319 = arith.constant 848 : index
    %swap3A_320 = tpu.vector_load %arg5[%swap3A_319] {strides = array<i32>} : memref<1024xf32, #tpu.memory_space<vmem>>, vector<16xf32>,
    %swap3A_321 = vector.shape_cast %swap3A_320 : vector<16xf32> to vector<16xf32>
    %swap3A_322 = vector.shape_cast %broadcast_in_dim3A_318 : vector<16xf32> to vector<16xf32>
    tpu.vector_store %arg5[%swap3A_319], %swap3A_322 {strides = array<i32>} : memref<1024xf32, #tpu.memory_space<vmem>>, vector<16xf32>,
    %broadcast_in_dim3A_323 = arith.constant 1.000000e+00 : f32
    %broadcast_in_dim3A_324 = vector.broadcast %broadcast_in_dim3A_323 : f32 to vector<16xf32>
    %swap3A_325 = arith.constant 864 : index
    %swap3A_326 = tpu.vector_load %arg5[%swap3A_325] {strides = array<i32>} : memref<1024xf32, #tpu.memory_space<vmem>>, vector<16xf32>,
    %swap3A_327 = vector.shape_cast %swap3A_326 : vector<16xf32> to vector<16xf32>
    %swap3A_328 = vector.shape_cast %broadcast_in_dim3A_324 : vector<16xf32> to vector<16xf32>
    tpu.vector_store %arg5[%swap3A_325], %swap3A_328 {strides = array<i32>} : memref<1024xf32, #tpu.memory_space<vmem>>, vector<16xf32>,
    %broadcast_in_dim3A_329 = arith.constant 1.000000e+00 : f32
    %broadcast_in_dim3A_330 = vector.broadcast %broadcast_in_dim3A_329 : f32 to vector<16xf32>
    %swap3A_331 = arith.constant 880 : index
    %swap3A_332 = tpu.vector_load %arg5[%swap3A_331] {strides = array<i32>} : memref<1024xf32, #tpu.memory_space<vmem>>, vector<16xf32>,
    %swap3A_333 = vector.shape_cast %swap3A_332 : vector<16xf32> to vector<16xf32>
    %swap3A_334 = vector.shape_cast %broadcast_in_dim3A_330 : vector<16xf32> to vector<16xf32>
    tpu.vector_store %arg5[%swap3A_331], %swap3A_334 {strides = array<i32>} : memref<1024xf32, #tpu.memory_space<vmem>>, vector<16xf32>,
    %broadcast_in_dim3A_335 = arith.constant 1.000000e+00 : f32
    %broadcast_in_dim3A_336 = vector.broadcast %broadcast_in_dim3A_335 : f32 to vector<16xf32>
    %swap3A_337 = arith.constant 896 : index
    %swap3A_338 = tpu.vector_load %arg5[%swap3A_337] {strides = array<i32>} : memref<1024xf32, #tpu.memory_space<vmem>>, vector<16xf32>,
    %swap3A_339 = vector.shape_cast %swap3A_338 : vector<16xf32> to vector<16xf32>
    %swap3A_340 = vector.shape_cast %broadcast_in_dim3A_336 : vector<16xf32> to vector<16xf32>
    tpu.vector_store %arg5[%swap3A_337], %swap3A_340 {strides = array<i32>} : memref<1024xf32, #tpu.memory_space<vmem>>, vector<16xf32>,
    %broadcast_in_dim3A_341 = arith.constant 1.000000e+00 : f32
    %broadcast_in_dim3A_342 = vector.broadcast %broadcast_in_dim3A_341 : f32 to vector<16xf32>
    %swap3A_343 = arith.constant 912 : index
    %swap3A_344 = tpu.vector_load %arg5[%swap3A_343] {strides = array<i32>} : memref<1024xf32, #tpu.memory_space<vmem>>, vector<16xf32>,
    %swap3A_345 = vector.shape_cast %swap3A_344 : vector<16xf32> to vector<16xf32>
    %swap3A_346 = vector.shape_cast %broadcast_in_dim3A_342 : vector<16xf32> to vector<16xf32>
    tpu.vector_store %arg5[%swap3A_343], %swap3A_346 {strides = array<i32>} : memref<1024xf32, #tpu.memory_space<vmem>>, vector<16xf32>,
    %broadcast_in_dim3A_347 = arith.constant 1.000000e+00 : f32
    %broadcast_in_dim3A_348 = vector.broadcast %broadcast_in_dim3A_347 : f32 to vector<16xf32>
    %swap3A_349 = arith.constant 928 : index
    %swap3A_350 = tpu.vector_load %arg5[%swap3A_349] {strides = array<i32>} : memref<1024xf32, #tpu.memory_space<vmem>>, vector<16xf32>,
    %swap3A_351 = vector.shape_cast %swap3A_350 : vector<16xf32> to vector<16xf32>
    %swap3A_352 = vector.shape_cast %broadcast_in_dim3A_348 : vector<16xf32> to vector<16xf32>
    tpu.vector_store %arg5[%swap3A_349], %swap3A_352 {strides = array<i32>} : memref<1024xf32, #tpu.memory_space<vmem>>, vector<16xf32>,
    %broadcast_in_dim3A_353 = arith.constant 1.000000e+00 : f32
    %broadcast_in_dim3A_354 = vector.broadcast %broadcast_in_dim3A_353 : f32 to vector<16xf32>
    %swap3A_355 = arith.constant 944 : index
    %swap3A_356 = tpu.vector_load %arg5[%swap3A_355] {strides = array<i32>} : memref<1024xf32, #tpu.memory_space<vmem>>, vector<16xf32>,
    %swap3A_357 = vector.shape_cast %swap3A_356 : vector<16xf32> to vector<16xf32>
    %swap3A_358 = vector.shape_cast %broadcast_in_dim3A_354 : vector<16xf32> to vector<16xf32>
    tpu.vector_store %arg5[%swap3A_355], %swap3A_358 {strides = array<i32>} : memref<1024xf32, #tpu.memory_space<vmem>>, vector<16xf32>,
    %broadcast_in_dim3A_359 = arith.constant 1.000000e+00 : f32
    %broadcast_in_dim3A_360 = vector.broadcast %broadcast_in_dim3A_359 : f32 to vector<16xf32>
    %swap3A_361 = arith.constant 960 : index
    %swap3A_362 = tpu.vector_load %arg5[%swap3A_361] {strides = array<i32>} : memref<1024xf32, #tpu.memory_space<vmem>>, vector<16xf32>,
    %swap3A_363 = vector.shape_cast %swap3A_362 : vector<16xf32> to vector<16xf32>
    %swap3A_364 = vector.shape_cast %broadcast_in_dim3A_360 : vector<16xf32> to vector<16xf32>
    tpu.vector_store %arg5[%swap3A_361], %swap3A_364 {strides = array<i32>} : memref<1024xf32, #tpu.memory_space<vmem>>, vector<16xf32>,
    %broadcast_in_dim3A_365 = arith.constant 1.000000e+00 : f32
    %broadcast_in_dim3A_366 = vector.broadcast %broadcast_in_dim3A_365 : f32 to vector<16xf32>
    %swap3A_367 = arith.constant 976 : index
    %swap3A_368 = tpu.vector_load %arg5[%swap3A_367] {strides = array<i32>} : memref<1024xf32, #tpu.memory_space<vmem>>, vector<16xf32>,
    %swap3A_369 = vector.shape_cast %swap3A_368 : vector<16xf32> to vector<16xf32>
    %swap3A_370 = vector.shape_cast %broadcast_in_dim3A_366 : vector<16xf32> to vector<16xf32>
    tpu.vector_store %arg5[%swap3A_367], %swap3A_370 {strides = array<i32>} : memref<1024xf32, #tpu.memory_space<vmem>>, vector<16xf32>,
    %broadcast_in_dim3A_371 = arith.constant 1.000000e+00 : f32
    %broadcast_in_dim3A_372 = vector.broadcast %broadcast_in_dim3A_371 : f32 to vector<16xf32>
    %swap3A_373 = arith.constant 992 : index
    %swap3A_374 = tpu.vector_load %arg5[%swap3A_373] {strides = array<i32>} : memref<1024xf32, #tpu.memory_space<vmem>>, vector<16xf32>,
    %swap3A_375 = vector.shape_cast %swap3A_374 : vector<16xf32> to vector<16xf32>
    %swap3A_376 = vector.shape_cast %broadcast_in_dim3A_372 : vector<16xf32> to vector<16xf32>
    tpu.vector_store %arg5[%swap3A_373], %swap3A_376 {strides = array<i32>} : memref<1024xf32, #tpu.memory_space<vmem>>, vector<16xf32>,
    %broadcast_in_dim3A_377 = arith.constant 1.000000e+00 : f32
    %broadcast_in_dim3A_378 = vector.broadcast %broadcast_in_dim3A_377 : f32 to vector<16xf32>
    %swap3A_379 = arith.constant 1008 : index
    %swap3A_380 = tpu.vector_load %arg5[%swap3A_379] {strides = array<i32>} : memref<1024xf32, #tpu.memory_space<vmem>>, vector<16xf32>,
    %swap3A_381 = vector.shape_cast %swap3A_380 : vector<16xf32> to vector<16xf32>
    %swap3A_382 = vector.shape_cast %broadcast_in_dim3A_378 : vector<16xf32> to vector<16xf32>
    tpu.vector_store %arg5[%swap3A_379], %swap3A_382 {strides = array<i32>} : memref<1024xf32, #tpu.memory_space<vmem>>, vector<16xf32>,
    %broadcast_in_dim3A_383 = arith.constant 1.000000e+00 : f32
    %broadcast_in_dim3A_384 = vector.broadcast %broadcast_in_dim3A_383 : f32 to vector<16xf32>
    %swap3A_385 = arith.constant 0 : index
    %swap3A_386 = tpu.vector_load %arg6[%swap3A_385] {strides = array<i32>} : memref<128xf32, #tpu.memory_space<vmem>>, vector<16xf32>,
    %swap3A_387 = vector.shape_cast %swap3A_386 : vector<16xf32> to vector<16xf32>
    %swap3A_388 = vector.shape_cast %broadcast_in_dim3A_384 : vector<16xf32> to vector<16xf32>
    tpu.vector_store %arg6[%swap3A_385], %swap3A_388 {strides = array<i32>} : memref<128xf32, #tpu.memory_space<vmem>>, vector<16xf32>,
    %broadcast_in_dim3A_389 = arith.constant 1.000000e+00 : f32
    %broadcast_in_dim3A_390 = vector.broadcast %broadcast_in_dim3A_389 : f32 to vector<16xf32>
    %swap3A_391 = arith.constant 16 : index
    %swap3A_392 = tpu.vector_load %arg6[%swap3A_391] {strides = array<i32>} : memref<128xf32, #tpu.memory_space<vmem>>, vector<16xf32>,
    %swap3A_393 = vector.shape_cast %swap3A_392 : vector<16xf32> to vector<16xf32>
    %swap3A_394 = vector.shape_cast %broadcast_in_dim3A_390 : vector<16xf32> to vector<16xf32>
    tpu.vector_store %arg6[%swap3A_391], %swap3A_394 {strides = array<i32>} : memref<128xf32, #tpu.memory_space<vmem>>, vector<16xf32>,
    %broadcast_in_dim3A_395 = arith.constant 1.000000e+00 : f32
    %broadcast_in_dim3A_396 = vector.broadcast %broadcast_in_dim3A_395 : f32 to vector<16xf32>
    %swap3A_397 = arith.constant 32 : index
    %swap3A_398 = tpu.vector_load %arg6[%swap3A_397] {strides = array<i32>} : memref<128xf32, #tpu.memory_space<vmem>>, vector<16xf32>,
    %swap3A_399 = vector.shape_cast %swap3A_398 : vector<16xf32> to vector<16xf32>
    %swap3A_400 = vector.shape_cast %broadcast_in_dim3A_396 : vector<16xf32> to vector<16xf32>
    tpu.vector_store %arg6[%swap3A_397], %swap3A_400 {strides = array<i32>} : memref<128xf32, #tpu.memory_space<vmem>>, vector<16xf32>,
    %broadcast_in_dim3A_401 = arith.constant 1.000000e+00 : f32
    %broadcast_in_dim3A_402 = vector.broadcast %broadcast_in_dim3A_401 : f32 to vector<16xf32>
    %swap3A_403 = arith.constant 48 : index
    %swap3A_404 = tpu.vector_load %arg6[%swap3A_403] {strides = array<i32>} : memref<128xf32, #tpu.memory_space<vmem>>, vector<16xf32>,
    %swap3A_405 = vector.shape_cast %swap3A_404 : vector<16xf32> to vector<16xf32>
    %swap3A_406 = vector.shape_cast %broadcast_in_dim3A_402 : vector<16xf32> to vector<16xf32>
    tpu.vector_store %arg6[%swap3A_403], %swap3A_406 {strides = array<i32>} : memref<128xf32, #tpu.memory_space<vmem>>, vector<16xf32>,
    %broadcast_in_dim3A_407 = arith.constant 1.000000e+00 : f32
    %broadcast_in_dim3A_408 = vector.broadcast %broadcast_in_dim3A_407 : f32 to vector<16xf32>
    %swap3A_409 = arith.constant 64 : index
    %swap3A_410 = tpu.vector_load %arg6[%swap3A_409] {strides = array<i32>} : memref<128xf32, #tpu.memory_space<vmem>>, vector<16xf32>,
    %swap3A_411 = vector.shape_cast %swap3A_410 : vector<16xf32> to vector<16xf32>
    %swap3A_412 = vector.shape_cast %broadcast_in_dim3A_408 : vector<16xf32> to vector<16xf32>
    tpu.vector_store %arg6[%swap3A_409], %swap3A_412 {strides = array<i32>} : memref<128xf32, #tpu.memory_space<vmem>>, vector<16xf32>,
    %broadcast_in_dim3A_413 = arith.constant 1.000000e+00 : f32
    %broadcast_in_dim3A_414 = vector.broadcast %broadcast_in_dim3A_413 : f32 to vector<16xf32>
    %swap3A_415 = arith.constant 80 : index
    %swap3A_416 = tpu.vector_load %arg6[%swap3A_415] {strides = array<i32>} : memref<128xf32, #tpu.memory_space<vmem>>, vector<16xf32>,
    %swap3A_417 = vector.shape_cast %swap3A_416 : vector<16xf32> to vector<16xf32>
    %swap3A_418 = vector.shape_cast %broadcast_in_dim3A_414 : vector<16xf32> to vector<16xf32>
    tpu.vector_store %arg6[%swap3A_415], %swap3A_418 {strides = array<i32>} : memref<128xf32, #tpu.memory_space<vmem>>, vector<16xf32>,
    %broadcast_in_dim3A_419 = arith.constant 1.000000e+00 : f32
    %broadcast_in_dim3A_420 = vector.broadcast %broadcast_in_dim3A_419 : f32 to vector<16xf32>
    %swap3A_421 = arith.constant 96 : index
    %swap3A_422 = tpu.vector_load %arg6[%swap3A_421] {strides = array<i32>} : memref<128xf32, #tpu.memory_space<vmem>>, vector<16xf32>,
    %swap3A_423 = vector.shape_cast %swap3A_422 : vector<16xf32> to vector<16xf32>
    %swap3A_424 = vector.shape_cast %broadcast_in_dim3A_420 : vector<16xf32> to vector<16xf32>
    tpu.vector_store %arg6[%swap3A_421], %swap3A_424 {strides = array<i32>} : memref<128xf32, #tpu.memory_space<vmem>>, vector<16xf32>,
    %broadcast_in_dim3A_425 = arith.constant 1.000000e+00 : f32
    %broadcast_in_dim3A_426 = vector.broadcast %broadcast_in_dim3A_425 : f32 to vector<16xf32>
    %swap3A_427 = arith.constant 112 : index
    %swap3A_428 = tpu.vector_load %arg6[%swap3A_427] {strides = array<i32>} : memref<128xf32, #tpu.memory_space<vmem>>, vector<16xf32>,
    %swap3A_429 = vector.shape_cast %swap3A_428 : vector<16xf32> to vector<16xf32>
    %swap3A_430 = vector.shape_cast %broadcast_in_dim3A_426 : vector<16xf32> to vector<16xf32>
    tpu.vector_store %arg6[%swap3A_427], %swap3A_430 {strides = array<i32>} : memref<128xf32, #tpu.memory_space<vmem>>, vector<16xf32>,
    "tpu.region"() ({
      %run_scoped3A_480 = tpu.sem_alloc : memref<!tpu.dma_semaphore, #tpu.memory_space<semaphore_mem>>
      %dma_start3A = arith.constant 0 : i32
      %dma_start3A_481 = arith.constant 0 : i32
      %dma_start3A_482 = tpu.memref_slice %arg2[%add3A, %dma_start3A, %dma_start3A_481] : memref<32x79x128xi32, #tpu.memory_space<hbm>> -> memref<1x79x128xi32, #tpu.memory_space<hbm>>
      %dma_start3A_483 = tpu.memref_squeeze %dma_start3A_482 : memref<1x79x128xi32, #tpu.memory_space<hbm>> -> memref<79x128xi32, #tpu.memory_space<hbm>>
      %dma_start3A_484 = arith.constant 0 : i32
      %dma_start3A_485 = arith.constant 0 : i32
      %dma_start3A_486 = tpu.memref_slice %arg2[%add3A, %dma_start3A_484, %dma_start3A_485] : memref<32x79x128xi32, #tpu.memory_space<hbm>> -> memref<1x79x128xi32, #tpu.memory_space<hbm>>
      %dma_start3A_487 = tpu.memref_squeeze %dma_start3A_486 : memref<1x79x128xi32, #tpu.memory_space<hbm>> -> memref<79x128xi32, #tpu.memory_space<hbm>>
      tpu.enqueue_dma source(%dma_start3A_487 : memref<79x128xi32, #tpu.memory_space<hbm>>) target(%arg4 : memref<79x128xi32, #tpu.memory_space<vmem>>) target_semaphore(%run_scoped3A_480 : memref<!tpu.dma_semaphore, #tpu.memory_space<semaphore_mem>>)
      %dma_wait3A = arith.constant 0 : i32
      %dma_wait3A_488 = arith.constant 0 : i32
      %dma_wait3A_489 = tpu.memref_slice %arg2[%add3A, %dma_wait3A, %dma_wait3A_488] : memref<32x79x128xi32, #tpu.memory_space<hbm>> -> memref<1x79x128xi32, #tpu.memory_space<hbm>>
      %dma_wait3A_490 = tpu.memref_squeeze %dma_wait3A_489 : memref<1x79x128xi32, #tpu.memory_space<hbm>> -> memref<79x128xi32, #tpu.memory_space<hbm>>
      %dma_wait3A_491 = arith.constant 0 : i32
      %dma_wait3A_492 = arith.constant 0 : i32
      %dma_wait3A_493 = tpu.memref_slice %arg2[%add3A, %dma_wait3A_491, %dma_wait3A_492] : memref<32x79x128xi32, #tpu.memory_space<hbm>> -> memref<1x79x128xi32, #tpu.memory_space<hbm>>
      %dma_wait3A_494 = tpu.memref_squeeze %dma_wait3A_493 : memref<1x79x128xi32, #tpu.memory_space<hbm>> -> memref<79x128xi32, #tpu.memory_space<hbm>>
      tpu.wait_dma2 semaphore(%run_scoped3A_480 : memref<!tpu.dma_semaphore, #tpu.memory_space<semaphore_mem>>) src(%dma_wait3A_494 : memref<79x128xi32, #tpu.memory_space<hbm>>) dst(%arg4 : memref<79x128xi32, #tpu.memory_space<vmem>>)
      tpu.yield
    }) : () -> ()
    %mul3A_431 = arith.constant 1024 : i32
    %mul3A_432 = arith.muli %arg1, %mul3A_431 : i32
    "tpu.region"() ({
      %run_scoped3A_480 = tpu.sem_alloc : memref<!tpu.dma_semaphore, #tpu.memory_space<semaphore_mem>>
      %dma_start3A = tpu.memref_slice %arg8[%mul3A_432] : memref<16384xf32, #tpu.memory_space<vmem_shared>> -> memref<1024xf32, #tpu.memory_space<vmem_shared>>
      %dma_start3A_481 = tpu.memref_slice %arg8[%mul3A_432] : memref<16384xf32, #tpu.memory_space<vmem_shared>> -> memref<1024xf32, #tpu.memory_space<vmem_shared>>
      tpu.enqueue_dma source(%arg5 : memref<1024xf32, #tpu.memory_space<vmem>>) target(%dma_start3A_481 : memref<1024xf32, #tpu.memory_space<vmem_shared>>) target_semaphore(%run_scoped3A_480 : memref<!tpu.dma_semaphore, #tpu.memory_space<semaphore_mem>>)
      %dma_wait3A = tpu.memref_slice %arg8[%mul3A_432] : memref<16384xf32, #tpu.memory_space<vmem_shared>> -> memref<1024xf32, #tpu.memory_space<vmem_shared>>
      %dma_wait3A_482 = tpu.memref_slice %arg8[%mul3A_432] : memref<16384xf32, #tpu.memory_space<vmem_shared>> -> memref<1024xf32, #tpu.memory_space<vmem_shared>>
      tpu.wait_dma2 semaphore(%run_scoped3A_480 : memref<!tpu.dma_semaphore, #tpu.memory_space<semaphore_mem>>) src(%arg5 : memref<1024xf32, #tpu.memory_space<vmem>>) dst(%dma_wait3A_482 : memref<1024xf32, #tpu.memory_space<vmem_shared>>)
      tpu.yield
    }) : () -> ()
    %barrier3A = arith.constant 0 : index
    tpu.barrier barrier_id(%barrier3A)
    %scan3A = arith.constant 0 : i32
    %scan3A_433 = arith.constant 0 : i32
    %scan3A_434 = arith.constant 79 : i32
    %scan3A_435 = arith.addi %scan3A_433, %scan3A_434 : i32
    %scan3A_436 = arith.constant 1 : i32
    scf.for %scan3A_480 = %scan3A_433 to %scan3A_435 step %scan3A_436  : i32 {
      "tpu.region"() ({
        %run_scoped3A_481 = tpu.sem_alloc : memref<!tpu.dma_semaphore, #tpu.memory_space<semaphore_mem>>
        %dma_start3A = arith.constant 0 : i32
        %dma_start3A_482 = tpu.memref_slice %arg4[%scan3A_480, %dma_start3A] : memref<79x128xi32, #tpu.memory_space<vmem>> -> memref<1x128xi32, #tpu.memory_space<vmem>>
        %dma_start3A_483 = tpu.memref_squeeze %dma_start3A_482 : memref<1x128xi32, #tpu.memory_space<vmem>> -> memref<128xi32, #tpu.memory_space<vmem>>
        %dma_start3A_484 = arith.constant 0 : i32
        %dma_start3A_485 = tpu.memref_slice %arg8[%dma_start3A_484] : memref<16384xf32, #tpu.memory_space<vmem_shared>> -> memref<16384xf32, #tpu.memory_space<vmem_shared>>
        tpu.enqueue_indirect_dma source(%arg6 : memref<128xf32, #tpu.memory_space<vmem>>) target(%dma_start3A_485 : memref<16384xf32, #tpu.memory_space<vmem_shared>>) offsets(%dma_start3A_483 : memref<128xi32, #tpu.memory_space<vmem>>) semaphore(%run_scoped3A_481 : memref<!tpu.dma_semaphore, #tpu.memory_space<semaphore_mem>>) {add = true}
        %dma_wait3A = arith.constant 0 : i32
        %dma_wait3A_486 = tpu.memref_slice %arg4[%scan3A_480, %dma_wait3A] : memref<79x128xi32, #tpu.memory_space<vmem>> -> memref<1x128xi32, #tpu.memory_space<vmem>>
        %dma_wait3A_487 = tpu.memref_squeeze %dma_wait3A_486 : memref<1x128xi32, #tpu.memory_space<vmem>> -> memref<128xi32, #tpu.memory_space<vmem>>
        %dma_wait3A_488 = arith.constant 0 : i32
        %dma_wait3A_489 = tpu.memref_slice %arg8[%dma_wait3A_488] : memref<16384xf32, #tpu.memory_space<vmem_shared>> -> memref<16384xf32, #tpu.memory_space<vmem_shared>>
        tpu.wait_indirect_dma semaphore(%run_scoped3A_481 : memref<!tpu.dma_semaphore, #tpu.memory_space<semaphore_mem>>) src(%arg6 : memref<128xf32, #tpu.memory_space<vmem>>) dst(%dma_wait3A_489 : memref<16384xf32, #tpu.memory_space<vmem_shared>>)
        tpu.yield
      }) : () -> ()
    }
    %scan3A_437 = arith.constant 79 : i32
    %barrier3A_438 = arith.constant 0 : index
    tpu.barrier barrier_id(%barrier3A_438)
    %mul3A_439 = arith.constant 1024 : i32
    %mul3A_440 = arith.muli %arg1, %mul3A_439 : i32
    %add3A_441 = arith.constant 0 : i32
    %add3A_442 = arith.addi %mul3A_440, %add3A_441 : i32
    %run_scoped3A = arith.constant 0 : i32
    "tpu.region"() ({
      %run_scoped3A_480 = tpu.sem_alloc : memref<!tpu.dma_semaphore, #tpu.memory_space<semaphore_mem>>
      %dma_start3A = arith.constant 0 : i32
      %dma_start3A_481 = tpu.memref_slice %arg7[%run_scoped3A, %dma_start3A] : memref<8x128xf32, #tpu.memory_space<vmem>> -> memref<1x128xf32, #tpu.memory_space<vmem>>
      %dma_start3A_482 = tpu.memref_squeeze %dma_start3A_481 : memref<1x128xf32, #tpu.memory_space<vmem>> -> memref<128xf32, #tpu.memory_space<vmem>>
      %dma_start3A_483 = tpu.memref_slice %arg8[%add3A_442] : memref<16384xf32, #tpu.memory_space<vmem_shared>> -> memref<128xf32, #tpu.memory_space<vmem_shared>>
      %dma_start3A_484 = arith.constant 0 : i32
      %dma_start3A_485 = tpu.memref_slice %arg7[%run_scoped3A, %dma_start3A_484] : memref<8x128xf32, #tpu.memory_space<vmem>> -> memref<1x128xf32, #tpu.memory_space<vmem>>
      %dma_start3A_486 = tpu.memref_squeeze %dma_start3A_485 : memref<1x128xf32, #tpu.memory_space<vmem>> -> memref<128xf32, #tpu.memory_space<vmem>>
      %dma_start3A_487 = tpu.memref_slice %arg8[%add3A_442] : memref<16384xf32, #tpu.memory_space<vmem_shared>> -> memref<128xf32, #tpu.memory_space<vmem_shared>>
      tpu.enqueue_dma source(%dma_start3A_487 : memref<128xf32, #tpu.memory_space<vmem_shared>>) target(%dma_start3A_486 : memref<128xf32, #tpu.memory_space<vmem>>) target_semaphore(%run_scoped3A_480 : memref<!tpu.dma_semaphore, #tpu.memory_space<semaphore_mem>>)
      %dma_wait3A = arith.constant 0 : i32
      %dma_wait3A_488 = tpu.memref_slice %arg7[%run_scoped3A, %dma_wait3A] : memref<8x128xf32, #tpu.memory_space<vmem>> -> memref<1x128xf32, #tpu.memory_space<vmem>>
      %dma_wait3A_489 = tpu.memref_squeeze %dma_wait3A_488 : memref<1x128xf32, #tpu.memory_space<vmem>> -> memref<128xf32, #tpu.memory_space<vmem>>
      %dma_wait3A_490 = tpu.memref_slice %arg8[%add3A_442] : memref<16384xf32, #tpu.memory_space<vmem_shared>> -> memref<128xf32, #tpu.memory_space<vmem_shared>>
      %dma_wait3A_491 = arith.constant 0 : i32
      %dma_wait3A_492 = tpu.memref_slice %arg7[%run_scoped3A, %dma_wait3A_491] : memref<8x128xf32, #tpu.memory_space<vmem>> -> memref<1x128xf32, #tpu.memory_space<vmem>>
      %dma_wait3A_493 = tpu.memref_squeeze %dma_wait3A_492 : memref<1x128xf32, #tpu.memory_space<vmem>> -> memref<128xf32, #tpu.memory_space<vmem>>
      %dma_wait3A_494 = tpu.memref_slice %arg8[%add3A_442] : memref<16384xf32, #tpu.memory_space<vmem_shared>> -> memref<128xf32, #tpu.memory_space<vmem_shared>>
      tpu.wait_dma2 semaphore(%run_scoped3A_480 : memref<!tpu.dma_semaphore, #tpu.memory_space<semaphore_mem>>) src(%dma_wait3A_494 : memref<128xf32, #tpu.memory_space<vmem_shared>>) dst(%dma_wait3A_493 : memref<128xf32, #tpu.memory_space<vmem>>)
      tpu.yield
    }) : () -> ()
    %mul3A_443 = arith.constant 1024 : i32
    %mul3A_444 = arith.muli %arg1, %mul3A_443 : i32
    %add3A_445 = arith.constant 128 : i32
    %add3A_446 = arith.addi %mul3A_444, %add3A_445 : i32
    %run_scoped3A_447 = arith.constant 1 : i32
    "tpu.region"() ({
      %run_scoped3A_480 = tpu.sem_alloc : memref<!tpu.dma_semaphore, #tpu.memory_space<semaphore_mem>>
      %dma_start3A = arith.constant 0 : i32
      %dma_start3A_481 = tpu.memref_slice %arg7[%run_scoped3A_447, %dma_start3A] : memref<8x128xf32, #tpu.memory_space<vmem>> -> memref<1x128xf32, #tpu.memory_space<vmem>>
      %dma_start3A_482 = tpu.memref_squeeze %dma_start3A_481 : memref<1x128xf32, #tpu.memory_space<vmem>> -> memref<128xf32, #tpu.memory_space<vmem>>
      %dma_start3A_483 = tpu.memref_slice %arg8[%add3A_446] : memref<16384xf32, #tpu.memory_space<vmem_shared>> -> memref<128xf32, #tpu.memory_space<vmem_shared>>
      %dma_start3A_484 = arith.constant 0 : i32
      %dma_start3A_485 = tpu.memref_slice %arg7[%run_scoped3A_447, %dma_start3A_484] : memref<8x128xf32, #tpu.memory_space<vmem>> -> memref<1x128xf32, #tpu.memory_space<vmem>>
      %dma_start3A_486 = tpu.memref_squeeze %dma_start3A_485 : memref<1x128xf32, #tpu.memory_space<vmem>> -> memref<128xf32, #tpu.memory_space<vmem>>
      %dma_start3A_487 = tpu.memref_slice %arg8[%add3A_446] : memref<16384xf32, #tpu.memory_space<vmem_shared>> -> memref<128xf32, #tpu.memory_space<vmem_shared>>
      tpu.enqueue_dma source(%dma_start3A_487 : memref<128xf32, #tpu.memory_space<vmem_shared>>) target(%dma_start3A_486 : memref<128xf32, #tpu.memory_space<vmem>>) target_semaphore(%run_scoped3A_480 : memref<!tpu.dma_semaphore, #tpu.memory_space<semaphore_mem>>)
      %dma_wait3A = arith.constant 0 : i32
      %dma_wait3A_488 = tpu.memref_slice %arg7[%run_scoped3A_447, %dma_wait3A] : memref<8x128xf32, #tpu.memory_space<vmem>> -> memref<1x128xf32, #tpu.memory_space<vmem>>
      %dma_wait3A_489 = tpu.memref_squeeze %dma_wait3A_488 : memref<1x128xf32, #tpu.memory_space<vmem>> -> memref<128xf32, #tpu.memory_space<vmem>>
      %dma_wait3A_490 = tpu.memref_slice %arg8[%add3A_446] : memref<16384xf32, #tpu.memory_space<vmem_shared>> -> memref<128xf32, #tpu.memory_space<vmem_shared>>
      %dma_wait3A_491 = arith.constant 0 : i32
      %dma_wait3A_492 = tpu.memref_slice %arg7[%run_scoped3A_447, %dma_wait3A_491] : memref<8x128xf32, #tpu.memory_space<vmem>> -> memref<1x128xf32, #tpu.memory_space<vmem>>
      %dma_wait3A_493 = tpu.memref_squeeze %dma_wait3A_492 : memref<1x128xf32, #tpu.memory_space<vmem>> -> memref<128xf32, #tpu.memory_space<vmem>>
      %dma_wait3A_494 = tpu.memref_slice %arg8[%add3A_446] : memref<16384xf32, #tpu.memory_space<vmem_shared>> -> memref<128xf32, #tpu.memory_space<vmem_shared>>
      tpu.wait_dma2 semaphore(%run_scoped3A_480 : memref<!tpu.dma_semaphore, #tpu.memory_space<semaphore_mem>>) src(%dma_wait3A_494 : memref<128xf32, #tpu.memory_space<vmem_shared>>) dst(%dma_wait3A_493 : memref<128xf32, #tpu.memory_space<vmem>>)
      tpu.yield
    }) : () -> ()
    %mul3A_448 = arith.constant 1024 : i32
    %mul3A_449 = arith.muli %arg1, %mul3A_448 : i32
    %add3A_450 = arith.constant 256 : i32
    %add3A_451 = arith.addi %mul3A_449, %add3A_450 : i32
    %run_scoped3A_452 = arith.constant 2 : i32
    "tpu.region"() ({
      %run_scoped3A_480 = tpu.sem_alloc : memref<!tpu.dma_semaphore, #tpu.memory_space<semaphore_mem>>
      %dma_start3A = arith.constant 0 : i32
      %dma_start3A_481 = tpu.memref_slice %arg7[%run_scoped3A_452, %dma_start3A] : memref<8x128xf32, #tpu.memory_space<vmem>> -> memref<1x128xf32, #tpu.memory_space<vmem>>
      %dma_start3A_482 = tpu.memref_squeeze %dma_start3A_481 : memref<1x128xf32, #tpu.memory_space<vmem>> -> memref<128xf32, #tpu.memory_space<vmem>>
      %dma_start3A_483 = tpu.memref_slice %arg8[%add3A_451] : memref<16384xf32, #tpu.memory_space<vmem_shared>> -> memref<128xf32, #tpu.memory_space<vmem_shared>>
      %dma_start3A_484 = arith.constant 0 : i32
      %dma_start3A_485 = tpu.memref_slice %arg7[%run_scoped3A_452, %dma_start3A_484] : memref<8x128xf32, #tpu.memory_space<vmem>> -> memref<1x128xf32, #tpu.memory_space<vmem>>
      %dma_start3A_486 = tpu.memref_squeeze %dma_start3A_485 : memref<1x128xf32, #tpu.memory_space<vmem>> -> memref<128xf32, #tpu.memory_space<vmem>>
      %dma_start3A_487 = tpu.memref_slice %arg8[%add3A_451] : memref<16384xf32, #tpu.memory_space<vmem_shared>> -> memref<128xf32, #tpu.memory_space<vmem_shared>>
      tpu.enqueue_dma source(%dma_start3A_487 : memref<128xf32, #tpu.memory_space<vmem_shared>>) target(%dma_start3A_486 : memref<128xf32, #tpu.memory_space<vmem>>) target_semaphore(%run_scoped3A_480 : memref<!tpu.dma_semaphore, #tpu.memory_space<semaphore_mem>>)
      %dma_wait3A = arith.constant 0 : i32
      %dma_wait3A_488 = tpu.memref_slice %arg7[%run_scoped3A_452, %dma_wait3A] : memref<8x128xf32, #tpu.memory_space<vmem>> -> memref<1x128xf32, #tpu.memory_space<vmem>>
      %dma_wait3A_489 = tpu.memref_squeeze %dma_wait3A_488 : memref<1x128xf32, #tpu.memory_space<vmem>> -> memref<128xf32, #tpu.memory_space<vmem>>
      %dma_wait3A_490 = tpu.memref_slice %arg8[%add3A_451] : memref<16384xf32, #tpu.memory_space<vmem_shared>> -> memref<128xf32, #tpu.memory_space<vmem_shared>>
      %dma_wait3A_491 = arith.constant 0 : i32
      %dma_wait3A_492 = tpu.memref_slice %arg7[%run_scoped3A_452, %dma_wait3A_491] : memref<8x128xf32, #tpu.memory_space<vmem>> -> memref<1x128xf32, #tpu.memory_space<vmem>>
      %dma_wait3A_493 = tpu.memref_squeeze %dma_wait3A_492 : memref<1x128xf32, #tpu.memory_space<vmem>> -> memref<128xf32, #tpu.memory_space<vmem>>
      %dma_wait3A_494 = tpu.memref_slice %arg8[%add3A_451] : memref<16384xf32, #tpu.memory_space<vmem_shared>> -> memref<128xf32, #tpu.memory_space<vmem_shared>>
      tpu.wait_dma2 semaphore(%run_scoped3A_480 : memref<!tpu.dma_semaphore, #tpu.memory_space<semaphore_mem>>) src(%dma_wait3A_494 : memref<128xf32, #tpu.memory_space<vmem_shared>>) dst(%dma_wait3A_493 : memref<128xf32, #tpu.memory_space<vmem>>)
      tpu.yield
    }) : () -> ()
    %mul3A_453 = arith.constant 1024 : i32
    %mul3A_454 = arith.muli %arg1, %mul3A_453 : i32
    %add3A_455 = arith.constant 384 : i32
    %add3A_456 = arith.addi %mul3A_454, %add3A_455 : i32
    %run_scoped3A_457 = arith.constant 3 : i32
    "tpu.region"() ({
      %run_scoped3A_480 = tpu.sem_alloc : memref<!tpu.dma_semaphore, #tpu.memory_space<semaphore_mem>>
      %dma_start3A = arith.constant 0 : i32
      %dma_start3A_481 = tpu.memref_slice %arg7[%run_scoped3A_457, %dma_start3A] : memref<8x128xf32, #tpu.memory_space<vmem>> -> memref<1x128xf32, #tpu.memory_space<vmem>>
      %dma_start3A_482 = tpu.memref_squeeze %dma_start3A_481 : memref<1x128xf32, #tpu.memory_space<vmem>> -> memref<128xf32, #tpu.memory_space<vmem>>
      %dma_start3A_483 = tpu.memref_slice %arg8[%add3A_456] : memref<16384xf32, #tpu.memory_space<vmem_shared>> -> memref<128xf32, #tpu.memory_space<vmem_shared>>
      %dma_start3A_484 = arith.constant 0 : i32
      %dma_start3A_485 = tpu.memref_slice %arg7[%run_scoped3A_457, %dma_start3A_484] : memref<8x128xf32, #tpu.memory_space<vmem>> -> memref<1x128xf32, #tpu.memory_space<vmem>>
      %dma_start3A_486 = tpu.memref_squeeze %dma_start3A_485 : memref<1x128xf32, #tpu.memory_space<vmem>> -> memref<128xf32, #tpu.memory_space<vmem>>
      %dma_start3A_487 = tpu.memref_slice %arg8[%add3A_456] : memref<16384xf32, #tpu.memory_space<vmem_shared>> -> memref<128xf32, #tpu.memory_space<vmem_shared>>
      tpu.enqueue_dma source(%dma_start3A_487 : memref<128xf32, #tpu.memory_space<vmem_shared>>) target(%dma_start3A_486 : memref<128xf32, #tpu.memory_space<vmem>>) target_semaphore(%run_scoped3A_480 : memref<!tpu.dma_semaphore, #tpu.memory_space<semaphore_mem>>)
      %dma_wait3A = arith.constant 0 : i32
      %dma_wait3A_488 = tpu.memref_slice %arg7[%run_scoped3A_457, %dma_wait3A] : memref<8x128xf32, #tpu.memory_space<vmem>> -> memref<1x128xf32, #tpu.memory_space<vmem>>
      %dma_wait3A_489 = tpu.memref_squeeze %dma_wait3A_488 : memref<1x128xf32, #tpu.memory_space<vmem>> -> memref<128xf32, #tpu.memory_space<vmem>>
      %dma_wait3A_490 = tpu.memref_slice %arg8[%add3A_456] : memref<16384xf32, #tpu.memory_space<vmem_shared>> -> memref<128xf32, #tpu.memory_space<vmem_shared>>
      %dma_wait3A_491 = arith.constant 0 : i32
      %dma_wait3A_492 = tpu.memref_slice %arg7[%run_scoped3A_457, %dma_wait3A_491] : memref<8x128xf32, #tpu.memory_space<vmem>> -> memref<1x128xf32, #tpu.memory_space<vmem>>
      %dma_wait3A_493 = tpu.memref_squeeze %dma_wait3A_492 : memref<1x128xf32, #tpu.memory_space<vmem>> -> memref<128xf32, #tpu.memory_space<vmem>>
      %dma_wait3A_494 = tpu.memref_slice %arg8[%add3A_456] : memref<16384xf32, #tpu.memory_space<vmem_shared>> -> memref<128xf32, #tpu.memory_space<vmem_shared>>
      tpu.wait_dma2 semaphore(%run_scoped3A_480 : memref<!tpu.dma_semaphore, #tpu.memory_space<semaphore_mem>>) src(%dma_wait3A_494 : memref<128xf32, #tpu.memory_space<vmem_shared>>) dst(%dma_wait3A_493 : memref<128xf32, #tpu.memory_space<vmem>>)
      tpu.yield
    }) : () -> ()
    %mul3A_458 = arith.constant 1024 : i32
    %mul3A_459 = arith.muli %arg1, %mul3A_458 : i32
    %add3A_460 = arith.constant 512 : i32
    %add3A_461 = arith.addi %mul3A_459, %add3A_460 : i32
    %run_scoped3A_462 = arith.constant 4 : i32
    "tpu.region"() ({
      %run_scoped3A_480 = tpu.sem_alloc : memref<!tpu.dma_semaphore, #tpu.memory_space<semaphore_mem>>
      %dma_start3A = arith.constant 0 : i32
      %dma_start3A_481 = tpu.memref_slice %arg7[%run_scoped3A_462, %dma_start3A] : memref<8x128xf32, #tpu.memory_space<vmem>> -> memref<1x128xf32, #tpu.memory_space<vmem>>
      %dma_start3A_482 = tpu.memref_squeeze %dma_start3A_481 : memref<1x128xf32, #tpu.memory_space<vmem>> -> memref<128xf32, #tpu.memory_space<vmem>>
      %dma_start3A_483 = tpu.memref_slice %arg8[%add3A_461] : memref<16384xf32, #tpu.memory_space<vmem_shared>> -> memref<128xf32, #tpu.memory_space<vmem_shared>>
      %dma_start3A_484 = arith.constant 0 : i32
      %dma_start3A_485 = tpu.memref_slice %arg7[%run_scoped3A_462, %dma_start3A_484] : memref<8x128xf32, #tpu.memory_space<vmem>> -> memref<1x128xf32, #tpu.memory_space<vmem>>
      %dma_start3A_486 = tpu.memref_squeeze %dma_start3A_485 : memref<1x128xf32, #tpu.memory_space<vmem>> -> memref<128xf32, #tpu.memory_space<vmem>>
      %dma_start3A_487 = tpu.memref_slice %arg8[%add3A_461] : memref<16384xf32, #tpu.memory_space<vmem_shared>> -> memref<128xf32, #tpu.memory_space<vmem_shared>>
      tpu.enqueue_dma source(%dma_start3A_487 : memref<128xf32, #tpu.memory_space<vmem_shared>>) target(%dma_start3A_486 : memref<128xf32, #tpu.memory_space<vmem>>) target_semaphore(%run_scoped3A_480 : memref<!tpu.dma_semaphore, #tpu.memory_space<semaphore_mem>>)
      %dma_wait3A = arith.constant 0 : i32
      %dma_wait3A_488 = tpu.memref_slice %arg7[%run_scoped3A_462, %dma_wait3A] : memref<8x128xf32, #tpu.memory_space<vmem>> -> memref<1x128xf32, #tpu.memory_space<vmem>>
      %dma_wait3A_489 = tpu.memref_squeeze %dma_wait3A_488 : memref<1x128xf32, #tpu.memory_space<vmem>> -> memref<128xf32, #tpu.memory_space<vmem>>
      %dma_wait3A_490 = tpu.memref_slice %arg8[%add3A_461] : memref<16384xf32, #tpu.memory_space<vmem_shared>> -> memref<128xf32, #tpu.memory_space<vmem_shared>>
      %dma_wait3A_491 = arith.constant 0 : i32
      %dma_wait3A_492 = tpu.memref_slice %arg7[%run_scoped3A_462, %dma_wait3A_491] : memref<8x128xf32, #tpu.memory_space<vmem>> -> memref<1x128xf32, #tpu.memory_space<vmem>>
      %dma_wait3A_493 = tpu.memref_squeeze %dma_wait3A_492 : memref<1x128xf32, #tpu.memory_space<vmem>> -> memref<128xf32, #tpu.memory_space<vmem>>
      %dma_wait3A_494 = tpu.memref_slice %arg8[%add3A_461] : memref<16384xf32, #tpu.memory_space<vmem_shared>> -> memref<128xf32, #tpu.memory_space<vmem_shared>>
      tpu.wait_dma2 semaphore(%run_scoped3A_480 : memref<!tpu.dma_semaphore, #tpu.memory_space<semaphore_mem>>) src(%dma_wait3A_494 : memref<128xf32, #tpu.memory_space<vmem_shared>>) dst(%dma_wait3A_493 : memref<128xf32, #tpu.memory_space<vmem>>)
      tpu.yield
    }) : () -> ()
    %mul3A_463 = arith.constant 1024 : i32
    %mul3A_464 = arith.muli %arg1, %mul3A_463 : i32
    %add3A_465 = arith.constant 640 : i32
    %add3A_466 = arith.addi %mul3A_464, %add3A_465 : i32
    %run_scoped3A_467 = arith.constant 5 : i32
    "tpu.region"() ({
      %run_scoped3A_480 = tpu.sem_alloc : memref<!tpu.dma_semaphore, #tpu.memory_space<semaphore_mem>>
      %dma_start3A = arith.constant 0 : i32
      %dma_start3A_481 = tpu.memref_slice %arg7[%run_scoped3A_467, %dma_start3A] : memref<8x128xf32, #tpu.memory_space<vmem>> -> memref<1x128xf32, #tpu.memory_space<vmem>>
      %dma_start3A_482 = tpu.memref_squeeze %dma_start3A_481 : memref<1x128xf32, #tpu.memory_space<vmem>> -> memref<128xf32, #tpu.memory_space<vmem>>
      %dma_start3A_483 = tpu.memref_slice %arg8[%add3A_466] : memref<16384xf32, #tpu.memory_space<vmem_shared>> -> memref<128xf32, #tpu.memory_space<vmem_shared>>
      %dma_start3A_484 = arith.constant 0 : i32
      %dma_start3A_485 = tpu.memref_slice %arg7[%run_scoped3A_467, %dma_start3A_484] : memref<8x128xf32, #tpu.memory_space<vmem>> -> memref<1x128xf32, #tpu.memory_space<vmem>>
      %dma_start3A_486 = tpu.memref_squeeze %dma_start3A_485 : memref<1x128xf32, #tpu.memory_space<vmem>> -> memref<128xf32, #tpu.memory_space<vmem>>
      %dma_start3A_487 = tpu.memref_slice %arg8[%add3A_466] : memref<16384xf32, #tpu.memory_space<vmem_shared>> -> memref<128xf32, #tpu.memory_space<vmem_shared>>
      tpu.enqueue_dma source(%dma_start3A_487 : memref<128xf32, #tpu.memory_space<vmem_shared>>) target(%dma_start3A_486 : memref<128xf32, #tpu.memory_space<vmem>>) target_semaphore(%run_scoped3A_480 : memref<!tpu.dma_semaphore, #tpu.memory_space<semaphore_mem>>)
      %dma_wait3A = arith.constant 0 : i32
      %dma_wait3A_488 = tpu.memref_slice %arg7[%run_scoped3A_467, %dma_wait3A] : memref<8x128xf32, #tpu.memory_space<vmem>> -> memref<1x128xf32, #tpu.memory_space<vmem>>
      %dma_wait3A_489 = tpu.memref_squeeze %dma_wait3A_488 : memref<1x128xf32, #tpu.memory_space<vmem>> -> memref<128xf32, #tpu.memory_space<vmem>>
      %dma_wait3A_490 = tpu.memref_slice %arg8[%add3A_466] : memref<16384xf32, #tpu.memory_space<vmem_shared>> -> memref<128xf32, #tpu.memory_space<vmem_shared>>
      %dma_wait3A_491 = arith.constant 0 : i32
      %dma_wait3A_492 = tpu.memref_slice %arg7[%run_scoped3A_467, %dma_wait3A_491] : memref<8x128xf32, #tpu.memory_space<vmem>> -> memref<1x128xf32, #tpu.memory_space<vmem>>
      %dma_wait3A_493 = tpu.memref_squeeze %dma_wait3A_492 : memref<1x128xf32, #tpu.memory_space<vmem>> -> memref<128xf32, #tpu.memory_space<vmem>>
      %dma_wait3A_494 = tpu.memref_slice %arg8[%add3A_466] : memref<16384xf32, #tpu.memory_space<vmem_shared>> -> memref<128xf32, #tpu.memory_space<vmem_shared>>
      tpu.wait_dma2 semaphore(%run_scoped3A_480 : memref<!tpu.dma_semaphore, #tpu.memory_space<semaphore_mem>>) src(%dma_wait3A_494 : memref<128xf32, #tpu.memory_space<vmem_shared>>) dst(%dma_wait3A_493 : memref<128xf32, #tpu.memory_space<vmem>>)
      tpu.yield
    }) : () -> ()
    %mul3A_468 = arith.constant 1024 : i32
    %mul3A_469 = arith.muli %arg1, %mul3A_468 : i32
    %add3A_470 = arith.constant 768 : i32
    %add3A_471 = arith.addi %mul3A_469, %add3A_470 : i32
    %run_scoped3A_472 = arith.constant 6 : i32
    "tpu.region"() ({
      %run_scoped3A_480 = tpu.sem_alloc : memref<!tpu.dma_semaphore, #tpu.memory_space<semaphore_mem>>
      %dma_start3A = arith.constant 0 : i32
      %dma_start3A_481 = tpu.memref_slice %arg7[%run_scoped3A_472, %dma_start3A] : memref<8x128xf32, #tpu.memory_space<vmem>> -> memref<1x128xf32, #tpu.memory_space<vmem>>
      %dma_start3A_482 = tpu.memref_squeeze %dma_start3A_481 : memref<1x128xf32, #tpu.memory_space<vmem>> -> memref<128xf32, #tpu.memory_space<vmem>>
      %dma_start3A_483 = tpu.memref_slice %arg8[%add3A_471] : memref<16384xf32, #tpu.memory_space<vmem_shared>> -> memref<128xf32, #tpu.memory_space<vmem_shared>>
      %dma_start3A_484 = arith.constant 0 : i32
      %dma_start3A_485 = tpu.memref_slice %arg7[%run_scoped3A_472, %dma_start3A_484] : memref<8x128xf32, #tpu.memory_space<vmem>> -> memref<1x128xf32, #tpu.memory_space<vmem>>
      %dma_start3A_486 = tpu.memref_squeeze %dma_start3A_485 : memref<1x128xf32, #tpu.memory_space<vmem>> -> memref<128xf32, #tpu.memory_space<vmem>>
      %dma_start3A_487 = tpu.memref_slice %arg8[%add3A_471] : memref<16384xf32, #tpu.memory_space<vmem_shared>> -> memref<128xf32, #tpu.memory_space<vmem_shared>>
      tpu.enqueue_dma source(%dma_start3A_487 : memref<128xf32, #tpu.memory_space<vmem_shared>>) target(%dma_start3A_486 : memref<128xf32, #tpu.memory_space<vmem>>) target_semaphore(%run_scoped3A_480 : memref<!tpu.dma_semaphore, #tpu.memory_space<semaphore_mem>>)
      %dma_wait3A = arith.constant 0 : i32
      %dma_wait3A_488 = tpu.memref_slice %arg7[%run_scoped3A_472, %dma_wait3A] : memref<8x128xf32, #tpu.memory_space<vmem>> -> memref<1x128xf32, #tpu.memory_space<vmem>>
      %dma_wait3A_489 = tpu.memref_squeeze %dma_wait3A_488 : memref<1x128xf32, #tpu.memory_space<vmem>> -> memref<128xf32, #tpu.memory_space<vmem>>
      %dma_wait3A_490 = tpu.memref_slice %arg8[%add3A_471] : memref<16384xf32, #tpu.memory_space<vmem_shared>> -> memref<128xf32, #tpu.memory_space<vmem_shared>>
      %dma_wait3A_491 = arith.constant 0 : i32
      %dma_wait3A_492 = tpu.memref_slice %arg7[%run_scoped3A_472, %dma_wait3A_491] : memref<8x128xf32, #tpu.memory_space<vmem>> -> memref<1x128xf32, #tpu.memory_space<vmem>>
      %dma_wait3A_493 = tpu.memref_squeeze %dma_wait3A_492 : memref<1x128xf32, #tpu.memory_space<vmem>> -> memref<128xf32, #tpu.memory_space<vmem>>
      %dma_wait3A_494 = tpu.memref_slice %arg8[%add3A_471] : memref<16384xf32, #tpu.memory_space<vmem_shared>> -> memref<128xf32, #tpu.memory_space<vmem_shared>>
      tpu.wait_dma2 semaphore(%run_scoped3A_480 : memref<!tpu.dma_semaphore, #tpu.memory_space<semaphore_mem>>) src(%dma_wait3A_494 : memref<128xf32, #tpu.memory_space<vmem_shared>>) dst(%dma_wait3A_493 : memref<128xf32, #tpu.memory_space<vmem>>)
      tpu.yield
    }) : () -> ()
    %mul3A_473 = arith.constant 1024 : i32
    %mul3A_474 = arith.muli %arg1, %mul3A_473 : i32
    %add3A_475 = arith.constant 896 : i32
    %add3A_476 = arith.addi %mul3A_474, %add3A_475 : i32
    %run_scoped3A_477 = arith.constant 7 : i32
    "tpu.region"() ({
      %run_scoped3A_480 = tpu.sem_alloc : memref<!tpu.dma_semaphore, #tpu.memory_space<semaphore_mem>>
      %dma_start3A = arith.constant 0 : i32
      %dma_start3A_481 = tpu.memref_slice %arg7[%run_scoped3A_477, %dma_start3A] : memref<8x128xf32, #tpu.memory_space<vmem>> -> memref<1x128xf32, #tpu.memory_space<vmem>>
      %dma_start3A_482 = tpu.memref_squeeze %dma_start3A_481 : memref<1x128xf32, #tpu.memory_space<vmem>> -> memref<128xf32, #tpu.memory_space<vmem>>
      %dma_start3A_483 = tpu.memref_slice %arg8[%add3A_476] : memref<16384xf32, #tpu.memory_space<vmem_shared>> -> memref<128xf32, #tpu.memory_space<vmem_shared>>
      %dma_start3A_484 = arith.constant 0 : i32
      %dma_start3A_485 = tpu.memref_slice %arg7[%run_scoped3A_477, %dma_start3A_484] : memref<8x128xf32, #tpu.memory_space<vmem>> -> memref<1x128xf32, #tpu.memory_space<vmem>>
      %dma_start3A_486 = tpu.memref_squeeze %dma_start3A_485 : memref<1x128xf32, #tpu.memory_space<vmem>> -> memref<128xf32, #tpu.memory_space<vmem>>
      %dma_start3A_487 = tpu.memref_slice %arg8[%add3A_476] : memref<16384xf32, #tpu.memory_space<vmem_shared>> -> memref<128xf32, #tpu.memory_space<vmem_shared>>
      tpu.enqueue_dma source(%dma_start3A_487 : memref<128xf32, #tpu.memory_space<vmem_shared>>) target(%dma_start3A_486 : memref<128xf32, #tpu.memory_space<vmem>>) target_semaphore(%run_scoped3A_480 : memref<!tpu.dma_semaphore, #tpu.memory_space<semaphore_mem>>)
      %dma_wait3A = arith.constant 0 : i32
      %dma_wait3A_488 = tpu.memref_slice %arg7[%run_scoped3A_477, %dma_wait3A] : memref<8x128xf32, #tpu.memory_space<vmem>> -> memref<1x128xf32, #tpu.memory_space<vmem>>
      %dma_wait3A_489 = tpu.memref_squeeze %dma_wait3A_488 : memref<1x128xf32, #tpu.memory_space<vmem>> -> memref<128xf32, #tpu.memory_space<vmem>>
      %dma_wait3A_490 = tpu.memref_slice %arg8[%add3A_476] : memref<16384xf32, #tpu.memory_space<vmem_shared>> -> memref<128xf32, #tpu.memory_space<vmem_shared>>
      %dma_wait3A_491 = arith.constant 0 : i32
      %dma_wait3A_492 = tpu.memref_slice %arg7[%run_scoped3A_477, %dma_wait3A_491] : memref<8x128xf32, #tpu.memory_space<vmem>> -> memref<1x128xf32, #tpu.memory_space<vmem>>
      %dma_wait3A_493 = tpu.memref_squeeze %dma_wait3A_492 : memref<1x128xf32, #tpu.memory_space<vmem>> -> memref<128xf32, #tpu.memory_space<vmem>>
      %dma_wait3A_494 = tpu.memref_slice %arg8[%add3A_476] : memref<16384xf32, #tpu.memory_space<vmem_shared>> -> memref<128xf32, #tpu.memory_space<vmem_shared>>
      tpu.wait_dma2 semaphore(%run_scoped3A_480 : memref<!tpu.dma_semaphore, #tpu.memory_space<semaphore_mem>>) src(%dma_wait3A_494 : memref<128xf32, #tpu.memory_space<vmem_shared>>) dst(%dma_wait3A_493 : memref<128xf32, #tpu.memory_space<vmem>>)
      tpu.yield
    }) : () -> ()
    %mul3A_478 = arith.constant 8 : i32
    %mul3A_479 = arith.muli %arg1, %mul3A_478 : i32
    "tpu.region"() ({
      %run_scoped3A_480 = tpu.sem_alloc : memref<!tpu.dma_semaphore, #tpu.memory_space<semaphore_mem>>
      %dma_start3A = arith.constant 0 : i32
      %dma_start3A_481 = arith.constant 0 : i32
      %dma_start3A_482 = tpu.memref_slice %arg3[%arg0, %dma_start3A, %dma_start3A_481] : memref<2x128x128xf32, #tpu.memory_space<hbm>> -> memref<1x128x128xf32, #tpu.memory_space<hbm>>
      %dma_start3A_483 = tpu.memref_squeeze %dma_start3A_482 : memref<1x128x128xf32, #tpu.memory_space<hbm>> -> memref<128x128xf32, #tpu.memory_space<hbm>>
      %dma_start3A_484 = arith.constant 0 : i32
      %dma_start3A_485 = tpu.memref_slice %dma_start3A_483[%mul3A_479, %dma_start3A_484] : memref<128x128xf32, #tpu.memory_space<hbm>> -> memref<8x128xf32, #tpu.memory_space<hbm>>
      %dma_start3A_486 = arith.constant 0 : i32
      %dma_start3A_487 = arith.constant 0 : i32
      %dma_start3A_488 = tpu.memref_slice %arg3[%arg0, %dma_start3A_486, %dma_start3A_487] : memref<2x128x128xf32, #tpu.memory_space<hbm>> -> memref<1x128x128xf32, #tpu.memory_space<hbm>>
      %dma_start3A_489 = tpu.memref_squeeze %dma_start3A_488 : memref<1x128x128xf32, #tpu.memory_space<hbm>> -> memref<128x128xf32, #tpu.memory_space<hbm>>
      %dma_start3A_490 = arith.constant 0 : i32
      %dma_start3A_491 = tpu.memref_slice %dma_start3A_489[%mul3A_479, %dma_start3A_490] : memref<128x128xf32, #tpu.memory_space<hbm>> -> memref<8x128xf32, #tpu.memory_space<hbm>>
      tpu.enqueue_dma source(%arg7 : memref<8x128xf32, #tpu.memory_space<vmem>>) target(%dma_start3A_491 : memref<8x128xf32, #tpu.memory_space<hbm>>) target_semaphore(%run_scoped3A_480 : memref<!tpu.dma_semaphore, #tpu.memory_space<semaphore_mem>>)
      %dma_wait3A = arith.constant 0 : i32
      %dma_wait3A_492 = arith.constant 0 : i32
      %dma_wait3A_493 = tpu.memref_slice %arg3[%arg0, %dma_wait3A, %dma_wait3A_492] : memref<2x128x128xf32, #tpu.memory_space<hbm>> -> memref<1x128x128xf32, #tpu.memory_space<hbm>>
      %dma_wait3A_494 = tpu.memref_squeeze %dma_wait3A_493 : memref<1x128x128xf32, #tpu.memory_space<hbm>> -> memref<128x128xf32, #tpu.memory_space<hbm>>
      %dma_wait3A_495 = arith.constant 0 : i32
      %dma_wait3A_496 = tpu.memref_slice %dma_wait3A_494[%mul3A_479, %dma_wait3A_495] : memref<128x128xf32, #tpu.memory_space<hbm>> -> memref<8x128xf32, #tpu.memory_space<hbm>>
      %dma_wait3A_497 = arith.constant 0 : i32
      %dma_wait3A_498 = arith.constant 0 : i32
      %dma_wait3A_499 = tpu.memref_slice %arg3[%arg0, %dma_wait3A_497, %dma_wait3A_498] : memref<2x128x128xf32, #tpu.memory_space<hbm>> -> memref<1x128x128xf32, #tpu.memory_space<hbm>>
      %dma_wait3A_500 = tpu.memref_squeeze %dma_wait3A_499 : memref<1x128x128xf32, #tpu.memory_space<hbm>> -> memref<128x128xf32, #tpu.memory_space<hbm>>
      %dma_wait3A_501 = arith.constant 0 : i32
      %dma_wait3A_502 = tpu.memref_slice %dma_wait3A_500[%mul3A_479, %dma_wait3A_501] : memref<128x128xf32, #tpu.memory_space<hbm>> -> memref<8x128xf32, #tpu.memory_space<hbm>>
      tpu.wait_dma2 semaphore(%run_scoped3A_480 : memref<!tpu.dma_semaphore, #tpu.memory_space<semaphore_mem>>) src(%arg7 : memref<8x128xf32, #tpu.memory_space<vmem>>) dst(%dma_wait3A_502 : memref<8x128xf32, #tpu.memory_space<hbm>>)
      tpu.yield
    }) : () -> ()
    return
  }
}

#map = affine_map<(d0, d1) -> (0, 0)>
#map1 = affine_map<(d0, d1) -> (0, 0, 0)>
module attributes {stable_mosaic.version = 14 : i64} {
  func.func @_sc_aggregate(%arg0: i32, %arg1: i32, %arg2: memref<10000x128xf32, #tpu.memory_space<hbm>>, %arg3: memref<16x101x128xi32, #tpu.memory_space<hbm>>, %arg4: memref<16x101x128xi32, #tpu.memory_space<hbm>>, %arg5: memref<16x57x128xi32, #tpu.memory_space<hbm>>, %arg6: memref<16x57x128xi32, #tpu.memory_space<hbm>>, %arg7: memref<2x10000x128xf32, #tpu.memory_space<hbm>>, %arg8: memref<101x128xi32, #tpu.memory_space<vmem>>, %arg9: memref<101x128xi32, #tpu.memory_space<vmem>>, %arg10: memref<128x128xf32, #tpu.memory_space<vmem>>, %arg11: memref<10008x128xf32, #tpu.memory_space<vmem_shared>>, %arg12: memref<!tpu.dma_semaphore, #tpu.memory_space<semaphore_mem>>) attributes {dimension_semantics = [#tpu.dimension_semantics<core_parallel>, #tpu.dimension_semantics<subcore_parallel>], iteration_bounds = array<i64: 2, 16>, scalar_prefetch = 0 : i64, scratch_operands = 5 : i64, tpu.core_type = #tpu.core_type<sc_vector_subcore>, window_params = [{transform_indices = #map}, {transform_indices = #map1}, {transform_indices = #map1}, {transform_indices = #map1}, {transform_indices = #map1}, {transform_indices = #map1}]} {
    %mul3A = arith.constant 624 : i32
    %mul3A_0 = arith.muli %arg1, %mul3A : i32
    %mul3A_1 = arith.constant 624 : i32
    %mul3A_2 = arith.muli %arg1, %mul3A_1 : i32
    "tpu.region"() ({
      %run_scoped3A = tpu.sem_alloc : memref<!tpu.dma_semaphore, #tpu.memory_space<semaphore_mem>>
      %dma_start3A = arith.constant 0 : i32
      %dma_start3A_37 = tpu.memref_slice %arg11[%mul3A_2, %dma_start3A] : memref<10008x128xf32, #tpu.memory_space<vmem_shared>> -> memref<624x128xf32, #tpu.memory_space<vmem_shared>>
      %dma_start3A_38 = arith.constant 0 : i32
      %dma_start3A_39 = tpu.memref_slice %arg2[%mul3A_0, %dma_start3A_38] : memref<10000x128xf32, #tpu.memory_space<hbm>> -> memref<624x128xf32, #tpu.memory_space<hbm>>
      tpu.enqueue_dma source(%dma_start3A_39 : memref<624x128xf32, #tpu.memory_space<hbm>>) target(%dma_start3A_37 : memref<624x128xf32, #tpu.memory_space<vmem_shared>>) target_semaphore(%run_scoped3A : memref<!tpu.dma_semaphore, #tpu.memory_space<semaphore_mem>>)
      %dma_wait3A = arith.constant 0 : i32
      %dma_wait3A_40 = tpu.memref_slice %arg11[%mul3A_2, %dma_wait3A] : memref<10008x128xf32, #tpu.memory_space<vmem_shared>> -> memref<624x128xf32, #tpu.memory_space<vmem_shared>>
      %dma_wait3A_41 = arith.constant 0 : i32
      %dma_wait3A_42 = tpu.memref_slice %arg2[%mul3A_0, %dma_wait3A_41] : memref<10000x128xf32, #tpu.memory_space<hbm>> -> memref<624x128xf32, #tpu.memory_space<hbm>>
      tpu.wait_dma2 semaphore(%run_scoped3A : memref<!tpu.dma_semaphore, #tpu.memory_space<semaphore_mem>>) src(%dma_wait3A_42 : memref<624x128xf32, #tpu.memory_space<hbm>>) dst(%dma_wait3A_40 : memref<624x128xf32, #tpu.memory_space<vmem_shared>>)
      tpu.yield
    }) : () -> ()
    %eq3A = arith.constant 15 : i32
    %eq3A_3 = arith.cmpi eq, %arg1, %eq3A : i32
    %convert_element_type3A = arith.extui %eq3A_3 : i1 to i32
    %cond3A = arith.constant 0 : i32
    %cond3A_4 = arith.cmpi ne, %convert_element_type3A, %cond3A : i32
    scf.if %cond3A_4 {
      "tpu.region"() ({
        %run_scoped3A = tpu.sem_alloc : memref<!tpu.dma_semaphore, #tpu.memory_space<semaphore_mem>>
        %dma_start3A = arith.constant 9984 : i32
        %dma_start3A_37 = arith.constant 0 : i32
        %dma_start3A_38 = tpu.memref_slice %arg11[%dma_start3A, %dma_start3A_37] : memref<10008x128xf32, #tpu.memory_space<vmem_shared>> -> memref<16x128xf32, #tpu.memory_space<vmem_shared>>
        %dma_start3A_39 = arith.constant 9984 : i32
        %dma_start3A_40 = arith.constant 0 : i32
        %dma_start3A_41 = tpu.memref_slice %arg2[%dma_start3A_39, %dma_start3A_40] : memref<10000x128xf32, #tpu.memory_space<hbm>> -> memref<16x128xf32, #tpu.memory_space<hbm>>
        tpu.enqueue_dma source(%dma_start3A_41 : memref<16x128xf32, #tpu.memory_space<hbm>>) target(%dma_start3A_38 : memref<16x128xf32, #tpu.memory_space<vmem_shared>>) target_semaphore(%run_scoped3A : memref<!tpu.dma_semaphore, #tpu.memory_space<semaphore_mem>>)
        %dma_wait3A = arith.constant 9984 : i32
        %dma_wait3A_42 = arith.constant 0 : i32
        %dma_wait3A_43 = tpu.memref_slice %arg11[%dma_wait3A, %dma_wait3A_42] : memref<10008x128xf32, #tpu.memory_space<vmem_shared>> -> memref<16x128xf32, #tpu.memory_space<vmem_shared>>
        %dma_wait3A_44 = arith.constant 9984 : i32
        %dma_wait3A_45 = arith.constant 0 : i32
        %dma_wait3A_46 = tpu.memref_slice %arg2[%dma_wait3A_44, %dma_wait3A_45] : memref<10000x128xf32, #tpu.memory_space<hbm>> -> memref<16x128xf32, #tpu.memory_space<hbm>>
        tpu.wait_dma2 semaphore(%run_scoped3A : memref<!tpu.dma_semaphore, #tpu.memory_space<semaphore_mem>>) src(%dma_wait3A_46 : memref<16x128xf32, #tpu.memory_space<hbm>>) dst(%dma_wait3A_43 : memref<16x128xf32, #tpu.memory_space<vmem_shared>>)
        tpu.yield
      }) : () -> ()
    } else {
    }
    %eq3A_5 = arith.constant 0 : i32
    %eq3A_6 = arith.cmpi eq, %arg0, %eq3A_5 : i32
    %convert_element_type3A_7 = arith.extui %eq3A_6 : i1 to i32
    %cond3A_8 = arith.constant 0 : i32
    %cond3A_9 = arith.cmpi ne, %convert_element_type3A_7, %cond3A_8 : i32
    scf.if %cond3A_9 {
      "tpu.region"() ({
        %run_scoped3A = tpu.sem_alloc : memref<!tpu.dma_semaphore, #tpu.memory_space<semaphore_mem>>
        %dma_start3A = arith.constant 0 : i32
        %dma_start3A_37 = arith.constant 0 : i32
        %dma_start3A_38 = tpu.memref_slice %arg8[%dma_start3A, %dma_start3A_37] : memref<101x128xi32, #tpu.memory_space<vmem>> -> memref<101x128xi32, #tpu.memory_space<vmem>>
        %dma_start3A_39 = arith.constant 0 : i32
        %dma_start3A_40 = arith.constant 0 : i32
        %dma_start3A_41 = tpu.memref_slice %arg3[%arg1, %dma_start3A_39, %dma_start3A_40] : memref<16x101x128xi32, #tpu.memory_space<hbm>> -> memref<1x101x128xi32, #tpu.memory_space<hbm>>
        %dma_start3A_42 = tpu.memref_squeeze %dma_start3A_41 : memref<1x101x128xi32, #tpu.memory_space<hbm>> -> memref<101x128xi32, #tpu.memory_space<hbm>>
        %dma_start3A_43 = arith.constant 0 : i32
        %dma_start3A_44 = arith.constant 0 : i32
        %dma_start3A_45 = tpu.memref_slice %arg8[%dma_start3A_43, %dma_start3A_44] : memref<101x128xi32, #tpu.memory_space<vmem>> -> memref<101x128xi32, #tpu.memory_space<vmem>>
        %dma_start3A_46 = arith.constant 0 : i32
        %dma_start3A_47 = arith.constant 0 : i32
        %dma_start3A_48 = tpu.memref_slice %arg3[%arg1, %dma_start3A_46, %dma_start3A_47] : memref<16x101x128xi32, #tpu.memory_space<hbm>> -> memref<1x101x128xi32, #tpu.memory_space<hbm>>
        %dma_start3A_49 = tpu.memref_squeeze %dma_start3A_48 : memref<1x101x128xi32, #tpu.memory_space<hbm>> -> memref<101x128xi32, #tpu.memory_space<hbm>>
        tpu.enqueue_dma source(%dma_start3A_49 : memref<101x128xi32, #tpu.memory_space<hbm>>) target(%dma_start3A_45 : memref<101x128xi32, #tpu.memory_space<vmem>>) target_semaphore(%run_scoped3A : memref<!tpu.dma_semaphore, #tpu.memory_space<semaphore_mem>>)
        %dma_wait3A = arith.constant 0 : i32
        %dma_wait3A_50 = arith.constant 0 : i32
        %dma_wait3A_51 = tpu.memref_slice %arg8[%dma_wait3A, %dma_wait3A_50] : memref<101x128xi32, #tpu.memory_space<vmem>> -> memref<101x128xi32, #tpu.memory_space<vmem>>
        %dma_wait3A_52 = arith.constant 0 : i32
        %dma_wait3A_53 = arith.constant 0 : i32
        %dma_wait3A_54 = tpu.memref_slice %arg3[%arg1, %dma_wait3A_52, %dma_wait3A_53] : memref<16x101x128xi32, #tpu.memory_space<hbm>> -> memref<1x101x128xi32, #tpu.memory_space<hbm>>
        %dma_wait3A_55 = tpu.memref_squeeze %dma_wait3A_54 : memref<1x101x128xi32, #tpu.memory_space<hbm>> -> memref<101x128xi32, #tpu.memory_space<hbm>>
        %dma_wait3A_56 = arith.constant 0 : i32
        %dma_wait3A_57 = arith.constant 0 : i32
        %dma_wait3A_58 = tpu.memref_slice %arg8[%dma_wait3A_56, %dma_wait3A_57] : memref<101x128xi32, #tpu.memory_space<vmem>> -> memref<101x128xi32, #tpu.memory_space<vmem>>
        %dma_wait3A_59 = arith.constant 0 : i32
        %dma_wait3A_60 = arith.constant 0 : i32
        %dma_wait3A_61 = tpu.memref_slice %arg3[%arg1, %dma_wait3A_59, %dma_wait3A_60] : memref<16x101x128xi32, #tpu.memory_space<hbm>> -> memref<1x101x128xi32, #tpu.memory_space<hbm>>
        %dma_wait3A_62 = tpu.memref_squeeze %dma_wait3A_61 : memref<1x101x128xi32, #tpu.memory_space<hbm>> -> memref<101x128xi32, #tpu.memory_space<hbm>>
        tpu.wait_dma2 semaphore(%run_scoped3A : memref<!tpu.dma_semaphore, #tpu.memory_space<semaphore_mem>>) src(%dma_wait3A_62 : memref<101x128xi32, #tpu.memory_space<hbm>>) dst(%dma_wait3A_58 : memref<101x128xi32, #tpu.memory_space<vmem>>)
        tpu.yield
      }) : () -> ()
      "tpu.region"() ({
        %run_scoped3A = tpu.sem_alloc : memref<!tpu.dma_semaphore, #tpu.memory_space<semaphore_mem>>
        %dma_start3A = arith.constant 0 : i32
        %dma_start3A_37 = arith.constant 0 : i32
        %dma_start3A_38 = tpu.memref_slice %arg9[%dma_start3A, %dma_start3A_37] : memref<101x128xi32, #tpu.memory_space<vmem>> -> memref<101x128xi32, #tpu.memory_space<vmem>>
        %dma_start3A_39 = arith.constant 0 : i32
        %dma_start3A_40 = arith.constant 0 : i32
        %dma_start3A_41 = tpu.memref_slice %arg4[%arg1, %dma_start3A_39, %dma_start3A_40] : memref<16x101x128xi32, #tpu.memory_space<hbm>> -> memref<1x101x128xi32, #tpu.memory_space<hbm>>
        %dma_start3A_42 = tpu.memref_squeeze %dma_start3A_41 : memref<1x101x128xi32, #tpu.memory_space<hbm>> -> memref<101x128xi32, #tpu.memory_space<hbm>>
        %dma_start3A_43 = arith.constant 0 : i32
        %dma_start3A_44 = arith.constant 0 : i32
        %dma_start3A_45 = tpu.memref_slice %arg9[%dma_start3A_43, %dma_start3A_44] : memref<101x128xi32, #tpu.memory_space<vmem>> -> memref<101x128xi32, #tpu.memory_space<vmem>>
        %dma_start3A_46 = arith.constant 0 : i32
        %dma_start3A_47 = arith.constant 0 : i32
        %dma_start3A_48 = tpu.memref_slice %arg4[%arg1, %dma_start3A_46, %dma_start3A_47] : memref<16x101x128xi32, #tpu.memory_space<hbm>> -> memref<1x101x128xi32, #tpu.memory_space<hbm>>
        %dma_start3A_49 = tpu.memref_squeeze %dma_start3A_48 : memref<1x101x128xi32, #tpu.memory_space<hbm>> -> memref<101x128xi32, #tpu.memory_space<hbm>>
        tpu.enqueue_dma source(%dma_start3A_49 : memref<101x128xi32, #tpu.memory_space<hbm>>) target(%dma_start3A_45 : memref<101x128xi32, #tpu.memory_space<vmem>>) target_semaphore(%run_scoped3A : memref<!tpu.dma_semaphore, #tpu.memory_space<semaphore_mem>>)
        %dma_wait3A = arith.constant 0 : i32
        %dma_wait3A_50 = arith.constant 0 : i32
        %dma_wait3A_51 = tpu.memref_slice %arg9[%dma_wait3A, %dma_wait3A_50] : memref<101x128xi32, #tpu.memory_space<vmem>> -> memref<101x128xi32, #tpu.memory_space<vmem>>
        %dma_wait3A_52 = arith.constant 0 : i32
        %dma_wait3A_53 = arith.constant 0 : i32
        %dma_wait3A_54 = tpu.memref_slice %arg4[%arg1, %dma_wait3A_52, %dma_wait3A_53] : memref<16x101x128xi32, #tpu.memory_space<hbm>> -> memref<1x101x128xi32, #tpu.memory_space<hbm>>
        %dma_wait3A_55 = tpu.memref_squeeze %dma_wait3A_54 : memref<1x101x128xi32, #tpu.memory_space<hbm>> -> memref<101x128xi32, #tpu.memory_space<hbm>>
        %dma_wait3A_56 = arith.constant 0 : i32
        %dma_wait3A_57 = arith.constant 0 : i32
        %dma_wait3A_58 = tpu.memref_slice %arg9[%dma_wait3A_56, %dma_wait3A_57] : memref<101x128xi32, #tpu.memory_space<vmem>> -> memref<101x128xi32, #tpu.memory_space<vmem>>
        %dma_wait3A_59 = arith.constant 0 : i32
        %dma_wait3A_60 = arith.constant 0 : i32
        %dma_wait3A_61 = tpu.memref_slice %arg4[%arg1, %dma_wait3A_59, %dma_wait3A_60] : memref<16x101x128xi32, #tpu.memory_space<hbm>> -> memref<1x101x128xi32, #tpu.memory_space<hbm>>
        %dma_wait3A_62 = tpu.memref_squeeze %dma_wait3A_61 : memref<1x101x128xi32, #tpu.memory_space<hbm>> -> memref<101x128xi32, #tpu.memory_space<hbm>>
        tpu.wait_dma2 semaphore(%run_scoped3A : memref<!tpu.dma_semaphore, #tpu.memory_space<semaphore_mem>>) src(%dma_wait3A_62 : memref<101x128xi32, #tpu.memory_space<hbm>>) dst(%dma_wait3A_58 : memref<101x128xi32, #tpu.memory_space<vmem>>)
        tpu.yield
      }) : () -> ()
    } else {
    }
    %eq3A_10 = arith.constant 1 : i32
    %eq3A_11 = arith.cmpi eq, %arg0, %eq3A_10 : i32
    %convert_element_type3A_12 = arith.extui %eq3A_11 : i1 to i32
    %cond3A_13 = arith.constant 0 : i32
    %cond3A_14 = arith.cmpi ne, %convert_element_type3A_12, %cond3A_13 : i32
    scf.if %cond3A_14 {
      "tpu.region"() ({
        %run_scoped3A = tpu.sem_alloc : memref<!tpu.dma_semaphore, #tpu.memory_space<semaphore_mem>>
        %dma_start3A = arith.constant 0 : i32
        %dma_start3A_37 = arith.constant 0 : i32
        %dma_start3A_38 = tpu.memref_slice %arg8[%dma_start3A, %dma_start3A_37] : memref<101x128xi32, #tpu.memory_space<vmem>> -> memref<57x128xi32, #tpu.memory_space<vmem>>
        %dma_start3A_39 = arith.constant 0 : i32
        %dma_start3A_40 = arith.constant 0 : i32
        %dma_start3A_41 = tpu.memref_slice %arg5[%arg1, %dma_start3A_39, %dma_start3A_40] : memref<16x57x128xi32, #tpu.memory_space<hbm>> -> memref<1x57x128xi32, #tpu.memory_space<hbm>>
        %dma_start3A_42 = tpu.memref_squeeze %dma_start3A_41 : memref<1x57x128xi32, #tpu.memory_space<hbm>> -> memref<57x128xi32, #tpu.memory_space<hbm>>
        %dma_start3A_43 = arith.constant 0 : i32
        %dma_start3A_44 = arith.constant 0 : i32
        %dma_start3A_45 = tpu.memref_slice %arg8[%dma_start3A_43, %dma_start3A_44] : memref<101x128xi32, #tpu.memory_space<vmem>> -> memref<57x128xi32, #tpu.memory_space<vmem>>
        %dma_start3A_46 = arith.constant 0 : i32
        %dma_start3A_47 = arith.constant 0 : i32
        %dma_start3A_48 = tpu.memref_slice %arg5[%arg1, %dma_start3A_46, %dma_start3A_47] : memref<16x57x128xi32, #tpu.memory_space<hbm>> -> memref<1x57x128xi32, #tpu.memory_space<hbm>>
        %dma_start3A_49 = tpu.memref_squeeze %dma_start3A_48 : memref<1x57x128xi32, #tpu.memory_space<hbm>> -> memref<57x128xi32, #tpu.memory_space<hbm>>
        tpu.enqueue_dma source(%dma_start3A_49 : memref<57x128xi32, #tpu.memory_space<hbm>>) target(%dma_start3A_45 : memref<57x128xi32, #tpu.memory_space<vmem>>) target_semaphore(%run_scoped3A : memref<!tpu.dma_semaphore, #tpu.memory_space<semaphore_mem>>)
        %dma_wait3A = arith.constant 0 : i32
        %dma_wait3A_50 = arith.constant 0 : i32
        %dma_wait3A_51 = tpu.memref_slice %arg8[%dma_wait3A, %dma_wait3A_50] : memref<101x128xi32, #tpu.memory_space<vmem>> -> memref<57x128xi32, #tpu.memory_space<vmem>>
        %dma_wait3A_52 = arith.constant 0 : i32
        %dma_wait3A_53 = arith.constant 0 : i32
        %dma_wait3A_54 = tpu.memref_slice %arg5[%arg1, %dma_wait3A_52, %dma_wait3A_53] : memref<16x57x128xi32, #tpu.memory_space<hbm>> -> memref<1x57x128xi32, #tpu.memory_space<hbm>>
        %dma_wait3A_55 = tpu.memref_squeeze %dma_wait3A_54 : memref<1x57x128xi32, #tpu.memory_space<hbm>> -> memref<57x128xi32, #tpu.memory_space<hbm>>
        %dma_wait3A_56 = arith.constant 0 : i32
        %dma_wait3A_57 = arith.constant 0 : i32
        %dma_wait3A_58 = tpu.memref_slice %arg8[%dma_wait3A_56, %dma_wait3A_57] : memref<101x128xi32, #tpu.memory_space<vmem>> -> memref<57x128xi32, #tpu.memory_space<vmem>>
        %dma_wait3A_59 = arith.constant 0 : i32
        %dma_wait3A_60 = arith.constant 0 : i32
        %dma_wait3A_61 = tpu.memref_slice %arg5[%arg1, %dma_wait3A_59, %dma_wait3A_60] : memref<16x57x128xi32, #tpu.memory_space<hbm>> -> memref<1x57x128xi32, #tpu.memory_space<hbm>>
        %dma_wait3A_62 = tpu.memref_squeeze %dma_wait3A_61 : memref<1x57x128xi32, #tpu.memory_space<hbm>> -> memref<57x128xi32, #tpu.memory_space<hbm>>
        tpu.wait_dma2 semaphore(%run_scoped3A : memref<!tpu.dma_semaphore, #tpu.memory_space<semaphore_mem>>) src(%dma_wait3A_62 : memref<57x128xi32, #tpu.memory_space<hbm>>) dst(%dma_wait3A_58 : memref<57x128xi32, #tpu.memory_space<vmem>>)
        tpu.yield
      }) : () -> ()
      "tpu.region"() ({
        %run_scoped3A = tpu.sem_alloc : memref<!tpu.dma_semaphore, #tpu.memory_space<semaphore_mem>>
        %dma_start3A = arith.constant 0 : i32
        %dma_start3A_37 = arith.constant 0 : i32
        %dma_start3A_38 = tpu.memref_slice %arg9[%dma_start3A, %dma_start3A_37] : memref<101x128xi32, #tpu.memory_space<vmem>> -> memref<57x128xi32, #tpu.memory_space<vmem>>
        %dma_start3A_39 = arith.constant 0 : i32
        %dma_start3A_40 = arith.constant 0 : i32
        %dma_start3A_41 = tpu.memref_slice %arg6[%arg1, %dma_start3A_39, %dma_start3A_40] : memref<16x57x128xi32, #tpu.memory_space<hbm>> -> memref<1x57x128xi32, #tpu.memory_space<hbm>>
        %dma_start3A_42 = tpu.memref_squeeze %dma_start3A_41 : memref<1x57x128xi32, #tpu.memory_space<hbm>> -> memref<57x128xi32, #tpu.memory_space<hbm>>
        %dma_start3A_43 = arith.constant 0 : i32
        %dma_start3A_44 = arith.constant 0 : i32
        %dma_start3A_45 = tpu.memref_slice %arg9[%dma_start3A_43, %dma_start3A_44] : memref<101x128xi32, #tpu.memory_space<vmem>> -> memref<57x128xi32, #tpu.memory_space<vmem>>
        %dma_start3A_46 = arith.constant 0 : i32
        %dma_start3A_47 = arith.constant 0 : i32
        %dma_start3A_48 = tpu.memref_slice %arg6[%arg1, %dma_start3A_46, %dma_start3A_47] : memref<16x57x128xi32, #tpu.memory_space<hbm>> -> memref<1x57x128xi32, #tpu.memory_space<hbm>>
        %dma_start3A_49 = tpu.memref_squeeze %dma_start3A_48 : memref<1x57x128xi32, #tpu.memory_space<hbm>> -> memref<57x128xi32, #tpu.memory_space<hbm>>
        tpu.enqueue_dma source(%dma_start3A_49 : memref<57x128xi32, #tpu.memory_space<hbm>>) target(%dma_start3A_45 : memref<57x128xi32, #tpu.memory_space<vmem>>) target_semaphore(%run_scoped3A : memref<!tpu.dma_semaphore, #tpu.memory_space<semaphore_mem>>)
        %dma_wait3A = arith.constant 0 : i32
        %dma_wait3A_50 = arith.constant 0 : i32
        %dma_wait3A_51 = tpu.memref_slice %arg9[%dma_wait3A, %dma_wait3A_50] : memref<101x128xi32, #tpu.memory_space<vmem>> -> memref<57x128xi32, #tpu.memory_space<vmem>>
        %dma_wait3A_52 = arith.constant 0 : i32
        %dma_wait3A_53 = arith.constant 0 : i32
        %dma_wait3A_54 = tpu.memref_slice %arg6[%arg1, %dma_wait3A_52, %dma_wait3A_53] : memref<16x57x128xi32, #tpu.memory_space<hbm>> -> memref<1x57x128xi32, #tpu.memory_space<hbm>>
        %dma_wait3A_55 = tpu.memref_squeeze %dma_wait3A_54 : memref<1x57x128xi32, #tpu.memory_space<hbm>> -> memref<57x128xi32, #tpu.memory_space<hbm>>
        %dma_wait3A_56 = arith.constant 0 : i32
        %dma_wait3A_57 = arith.constant 0 : i32
        %dma_wait3A_58 = tpu.memref_slice %arg9[%dma_wait3A_56, %dma_wait3A_57] : memref<101x128xi32, #tpu.memory_space<vmem>> -> memref<57x128xi32, #tpu.memory_space<vmem>>
        %dma_wait3A_59 = arith.constant 0 : i32
        %dma_wait3A_60 = arith.constant 0 : i32
        %dma_wait3A_61 = tpu.memref_slice %arg6[%arg1, %dma_wait3A_59, %dma_wait3A_60] : memref<16x57x128xi32, #tpu.memory_space<hbm>> -> memref<1x57x128xi32, #tpu.memory_space<hbm>>
        %dma_wait3A_62 = tpu.memref_squeeze %dma_wait3A_61 : memref<1x57x128xi32, #tpu.memory_space<hbm>> -> memref<57x128xi32, #tpu.memory_space<hbm>>
        tpu.wait_dma2 semaphore(%run_scoped3A : memref<!tpu.dma_semaphore, #tpu.memory_space<semaphore_mem>>) src(%dma_wait3A_62 : memref<57x128xi32, #tpu.memory_space<hbm>>) dst(%dma_wait3A_58 : memref<57x128xi32, #tpu.memory_space<vmem>>)
        tpu.yield
      }) : () -> ()
    } else {
    }
    %barrier3A = arith.constant 0 : index
    tpu.barrier barrier_id(%barrier3A)
    %eq3A_15 = arith.constant 0 : i32
    %eq3A_16 = arith.cmpi eq, %arg0, %eq3A_15 : i32
    %jit3A = arith.constant 101 : i32
    %jit3A_17 = arith.constant 57 : i32
    %select_n3A = arith.select %eq3A_16, %jit3A, %jit3A_17 : i32
    %while3A = arith.constant 0 : i32
    %while3A_18 = arith.constant 0 : i32
    %while3A_19 = arith.subi %select_n3A, %while3A_18 : i32
    %while3A_20 = arith.addi %while3A_18, %while3A_19 : i32
    %while3A_21 = arith.constant 1 : i32
    %while3A_22 = arith.divsi %while3A_19, %while3A_21 : i32
    %while3A_23 = arith.muli %while3A_22, %while3A_21 : i32
    %while3A_24 = arith.addi %while3A_18, %while3A_23 : i32
    %while3A_25 = arith.constant 1 : i32
    scf.for %while3A_37 = %while3A_18 to %while3A_24 step %while3A_25  : i32 {
      %dma_start3A = arith.constant 0 : i32
      %dma_start3A_38 = tpu.memref_slice %arg8[%while3A_37, %dma_start3A] : memref<101x128xi32, #tpu.memory_space<vmem>> -> memref<1x128xi32, #tpu.memory_space<vmem>>
      %dma_start3A_39 = tpu.memref_squeeze %dma_start3A_38 : memref<1x128xi32, #tpu.memory_space<vmem>> -> memref<128xi32, #tpu.memory_space<vmem>>
      %dma_start3A_40 = arith.constant 0 : i32
      %dma_start3A_41 = arith.constant 0 : i32
      %dma_start3A_42 = tpu.memref_slice %arg2[%dma_start3A_40, %dma_start3A_41] : memref<10000x128xf32, #tpu.memory_space<hbm>> -> memref<10000x128xf32, #tpu.memory_space<hbm>>
      tpu.enqueue_indirect_dma source(%dma_start3A_42 : memref<10000x128xf32, #tpu.memory_space<hbm>>) target(%arg10 : memref<128x128xf32, #tpu.memory_space<vmem>>) offsets(%dma_start3A_39 : memref<128xi32, #tpu.memory_space<vmem>>) semaphore(%arg12 : memref<!tpu.dma_semaphore, #tpu.memory_space<semaphore_mem>>)
      %dma_wait3A = arith.constant 0 : i32
      %dma_wait3A_43 = tpu.memref_slice %arg8[%while3A_37, %dma_wait3A] : memref<101x128xi32, #tpu.memory_space<vmem>> -> memref<1x128xi32, #tpu.memory_space<vmem>>
      %dma_wait3A_44 = tpu.memref_squeeze %dma_wait3A_43 : memref<1x128xi32, #tpu.memory_space<vmem>> -> memref<128xi32, #tpu.memory_space<vmem>>
      %dma_wait3A_45 = arith.constant 0 : i32
      %dma_wait3A_46 = arith.constant 0 : i32
      %dma_wait3A_47 = tpu.memref_slice %arg2[%dma_wait3A_45, %dma_wait3A_46] : memref<10000x128xf32, #tpu.memory_space<hbm>> -> memref<10000x128xf32, #tpu.memory_space<hbm>>
      tpu.wait_indirect_dma semaphore(%arg12 : memref<!tpu.dma_semaphore, #tpu.memory_space<semaphore_mem>>) src(%dma_wait3A_47 : memref<10000x128xf32, #tpu.memory_space<hbm>>) dst(%arg10 : memref<128x128xf32, #tpu.memory_space<vmem>>)
      "tpu.region"() ({
        %run_scoped3A = tpu.sem_alloc : memref<!tpu.dma_semaphore, #tpu.memory_space<semaphore_mem>>
        %dma_start3A_48 = arith.constant 0 : i32
        %dma_start3A_49 = tpu.memref_slice %arg9[%while3A_37, %dma_start3A_48] : memref<101x128xi32, #tpu.memory_space<vmem>> -> memref<1x128xi32, #tpu.memory_space<vmem>>
        %dma_start3A_50 = tpu.memref_squeeze %dma_start3A_49 : memref<1x128xi32, #tpu.memory_space<vmem>> -> memref<128xi32, #tpu.memory_space<vmem>>
        %dma_start3A_51 = arith.constant 0 : i32
        %dma_start3A_52 = arith.constant 0 : i32
        %dma_start3A_53 = tpu.memref_slice %arg11[%dma_start3A_51, %dma_start3A_52] : memref<10008x128xf32, #tpu.memory_space<vmem_shared>> -> memref<10008x128xf32, #tpu.memory_space<vmem_shared>>
        tpu.enqueue_indirect_dma source(%arg10 : memref<128x128xf32, #tpu.memory_space<vmem>>) target(%dma_start3A_53 : memref<10008x128xf32, #tpu.memory_space<vmem_shared>>) offsets(%dma_start3A_50 : memref<128xi32, #tpu.memory_space<vmem>>) semaphore(%run_scoped3A : memref<!tpu.dma_semaphore, #tpu.memory_space<semaphore_mem>>) {add = true}
        %dma_wait3A_54 = arith.constant 0 : i32
        %dma_wait3A_55 = tpu.memref_slice %arg9[%while3A_37, %dma_wait3A_54] : memref<101x128xi32, #tpu.memory_space<vmem>> -> memref<1x128xi32, #tpu.memory_space<vmem>>
        %dma_wait3A_56 = tpu.memref_squeeze %dma_wait3A_55 : memref<1x128xi32, #tpu.memory_space<vmem>> -> memref<128xi32, #tpu.memory_space<vmem>>
        %dma_wait3A_57 = arith.constant 0 : i32
        %dma_wait3A_58 = arith.constant 0 : i32
        %dma_wait3A_59 = tpu.memref_slice %arg11[%dma_wait3A_57, %dma_wait3A_58] : memref<10008x128xf32, #tpu.memory_space<vmem_shared>> -> memref<10008x128xf32, #tpu.memory_space<vmem_shared>>
        tpu.wait_indirect_dma semaphore(%run_scoped3A : memref<!tpu.dma_semaphore, #tpu.memory_space<semaphore_mem>>) src(%arg10 : memref<128x128xf32, #tpu.memory_space<vmem>>) dst(%dma_wait3A_59 : memref<10008x128xf32, #tpu.memory_space<vmem_shared>>)
        tpu.yield
      }) : () -> ()
    }
    %while3A_26 = arith.constant 1 : i32
    scf.for %while3A_37 = %while3A_24 to %while3A_20 step %while3A_26  : i32 {
      %dma_start3A = arith.constant 0 : i32
      %dma_start3A_38 = tpu.memref_slice %arg8[%while3A_37, %dma_start3A] : memref<101x128xi32, #tpu.memory_space<vmem>> -> memref<1x128xi32, #tpu.memory_space<vmem>>
      %dma_start3A_39 = tpu.memref_squeeze %dma_start3A_38 : memref<1x128xi32, #tpu.memory_space<vmem>> -> memref<128xi32, #tpu.memory_space<vmem>>
      %dma_start3A_40 = arith.constant 0 : i32
      %dma_start3A_41 = arith.constant 0 : i32
      %dma_start3A_42 = tpu.memref_slice %arg2[%dma_start3A_40, %dma_start3A_41] : memref<10000x128xf32, #tpu.memory_space<hbm>> -> memref<10000x128xf32, #tpu.memory_space<hbm>>
      tpu.enqueue_indirect_dma source(%dma_start3A_42 : memref<10000x128xf32, #tpu.memory_space<hbm>>) target(%arg10 : memref<128x128xf32, #tpu.memory_space<vmem>>) offsets(%dma_start3A_39 : memref<128xi32, #tpu.memory_space<vmem>>) semaphore(%arg12 : memref<!tpu.dma_semaphore, #tpu.memory_space<semaphore_mem>>)
      %dma_wait3A = arith.constant 0 : i32
      %dma_wait3A_43 = tpu.memref_slice %arg8[%while3A_37, %dma_wait3A] : memref<101x128xi32, #tpu.memory_space<vmem>> -> memref<1x128xi32, #tpu.memory_space<vmem>>
      %dma_wait3A_44 = tpu.memref_squeeze %dma_wait3A_43 : memref<1x128xi32, #tpu.memory_space<vmem>> -> memref<128xi32, #tpu.memory_space<vmem>>
      %dma_wait3A_45 = arith.constant 0 : i32
      %dma_wait3A_46 = arith.constant 0 : i32
      %dma_wait3A_47 = tpu.memref_slice %arg2[%dma_wait3A_45, %dma_wait3A_46] : memref<10000x128xf32, #tpu.memory_space<hbm>> -> memref<10000x128xf32, #tpu.memory_space<hbm>>
      tpu.wait_indirect_dma semaphore(%arg12 : memref<!tpu.dma_semaphore, #tpu.memory_space<semaphore_mem>>) src(%dma_wait3A_47 : memref<10000x128xf32, #tpu.memory_space<hbm>>) dst(%arg10 : memref<128x128xf32, #tpu.memory_space<vmem>>)
      "tpu.region"() ({
        %run_scoped3A = tpu.sem_alloc : memref<!tpu.dma_semaphore, #tpu.memory_space<semaphore_mem>>
        %dma_start3A_48 = arith.constant 0 : i32
        %dma_start3A_49 = tpu.memref_slice %arg9[%while3A_37, %dma_start3A_48] : memref<101x128xi32, #tpu.memory_space<vmem>> -> memref<1x128xi32, #tpu.memory_space<vmem>>
        %dma_start3A_50 = tpu.memref_squeeze %dma_start3A_49 : memref<1x128xi32, #tpu.memory_space<vmem>> -> memref<128xi32, #tpu.memory_space<vmem>>
        %dma_start3A_51 = arith.constant 0 : i32
        %dma_start3A_52 = arith.constant 0 : i32
        %dma_start3A_53 = tpu.memref_slice %arg11[%dma_start3A_51, %dma_start3A_52] : memref<10008x128xf32, #tpu.memory_space<vmem_shared>> -> memref<10008x128xf32, #tpu.memory_space<vmem_shared>>
        tpu.enqueue_indirect_dma source(%arg10 : memref<128x128xf32, #tpu.memory_space<vmem>>) target(%dma_start3A_53 : memref<10008x128xf32, #tpu.memory_space<vmem_shared>>) offsets(%dma_start3A_50 : memref<128xi32, #tpu.memory_space<vmem>>) semaphore(%run_scoped3A : memref<!tpu.dma_semaphore, #tpu.memory_space<semaphore_mem>>) {add = true}
        %dma_wait3A_54 = arith.constant 0 : i32
        %dma_wait3A_55 = tpu.memref_slice %arg9[%while3A_37, %dma_wait3A_54] : memref<101x128xi32, #tpu.memory_space<vmem>> -> memref<1x128xi32, #tpu.memory_space<vmem>>
        %dma_wait3A_56 = tpu.memref_squeeze %dma_wait3A_55 : memref<1x128xi32, #tpu.memory_space<vmem>> -> memref<128xi32, #tpu.memory_space<vmem>>
        %dma_wait3A_57 = arith.constant 0 : i32
        %dma_wait3A_58 = arith.constant 0 : i32
        %dma_wait3A_59 = tpu.memref_slice %arg11[%dma_wait3A_57, %dma_wait3A_58] : memref<10008x128xf32, #tpu.memory_space<vmem_shared>> -> memref<10008x128xf32, #tpu.memory_space<vmem_shared>>
        tpu.wait_indirect_dma semaphore(%run_scoped3A : memref<!tpu.dma_semaphore, #tpu.memory_space<semaphore_mem>>) src(%arg10 : memref<128x128xf32, #tpu.memory_space<vmem>>) dst(%dma_wait3A_59 : memref<10008x128xf32, #tpu.memory_space<vmem_shared>>)
        tpu.yield
      }) : () -> ()
    }
    %barrier3A_27 = arith.constant 0 : index
    tpu.barrier barrier_id(%barrier3A_27)
    %mul3A_28 = arith.constant 624 : i32
    %mul3A_29 = arith.muli %arg1, %mul3A_28 : i32
    %mul3A_30 = arith.constant 624 : i32
    %mul3A_31 = arith.muli %arg1, %mul3A_30 : i32
    "tpu.region"() ({
      %run_scoped3A = tpu.sem_alloc : memref<!tpu.dma_semaphore, #tpu.memory_space<semaphore_mem>>
      %dma_start3A = arith.constant 0 : i32
      %dma_start3A_37 = arith.constant 0 : i32
      %dma_start3A_38 = tpu.memref_slice %arg7[%arg0, %dma_start3A, %dma_start3A_37] : memref<2x10000x128xf32, #tpu.memory_space<hbm>> -> memref<1x10000x128xf32, #tpu.memory_space<hbm>>
      %dma_start3A_39 = tpu.memref_squeeze %dma_start3A_38 : memref<1x10000x128xf32, #tpu.memory_space<hbm>> -> memref<10000x128xf32, #tpu.memory_space<hbm>>
      %dma_start3A_40 = arith.constant 0 : i32
      %dma_start3A_41 = tpu.memref_slice %dma_start3A_39[%mul3A_31, %dma_start3A_40] : memref<10000x128xf32, #tpu.memory_space<hbm>> -> memref<624x128xf32, #tpu.memory_space<hbm>>
      %dma_start3A_42 = arith.constant 0 : i32
      %dma_start3A_43 = tpu.memref_slice %arg11[%mul3A_29, %dma_start3A_42] : memref<10008x128xf32, #tpu.memory_space<vmem_shared>> -> memref<624x128xf32, #tpu.memory_space<vmem_shared>>
      tpu.enqueue_dma source(%dma_start3A_43 : memref<624x128xf32, #tpu.memory_space<vmem_shared>>) target(%dma_start3A_41 : memref<624x128xf32, #tpu.memory_space<hbm>>) target_semaphore(%run_scoped3A : memref<!tpu.dma_semaphore, #tpu.memory_space<semaphore_mem>>)
      %dma_wait3A = arith.constant 0 : i32
      %dma_wait3A_44 = arith.constant 0 : i32
      %dma_wait3A_45 = tpu.memref_slice %arg7[%arg0, %dma_wait3A, %dma_wait3A_44] : memref<2x10000x128xf32, #tpu.memory_space<hbm>> -> memref<1x10000x128xf32, #tpu.memory_space<hbm>>
      %dma_wait3A_46 = tpu.memref_squeeze %dma_wait3A_45 : memref<1x10000x128xf32, #tpu.memory_space<hbm>> -> memref<10000x128xf32, #tpu.memory_space<hbm>>
      %dma_wait3A_47 = arith.constant 0 : i32
      %dma_wait3A_48 = tpu.memref_slice %dma_wait3A_46[%mul3A_31, %dma_wait3A_47] : memref<10000x128xf32, #tpu.memory_space<hbm>> -> memref<624x128xf32, #tpu.memory_space<hbm>>
      %dma_wait3A_49 = arith.constant 0 : i32
      %dma_wait3A_50 = tpu.memref_slice %arg11[%mul3A_29, %dma_wait3A_49] : memref<10008x128xf32, #tpu.memory_space<vmem_shared>> -> memref<624x128xf32, #tpu.memory_space<vmem_shared>>
      tpu.wait_dma2 semaphore(%run_scoped3A : memref<!tpu.dma_semaphore, #tpu.memory_space<semaphore_mem>>) src(%dma_wait3A_50 : memref<624x128xf32, #tpu.memory_space<vmem_shared>>) dst(%dma_wait3A_48 : memref<624x128xf32, #tpu.memory_space<hbm>>)
      tpu.yield
    }) : () -> ()
    %eq3A_32 = arith.constant 15 : i32
    %eq3A_33 = arith.cmpi eq, %arg1, %eq3A_32 : i32
    %convert_element_type3A_34 = arith.extui %eq3A_33 : i1 to i32
    %cond3A_35 = arith.constant 0 : i32
    %cond3A_36 = arith.cmpi ne, %convert_element_type3A_34, %cond3A_35 : i32
    scf.if %cond3A_36 {
      "tpu.region"() ({
        %run_scoped3A = tpu.sem_alloc : memref<!tpu.dma_semaphore, #tpu.memory_space<semaphore_mem>>
        %dma_start3A = arith.constant 0 : i32
        %dma_start3A_37 = arith.constant 0 : i32
        %dma_start3A_38 = tpu.memref_slice %arg7[%arg0, %dma_start3A, %dma_start3A_37] : memref<2x10000x128xf32, #tpu.memory_space<hbm>> -> memref<1x10000x128xf32, #tpu.memory_space<hbm>>
        %dma_start3A_39 = tpu.memref_squeeze %dma_start3A_38 : memref<1x10000x128xf32, #tpu.memory_space<hbm>> -> memref<10000x128xf32, #tpu.memory_space<hbm>>
        %dma_start3A_40 = arith.constant 9984 : i32
        %dma_start3A_41 = arith.constant 0 : i32
        %dma_start3A_42 = tpu.memref_slice %dma_start3A_39[%dma_start3A_40, %dma_start3A_41] : memref<10000x128xf32, #tpu.memory_space<hbm>> -> memref<16x128xf32, #tpu.memory_space<hbm>>
        %dma_start3A_43 = arith.constant 9984 : i32
        %dma_start3A_44 = arith.constant 0 : i32
        %dma_start3A_45 = tpu.memref_slice %arg11[%dma_start3A_43, %dma_start3A_44] : memref<10008x128xf32, #tpu.memory_space<vmem_shared>> -> memref<16x128xf32, #tpu.memory_space<vmem_shared>>
        tpu.enqueue_dma source(%dma_start3A_45 : memref<16x128xf32, #tpu.memory_space<vmem_shared>>) target(%dma_start3A_42 : memref<16x128xf32, #tpu.memory_space<hbm>>) target_semaphore(%run_scoped3A : memref<!tpu.dma_semaphore, #tpu.memory_space<semaphore_mem>>)
        %dma_wait3A = arith.constant 0 : i32
        %dma_wait3A_46 = arith.constant 0 : i32
        %dma_wait3A_47 = tpu.memref_slice %arg7[%arg0, %dma_wait3A, %dma_wait3A_46] : memref<2x10000x128xf32, #tpu.memory_space<hbm>> -> memref<1x10000x128xf32, #tpu.memory_space<hbm>>
        %dma_wait3A_48 = tpu.memref_squeeze %dma_wait3A_47 : memref<1x10000x128xf32, #tpu.memory_space<hbm>> -> memref<10000x128xf32, #tpu.memory_space<hbm>>
        %dma_wait3A_49 = arith.constant 9984 : i32
        %dma_wait3A_50 = arith.constant 0 : i32
        %dma_wait3A_51 = tpu.memref_slice %dma_wait3A_48[%dma_wait3A_49, %dma_wait3A_50] : memref<10000x128xf32, #tpu.memory_space<hbm>> -> memref<16x128xf32, #tpu.memory_space<hbm>>
        %dma_wait3A_52 = arith.constant 9984 : i32
        %dma_wait3A_53 = arith.constant 0 : i32
        %dma_wait3A_54 = tpu.memref_slice %arg11[%dma_wait3A_52, %dma_wait3A_53] : memref<10008x128xf32, #tpu.memory_space<vmem_shared>> -> memref<16x128xf32, #tpu.memory_space<vmem_shared>>
        tpu.wait_dma2 semaphore(%run_scoped3A : memref<!tpu.dma_semaphore, #tpu.memory_space<semaphore_mem>>) src(%dma_wait3A_54 : memref<16x128xf32, #tpu.memory_space<vmem_shared>>) dst(%dma_wait3A_51 : memref<16x128xf32, #tpu.memory_space<hbm>>)
        tpu.yield
      }) : () -> ()
    } else {
    }
    return
  }
}

#map = affine_map<(d0, d1) -> (0, 0)>
#map1 = affine_map<(d0, d1) -> (0, 0, 0)>
module attributes {stable_mosaic.version = 14 : i64} {
  func.func @_sc_aggregate(%arg0: i32, %arg1: i32, %arg2: memref<10000x128xf32, #tpu.memory_space<hbm>>, %arg3: memref<16x101x128xi32, #tpu.memory_space<hbm>>, %arg4: memref<16x101x128xi32, #tpu.memory_space<hbm>>, %arg5: memref<16x57x128xi32, #tpu.memory_space<hbm>>, %arg6: memref<16x57x128xi32, #tpu.memory_space<hbm>>, %arg7: memref<2x10000x128xf32, #tpu.memory_space<hbm>>, %arg8: memref<101x128xi32, #tpu.memory_space<vmem>>, %arg9: memref<101x128xi32, #tpu.memory_space<vmem>>, %arg10: memref<128x128xf32, #tpu.memory_space<vmem>>, %arg11: memref<10008x128xf32, #tpu.memory_space<vmem_shared>>, %arg12: memref<!tpu.dma_semaphore, #tpu.memory_space<semaphore_mem>>) attributes {dimension_semantics = [#tpu.dimension_semantics<core_parallel>, #tpu.dimension_semantics<subcore_parallel>], iteration_bounds = array<i64: 2, 16>, scalar_prefetch = 0 : i64, scratch_operands = 5 : i64, tpu.core_type = #tpu.core_type<sc_vector_subcore>, window_params = [{transform_indices = #map}, {transform_indices = #map1}, {transform_indices = #map1}, {transform_indices = #map1}, {transform_indices = #map1}, {transform_indices = #map1}]} {
    %mul3A = arith.constant 624 : i32
    %mul3A_0 = arith.muli %arg1, %mul3A : i32
    %mul3A_1 = arith.constant 624 : i32
    %mul3A_2 = arith.muli %arg1, %mul3A_1 : i32
    "tpu.region"() ({
      %run_scoped3A = tpu.sem_alloc : memref<!tpu.dma_semaphore, #tpu.memory_space<semaphore_mem>>
      %dma_start3A = arith.constant 0 : i32
      %dma_start3A_37 = tpu.memref_slice %arg11[%mul3A_2, %dma_start3A] : memref<10008x128xf32, #tpu.memory_space<vmem_shared>> -> memref<624x128xf32, #tpu.memory_space<vmem_shared>>
      %dma_start3A_38 = arith.constant 0 : i32
      %dma_start3A_39 = tpu.memref_slice %arg2[%mul3A_0, %dma_start3A_38] : memref<10000x128xf32, #tpu.memory_space<hbm>> -> memref<624x128xf32, #tpu.memory_space<hbm>>
      tpu.enqueue_dma source(%dma_start3A_39 : memref<624x128xf32, #tpu.memory_space<hbm>>) target(%dma_start3A_37 : memref<624x128xf32, #tpu.memory_space<vmem_shared>>) target_semaphore(%run_scoped3A : memref<!tpu.dma_semaphore, #tpu.memory_space<semaphore_mem>>)
      %dma_wait3A = arith.constant 0 : i32
      %dma_wait3A_40 = tpu.memref_slice %arg11[%mul3A_2, %dma_wait3A] : memref<10008x128xf32, #tpu.memory_space<vmem_shared>> -> memref<624x128xf32, #tpu.memory_space<vmem_shared>>
      %dma_wait3A_41 = arith.constant 0 : i32
      %dma_wait3A_42 = tpu.memref_slice %arg2[%mul3A_0, %dma_wait3A_41] : memref<10000x128xf32, #tpu.memory_space<hbm>> -> memref<624x128xf32, #tpu.memory_space<hbm>>
      tpu.wait_dma2 semaphore(%run_scoped3A : memref<!tpu.dma_semaphore, #tpu.memory_space<semaphore_mem>>) src(%dma_wait3A_42 : memref<624x128xf32, #tpu.memory_space<hbm>>) dst(%dma_wait3A_40 : memref<624x128xf32, #tpu.memory_space<vmem_shared>>)
      tpu.yield
    }) : () -> ()
    %eq3A = arith.constant 15 : i32
    %eq3A_3 = arith.cmpi eq, %arg1, %eq3A : i32
    %convert_element_type3A = arith.extui %eq3A_3 : i1 to i32
    %cond3A = arith.constant 0 : i32
    %cond3A_4 = arith.cmpi ne, %convert_element_type3A, %cond3A : i32
    scf.if %cond3A_4 {
      "tpu.region"() ({
        %run_scoped3A = tpu.sem_alloc : memref<!tpu.dma_semaphore, #tpu.memory_space<semaphore_mem>>
        %dma_start3A = arith.constant 9984 : i32
        %dma_start3A_37 = arith.constant 0 : i32
        %dma_start3A_38 = tpu.memref_slice %arg11[%dma_start3A, %dma_start3A_37] : memref<10008x128xf32, #tpu.memory_space<vmem_shared>> -> memref<16x128xf32, #tpu.memory_space<vmem_shared>>
        %dma_start3A_39 = arith.constant 9984 : i32
        %dma_start3A_40 = arith.constant 0 : i32
        %dma_start3A_41 = tpu.memref_slice %arg2[%dma_start3A_39, %dma_start3A_40] : memref<10000x128xf32, #tpu.memory_space<hbm>> -> memref<16x128xf32, #tpu.memory_space<hbm>>
        tpu.enqueue_dma source(%dma_start3A_41 : memref<16x128xf32, #tpu.memory_space<hbm>>) target(%dma_start3A_38 : memref<16x128xf32, #tpu.memory_space<vmem_shared>>) target_semaphore(%run_scoped3A : memref<!tpu.dma_semaphore, #tpu.memory_space<semaphore_mem>>)
        %dma_wait3A = arith.constant 9984 : i32
        %dma_wait3A_42 = arith.constant 0 : i32
        %dma_wait3A_43 = tpu.memref_slice %arg11[%dma_wait3A, %dma_wait3A_42] : memref<10008x128xf32, #tpu.memory_space<vmem_shared>> -> memref<16x128xf32, #tpu.memory_space<vmem_shared>>
        %dma_wait3A_44 = arith.constant 9984 : i32
        %dma_wait3A_45 = arith.constant 0 : i32
        %dma_wait3A_46 = tpu.memref_slice %arg2[%dma_wait3A_44, %dma_wait3A_45] : memref<10000x128xf32, #tpu.memory_space<hbm>> -> memref<16x128xf32, #tpu.memory_space<hbm>>
        tpu.wait_dma2 semaphore(%run_scoped3A : memref<!tpu.dma_semaphore, #tpu.memory_space<semaphore_mem>>) src(%dma_wait3A_46 : memref<16x128xf32, #tpu.memory_space<hbm>>) dst(%dma_wait3A_43 : memref<16x128xf32, #tpu.memory_space<vmem_shared>>)
        tpu.yield
      }) : () -> ()
    } else {
    }
    %eq3A_5 = arith.constant 0 : i32
    %eq3A_6 = arith.cmpi eq, %arg0, %eq3A_5 : i32
    %convert_element_type3A_7 = arith.extui %eq3A_6 : i1 to i32
    %cond3A_8 = arith.constant 0 : i32
    %cond3A_9 = arith.cmpi ne, %convert_element_type3A_7, %cond3A_8 : i32
    scf.if %cond3A_9 {
      "tpu.region"() ({
        %run_scoped3A = tpu.sem_alloc : memref<!tpu.dma_semaphore, #tpu.memory_space<semaphore_mem>>
        %dma_start3A = arith.constant 0 : i32
        %dma_start3A_37 = arith.constant 0 : i32
        %dma_start3A_38 = tpu.memref_slice %arg8[%dma_start3A, %dma_start3A_37] : memref<101x128xi32, #tpu.memory_space<vmem>> -> memref<101x128xi32, #tpu.memory_space<vmem>>
        %dma_start3A_39 = arith.constant 0 : i32
        %dma_start3A_40 = arith.constant 0 : i32
        %dma_start3A_41 = tpu.memref_slice %arg3[%arg1, %dma_start3A_39, %dma_start3A_40] : memref<16x101x128xi32, #tpu.memory_space<hbm>> -> memref<1x101x128xi32, #tpu.memory_space<hbm>>
        %dma_start3A_42 = tpu.memref_squeeze %dma_start3A_41 : memref<1x101x128xi32, #tpu.memory_space<hbm>> -> memref<101x128xi32, #tpu.memory_space<hbm>>
        %dma_start3A_43 = arith.constant 0 : i32
        %dma_start3A_44 = arith.constant 0 : i32
        %dma_start3A_45 = tpu.memref_slice %arg8[%dma_start3A_43, %dma_start3A_44] : memref<101x128xi32, #tpu.memory_space<vmem>> -> memref<101x128xi32, #tpu.memory_space<vmem>>
        %dma_start3A_46 = arith.constant 0 : i32
        %dma_start3A_47 = arith.constant 0 : i32
        %dma_start3A_48 = tpu.memref_slice %arg3[%arg1, %dma_start3A_46, %dma_start3A_47] : memref<16x101x128xi32, #tpu.memory_space<hbm>> -> memref<1x101x128xi32, #tpu.memory_space<hbm>>
        %dma_start3A_49 = tpu.memref_squeeze %dma_start3A_48 : memref<1x101x128xi32, #tpu.memory_space<hbm>> -> memref<101x128xi32, #tpu.memory_space<hbm>>
        tpu.enqueue_dma source(%dma_start3A_49 : memref<101x128xi32, #tpu.memory_space<hbm>>) target(%dma_start3A_45 : memref<101x128xi32, #tpu.memory_space<vmem>>) target_semaphore(%run_scoped3A : memref<!tpu.dma_semaphore, #tpu.memory_space<semaphore_mem>>)
        %dma_wait3A = arith.constant 0 : i32
        %dma_wait3A_50 = arith.constant 0 : i32
        %dma_wait3A_51 = tpu.memref_slice %arg8[%dma_wait3A, %dma_wait3A_50] : memref<101x128xi32, #tpu.memory_space<vmem>> -> memref<101x128xi32, #tpu.memory_space<vmem>>
        %dma_wait3A_52 = arith.constant 0 : i32
        %dma_wait3A_53 = arith.constant 0 : i32
        %dma_wait3A_54 = tpu.memref_slice %arg3[%arg1, %dma_wait3A_52, %dma_wait3A_53] : memref<16x101x128xi32, #tpu.memory_space<hbm>> -> memref<1x101x128xi32, #tpu.memory_space<hbm>>
        %dma_wait3A_55 = tpu.memref_squeeze %dma_wait3A_54 : memref<1x101x128xi32, #tpu.memory_space<hbm>> -> memref<101x128xi32, #tpu.memory_space<hbm>>
        %dma_wait3A_56 = arith.constant 0 : i32
        %dma_wait3A_57 = arith.constant 0 : i32
        %dma_wait3A_58 = tpu.memref_slice %arg8[%dma_wait3A_56, %dma_wait3A_57] : memref<101x128xi32, #tpu.memory_space<vmem>> -> memref<101x128xi32, #tpu.memory_space<vmem>>
        %dma_wait3A_59 = arith.constant 0 : i32
        %dma_wait3A_60 = arith.constant 0 : i32
        %dma_wait3A_61 = tpu.memref_slice %arg3[%arg1, %dma_wait3A_59, %dma_wait3A_60] : memref<16x101x128xi32, #tpu.memory_space<hbm>> -> memref<1x101x128xi32, #tpu.memory_space<hbm>>
        %dma_wait3A_62 = tpu.memref_squeeze %dma_wait3A_61 : memref<1x101x128xi32, #tpu.memory_space<hbm>> -> memref<101x128xi32, #tpu.memory_space<hbm>>
        tpu.wait_dma2 semaphore(%run_scoped3A : memref<!tpu.dma_semaphore, #tpu.memory_space<semaphore_mem>>) src(%dma_wait3A_62 : memref<101x128xi32, #tpu.memory_space<hbm>>) dst(%dma_wait3A_58 : memref<101x128xi32, #tpu.memory_space<vmem>>)
        tpu.yield
      }) : () -> ()
      "tpu.region"() ({
        %run_scoped3A = tpu.sem_alloc : memref<!tpu.dma_semaphore, #tpu.memory_space<semaphore_mem>>
        %dma_start3A = arith.constant 0 : i32
        %dma_start3A_37 = arith.constant 0 : i32
        %dma_start3A_38 = tpu.memref_slice %arg9[%dma_start3A, %dma_start3A_37] : memref<101x128xi32, #tpu.memory_space<vmem>> -> memref<101x128xi32, #tpu.memory_space<vmem>>
        %dma_start3A_39 = arith.constant 0 : i32
        %dma_start3A_40 = arith.constant 0 : i32
        %dma_start3A_41 = tpu.memref_slice %arg4[%arg1, %dma_start3A_39, %dma_start3A_40] : memref<16x101x128xi32, #tpu.memory_space<hbm>> -> memref<1x101x128xi32, #tpu.memory_space<hbm>>
        %dma_start3A_42 = tpu.memref_squeeze %dma_start3A_41 : memref<1x101x128xi32, #tpu.memory_space<hbm>> -> memref<101x128xi32, #tpu.memory_space<hbm>>
        %dma_start3A_43 = arith.constant 0 : i32
        %dma_start3A_44 = arith.constant 0 : i32
        %dma_start3A_45 = tpu.memref_slice %arg9[%dma_start3A_43, %dma_start3A_44] : memref<101x128xi32, #tpu.memory_space<vmem>> -> memref<101x128xi32, #tpu.memory_space<vmem>>
        %dma_start3A_46 = arith.constant 0 : i32
        %dma_start3A_47 = arith.constant 0 : i32
        %dma_start3A_48 = tpu.memref_slice %arg4[%arg1, %dma_start3A_46, %dma_start3A_47] : memref<16x101x128xi32, #tpu.memory_space<hbm>> -> memref<1x101x128xi32, #tpu.memory_space<hbm>>
        %dma_start3A_49 = tpu.memref_squeeze %dma_start3A_48 : memref<1x101x128xi32, #tpu.memory_space<hbm>> -> memref<101x128xi32, #tpu.memory_space<hbm>>
        tpu.enqueue_dma source(%dma_start3A_49 : memref<101x128xi32, #tpu.memory_space<hbm>>) target(%dma_start3A_45 : memref<101x128xi32, #tpu.memory_space<vmem>>) target_semaphore(%run_scoped3A : memref<!tpu.dma_semaphore, #tpu.memory_space<semaphore_mem>>)
        %dma_wait3A = arith.constant 0 : i32
        %dma_wait3A_50 = arith.constant 0 : i32
        %dma_wait3A_51 = tpu.memref_slice %arg9[%dma_wait3A, %dma_wait3A_50] : memref<101x128xi32, #tpu.memory_space<vmem>> -> memref<101x128xi32, #tpu.memory_space<vmem>>
        %dma_wait3A_52 = arith.constant 0 : i32
        %dma_wait3A_53 = arith.constant 0 : i32
        %dma_wait3A_54 = tpu.memref_slice %arg4[%arg1, %dma_wait3A_52, %dma_wait3A_53] : memref<16x101x128xi32, #tpu.memory_space<hbm>> -> memref<1x101x128xi32, #tpu.memory_space<hbm>>
        %dma_wait3A_55 = tpu.memref_squeeze %dma_wait3A_54 : memref<1x101x128xi32, #tpu.memory_space<hbm>> -> memref<101x128xi32, #tpu.memory_space<hbm>>
        %dma_wait3A_56 = arith.constant 0 : i32
        %dma_wait3A_57 = arith.constant 0 : i32
        %dma_wait3A_58 = tpu.memref_slice %arg9[%dma_wait3A_56, %dma_wait3A_57] : memref<101x128xi32, #tpu.memory_space<vmem>> -> memref<101x128xi32, #tpu.memory_space<vmem>>
        %dma_wait3A_59 = arith.constant 0 : i32
        %dma_wait3A_60 = arith.constant 0 : i32
        %dma_wait3A_61 = tpu.memref_slice %arg4[%arg1, %dma_wait3A_59, %dma_wait3A_60] : memref<16x101x128xi32, #tpu.memory_space<hbm>> -> memref<1x101x128xi32, #tpu.memory_space<hbm>>
        %dma_wait3A_62 = tpu.memref_squeeze %dma_wait3A_61 : memref<1x101x128xi32, #tpu.memory_space<hbm>> -> memref<101x128xi32, #tpu.memory_space<hbm>>
        tpu.wait_dma2 semaphore(%run_scoped3A : memref<!tpu.dma_semaphore, #tpu.memory_space<semaphore_mem>>) src(%dma_wait3A_62 : memref<101x128xi32, #tpu.memory_space<hbm>>) dst(%dma_wait3A_58 : memref<101x128xi32, #tpu.memory_space<vmem>>)
        tpu.yield
      }) : () -> ()
    } else {
    }
    %eq3A_10 = arith.constant 1 : i32
    %eq3A_11 = arith.cmpi eq, %arg0, %eq3A_10 : i32
    %convert_element_type3A_12 = arith.extui %eq3A_11 : i1 to i32
    %cond3A_13 = arith.constant 0 : i32
    %cond3A_14 = arith.cmpi ne, %convert_element_type3A_12, %cond3A_13 : i32
    scf.if %cond3A_14 {
      "tpu.region"() ({
        %run_scoped3A = tpu.sem_alloc : memref<!tpu.dma_semaphore, #tpu.memory_space<semaphore_mem>>
        %dma_start3A = arith.constant 0 : i32
        %dma_start3A_37 = arith.constant 0 : i32
        %dma_start3A_38 = tpu.memref_slice %arg8[%dma_start3A, %dma_start3A_37] : memref<101x128xi32, #tpu.memory_space<vmem>> -> memref<57x128xi32, #tpu.memory_space<vmem>>
        %dma_start3A_39 = arith.constant 0 : i32
        %dma_start3A_40 = arith.constant 0 : i32
        %dma_start3A_41 = tpu.memref_slice %arg5[%arg1, %dma_start3A_39, %dma_start3A_40] : memref<16x57x128xi32, #tpu.memory_space<hbm>> -> memref<1x57x128xi32, #tpu.memory_space<hbm>>
        %dma_start3A_42 = tpu.memref_squeeze %dma_start3A_41 : memref<1x57x128xi32, #tpu.memory_space<hbm>> -> memref<57x128xi32, #tpu.memory_space<hbm>>
        %dma_start3A_43 = arith.constant 0 : i32
        %dma_start3A_44 = arith.constant 0 : i32
        %dma_start3A_45 = tpu.memref_slice %arg8[%dma_start3A_43, %dma_start3A_44] : memref<101x128xi32, #tpu.memory_space<vmem>> -> memref<57x128xi32, #tpu.memory_space<vmem>>
        %dma_start3A_46 = arith.constant 0 : i32
        %dma_start3A_47 = arith.constant 0 : i32
        %dma_start3A_48 = tpu.memref_slice %arg5[%arg1, %dma_start3A_46, %dma_start3A_47] : memref<16x57x128xi32, #tpu.memory_space<hbm>> -> memref<1x57x128xi32, #tpu.memory_space<hbm>>
        %dma_start3A_49 = tpu.memref_squeeze %dma_start3A_48 : memref<1x57x128xi32, #tpu.memory_space<hbm>> -> memref<57x128xi32, #tpu.memory_space<hbm>>
        tpu.enqueue_dma source(%dma_start3A_49 : memref<57x128xi32, #tpu.memory_space<hbm>>) target(%dma_start3A_45 : memref<57x128xi32, #tpu.memory_space<vmem>>) target_semaphore(%run_scoped3A : memref<!tpu.dma_semaphore, #tpu.memory_space<semaphore_mem>>)
        %dma_wait3A = arith.constant 0 : i32
        %dma_wait3A_50 = arith.constant 0 : i32
        %dma_wait3A_51 = tpu.memref_slice %arg8[%dma_wait3A, %dma_wait3A_50] : memref<101x128xi32, #tpu.memory_space<vmem>> -> memref<57x128xi32, #tpu.memory_space<vmem>>
        %dma_wait3A_52 = arith.constant 0 : i32
        %dma_wait3A_53 = arith.constant 0 : i32
        %dma_wait3A_54 = tpu.memref_slice %arg5[%arg1, %dma_wait3A_52, %dma_wait3A_53] : memref<16x57x128xi32, #tpu.memory_space<hbm>> -> memref<1x57x128xi32, #tpu.memory_space<hbm>>
        %dma_wait3A_55 = tpu.memref_squeeze %dma_wait3A_54 : memref<1x57x128xi32, #tpu.memory_space<hbm>> -> memref<57x128xi32, #tpu.memory_space<hbm>>
        %dma_wait3A_56 = arith.constant 0 : i32
        %dma_wait3A_57 = arith.constant 0 : i32
        %dma_wait3A_58 = tpu.memref_slice %arg8[%dma_wait3A_56, %dma_wait3A_57] : memref<101x128xi32, #tpu.memory_space<vmem>> -> memref<57x128xi32, #tpu.memory_space<vmem>>
        %dma_wait3A_59 = arith.constant 0 : i32
        %dma_wait3A_60 = arith.constant 0 : i32
        %dma_wait3A_61 = tpu.memref_slice %arg5[%arg1, %dma_wait3A_59, %dma_wait3A_60] : memref<16x57x128xi32, #tpu.memory_space<hbm>> -> memref<1x57x128xi32, #tpu.memory_space<hbm>>
        %dma_wait3A_62 = tpu.memref_squeeze %dma_wait3A_61 : memref<1x57x128xi32, #tpu.memory_space<hbm>> -> memref<57x128xi32, #tpu.memory_space<hbm>>
        tpu.wait_dma2 semaphore(%run_scoped3A : memref<!tpu.dma_semaphore, #tpu.memory_space<semaphore_mem>>) src(%dma_wait3A_62 : memref<57x128xi32, #tpu.memory_space<hbm>>) dst(%dma_wait3A_58 : memref<57x128xi32, #tpu.memory_space<vmem>>)
        tpu.yield
      }) : () -> ()
      "tpu.region"() ({
        %run_scoped3A = tpu.sem_alloc : memref<!tpu.dma_semaphore, #tpu.memory_space<semaphore_mem>>
        %dma_start3A = arith.constant 0 : i32
        %dma_start3A_37 = arith.constant 0 : i32
        %dma_start3A_38 = tpu.memref_slice %arg9[%dma_start3A, %dma_start3A_37] : memref<101x128xi32, #tpu.memory_space<vmem>> -> memref<57x128xi32, #tpu.memory_space<vmem>>
        %dma_start3A_39 = arith.constant 0 : i32
        %dma_start3A_40 = arith.constant 0 : i32
        %dma_start3A_41 = tpu.memref_slice %arg6[%arg1, %dma_start3A_39, %dma_start3A_40] : memref<16x57x128xi32, #tpu.memory_space<hbm>> -> memref<1x57x128xi32, #tpu.memory_space<hbm>>
        %dma_start3A_42 = tpu.memref_squeeze %dma_start3A_41 : memref<1x57x128xi32, #tpu.memory_space<hbm>> -> memref<57x128xi32, #tpu.memory_space<hbm>>
        %dma_start3A_43 = arith.constant 0 : i32
        %dma_start3A_44 = arith.constant 0 : i32
        %dma_start3A_45 = tpu.memref_slice %arg9[%dma_start3A_43, %dma_start3A_44] : memref<101x128xi32, #tpu.memory_space<vmem>> -> memref<57x128xi32, #tpu.memory_space<vmem>>
        %dma_start3A_46 = arith.constant 0 : i32
        %dma_start3A_47 = arith.constant 0 : i32
        %dma_start3A_48 = tpu.memref_slice %arg6[%arg1, %dma_start3A_46, %dma_start3A_47] : memref<16x57x128xi32, #tpu.memory_space<hbm>> -> memref<1x57x128xi32, #tpu.memory_space<hbm>>
        %dma_start3A_49 = tpu.memref_squeeze %dma_start3A_48 : memref<1x57x128xi32, #tpu.memory_space<hbm>> -> memref<57x128xi32, #tpu.memory_space<hbm>>
        tpu.enqueue_dma source(%dma_start3A_49 : memref<57x128xi32, #tpu.memory_space<hbm>>) target(%dma_start3A_45 : memref<57x128xi32, #tpu.memory_space<vmem>>) target_semaphore(%run_scoped3A : memref<!tpu.dma_semaphore, #tpu.memory_space<semaphore_mem>>)
        %dma_wait3A = arith.constant 0 : i32
        %dma_wait3A_50 = arith.constant 0 : i32
        %dma_wait3A_51 = tpu.memref_slice %arg9[%dma_wait3A, %dma_wait3A_50] : memref<101x128xi32, #tpu.memory_space<vmem>> -> memref<57x128xi32, #tpu.memory_space<vmem>>
        %dma_wait3A_52 = arith.constant 0 : i32
        %dma_wait3A_53 = arith.constant 0 : i32
        %dma_wait3A_54 = tpu.memref_slice %arg6[%arg1, %dma_wait3A_52, %dma_wait3A_53] : memref<16x57x128xi32, #tpu.memory_space<hbm>> -> memref<1x57x128xi32, #tpu.memory_space<hbm>>
        %dma_wait3A_55 = tpu.memref_squeeze %dma_wait3A_54 : memref<1x57x128xi32, #tpu.memory_space<hbm>> -> memref<57x128xi32, #tpu.memory_space<hbm>>
        %dma_wait3A_56 = arith.constant 0 : i32
        %dma_wait3A_57 = arith.constant 0 : i32
        %dma_wait3A_58 = tpu.memref_slice %arg9[%dma_wait3A_56, %dma_wait3A_57] : memref<101x128xi32, #tpu.memory_space<vmem>> -> memref<57x128xi32, #tpu.memory_space<vmem>>
        %dma_wait3A_59 = arith.constant 0 : i32
        %dma_wait3A_60 = arith.constant 0 : i32
        %dma_wait3A_61 = tpu.memref_slice %arg6[%arg1, %dma_wait3A_59, %dma_wait3A_60] : memref<16x57x128xi32, #tpu.memory_space<hbm>> -> memref<1x57x128xi32, #tpu.memory_space<hbm>>
        %dma_wait3A_62 = tpu.memref_squeeze %dma_wait3A_61 : memref<1x57x128xi32, #tpu.memory_space<hbm>> -> memref<57x128xi32, #tpu.memory_space<hbm>>
        tpu.wait_dma2 semaphore(%run_scoped3A : memref<!tpu.dma_semaphore, #tpu.memory_space<semaphore_mem>>) src(%dma_wait3A_62 : memref<57x128xi32, #tpu.memory_space<hbm>>) dst(%dma_wait3A_58 : memref<57x128xi32, #tpu.memory_space<vmem>>)
        tpu.yield
      }) : () -> ()
    } else {
    }
    %barrier3A = arith.constant 0 : index
    tpu.barrier barrier_id(%barrier3A)
    %eq3A_15 = arith.constant 0 : i32
    %eq3A_16 = arith.cmpi eq, %arg0, %eq3A_15 : i32
    %jit3A = arith.constant 101 : i32
    %jit3A_17 = arith.constant 57 : i32
    %select_n3A = arith.select %eq3A_16, %jit3A, %jit3A_17 : i32
    %while3A = arith.constant 0 : i32
    %while3A_18 = arith.constant 0 : i32
    %while3A_19 = arith.subi %select_n3A, %while3A_18 : i32
    %while3A_20 = arith.addi %while3A_18, %while3A_19 : i32
    %while3A_21 = arith.constant 1 : i32
    %while3A_22 = arith.divsi %while3A_19, %while3A_21 : i32
    %while3A_23 = arith.muli %while3A_22, %while3A_21 : i32
    %while3A_24 = arith.addi %while3A_18, %while3A_23 : i32
    %while3A_25 = arith.constant 1 : i32
    scf.for %while3A_37 = %while3A_18 to %while3A_24 step %while3A_25  : i32 {
      %dma_start3A = arith.constant 0 : i32
      %dma_start3A_38 = tpu.memref_slice %arg8[%while3A_37, %dma_start3A] : memref<101x128xi32, #tpu.memory_space<vmem>> -> memref<1x128xi32, #tpu.memory_space<vmem>>
      %dma_start3A_39 = tpu.memref_squeeze %dma_start3A_38 : memref<1x128xi32, #tpu.memory_space<vmem>> -> memref<128xi32, #tpu.memory_space<vmem>>
      %dma_start3A_40 = arith.constant 0 : i32
      %dma_start3A_41 = arith.constant 0 : i32
      %dma_start3A_42 = tpu.memref_slice %arg2[%dma_start3A_40, %dma_start3A_41] : memref<10000x128xf32, #tpu.memory_space<hbm>> -> memref<10000x128xf32, #tpu.memory_space<hbm>>
      tpu.enqueue_indirect_dma source(%dma_start3A_42 : memref<10000x128xf32, #tpu.memory_space<hbm>>) target(%arg10 : memref<128x128xf32, #tpu.memory_space<vmem>>) offsets(%dma_start3A_39 : memref<128xi32, #tpu.memory_space<vmem>>) semaphore(%arg12 : memref<!tpu.dma_semaphore, #tpu.memory_space<semaphore_mem>>)
      %dma_wait3A = arith.constant 0 : i32
      %dma_wait3A_43 = tpu.memref_slice %arg8[%while3A_37, %dma_wait3A] : memref<101x128xi32, #tpu.memory_space<vmem>> -> memref<1x128xi32, #tpu.memory_space<vmem>>
      %dma_wait3A_44 = tpu.memref_squeeze %dma_wait3A_43 : memref<1x128xi32, #tpu.memory_space<vmem>> -> memref<128xi32, #tpu.memory_space<vmem>>
      %dma_wait3A_45 = arith.constant 0 : i32
      %dma_wait3A_46 = arith.constant 0 : i32
      %dma_wait3A_47 = tpu.memref_slice %arg2[%dma_wait3A_45, %dma_wait3A_46] : memref<10000x128xf32, #tpu.memory_space<hbm>> -> memref<10000x128xf32, #tpu.memory_space<hbm>>
      tpu.wait_indirect_dma semaphore(%arg12 : memref<!tpu.dma_semaphore, #tpu.memory_space<semaphore_mem>>) src(%dma_wait3A_47 : memref<10000x128xf32, #tpu.memory_space<hbm>>) dst(%arg10 : memref<128x128xf32, #tpu.memory_space<vmem>>)
      "tpu.region"() ({
        %run_scoped3A = tpu.sem_alloc : memref<!tpu.dma_semaphore, #tpu.memory_space<semaphore_mem>>
        %dma_start3A_48 = arith.constant 0 : i32
        %dma_start3A_49 = tpu.memref_slice %arg9[%while3A_37, %dma_start3A_48] : memref<101x128xi32, #tpu.memory_space<vmem>> -> memref<1x128xi32, #tpu.memory_space<vmem>>
        %dma_start3A_50 = tpu.memref_squeeze %dma_start3A_49 : memref<1x128xi32, #tpu.memory_space<vmem>> -> memref<128xi32, #tpu.memory_space<vmem>>
        %dma_start3A_51 = arith.constant 0 : i32
        %dma_start3A_52 = arith.constant 0 : i32
        %dma_start3A_53 = tpu.memref_slice %arg11[%dma_start3A_51, %dma_start3A_52] : memref<10008x128xf32, #tpu.memory_space<vmem_shared>> -> memref<10008x128xf32, #tpu.memory_space<vmem_shared>>
        tpu.enqueue_indirect_dma source(%arg10 : memref<128x128xf32, #tpu.memory_space<vmem>>) target(%dma_start3A_53 : memref<10008x128xf32, #tpu.memory_space<vmem_shared>>) offsets(%dma_start3A_50 : memref<128xi32, #tpu.memory_space<vmem>>) semaphore(%run_scoped3A : memref<!tpu.dma_semaphore, #tpu.memory_space<semaphore_mem>>) {add = true}
        %dma_wait3A_54 = arith.constant 0 : i32
        %dma_wait3A_55 = tpu.memref_slice %arg9[%while3A_37, %dma_wait3A_54] : memref<101x128xi32, #tpu.memory_space<vmem>> -> memref<1x128xi32, #tpu.memory_space<vmem>>
        %dma_wait3A_56 = tpu.memref_squeeze %dma_wait3A_55 : memref<1x128xi32, #tpu.memory_space<vmem>> -> memref<128xi32, #tpu.memory_space<vmem>>
        %dma_wait3A_57 = arith.constant 0 : i32
        %dma_wait3A_58 = arith.constant 0 : i32
        %dma_wait3A_59 = tpu.memref_slice %arg11[%dma_wait3A_57, %dma_wait3A_58] : memref<10008x128xf32, #tpu.memory_space<vmem_shared>> -> memref<10008x128xf32, #tpu.memory_space<vmem_shared>>
        tpu.wait_indirect_dma semaphore(%run_scoped3A : memref<!tpu.dma_semaphore, #tpu.memory_space<semaphore_mem>>) src(%arg10 : memref<128x128xf32, #tpu.memory_space<vmem>>) dst(%dma_wait3A_59 : memref<10008x128xf32, #tpu.memory_space<vmem_shared>>)
        tpu.yield
      }) : () -> ()
    }
    %while3A_26 = arith.constant 1 : i32
    scf.for %while3A_37 = %while3A_24 to %while3A_20 step %while3A_26  : i32 {
      %dma_start3A = arith.constant 0 : i32
      %dma_start3A_38 = tpu.memref_slice %arg8[%while3A_37, %dma_start3A] : memref<101x128xi32, #tpu.memory_space<vmem>> -> memref<1x128xi32, #tpu.memory_space<vmem>>
      %dma_start3A_39 = tpu.memref_squeeze %dma_start3A_38 : memref<1x128xi32, #tpu.memory_space<vmem>> -> memref<128xi32, #tpu.memory_space<vmem>>
      %dma_start3A_40 = arith.constant 0 : i32
      %dma_start3A_41 = arith.constant 0 : i32
      %dma_start3A_42 = tpu.memref_slice %arg2[%dma_start3A_40, %dma_start3A_41] : memref<10000x128xf32, #tpu.memory_space<hbm>> -> memref<10000x128xf32, #tpu.memory_space<hbm>>
      tpu.enqueue_indirect_dma source(%dma_start3A_42 : memref<10000x128xf32, #tpu.memory_space<hbm>>) target(%arg10 : memref<128x128xf32, #tpu.memory_space<vmem>>) offsets(%dma_start3A_39 : memref<128xi32, #tpu.memory_space<vmem>>) semaphore(%arg12 : memref<!tpu.dma_semaphore, #tpu.memory_space<semaphore_mem>>)
      %dma_wait3A = arith.constant 0 : i32
      %dma_wait3A_43 = tpu.memref_slice %arg8[%while3A_37, %dma_wait3A] : memref<101x128xi32, #tpu.memory_space<vmem>> -> memref<1x128xi32, #tpu.memory_space<vmem>>
      %dma_wait3A_44 = tpu.memref_squeeze %dma_wait3A_43 : memref<1x128xi32, #tpu.memory_space<vmem>> -> memref<128xi32, #tpu.memory_space<vmem>>
      %dma_wait3A_45 = arith.constant 0 : i32
      %dma_wait3A_46 = arith.constant 0 : i32
      %dma_wait3A_47 = tpu.memref_slice %arg2[%dma_wait3A_45, %dma_wait3A_46] : memref<10000x128xf32, #tpu.memory_space<hbm>> -> memref<10000x128xf32, #tpu.memory_space<hbm>>
      tpu.wait_indirect_dma semaphore(%arg12 : memref<!tpu.dma_semaphore, #tpu.memory_space<semaphore_mem>>) src(%dma_wait3A_47 : memref<10000x128xf32, #tpu.memory_space<hbm>>) dst(%arg10 : memref<128x128xf32, #tpu.memory_space<vmem>>)
      "tpu.region"() ({
        %run_scoped3A = tpu.sem_alloc : memref<!tpu.dma_semaphore, #tpu.memory_space<semaphore_mem>>
        %dma_start3A_48 = arith.constant 0 : i32
        %dma_start3A_49 = tpu.memref_slice %arg9[%while3A_37, %dma_start3A_48] : memref<101x128xi32, #tpu.memory_space<vmem>> -> memref<1x128xi32, #tpu.memory_space<vmem>>
        %dma_start3A_50 = tpu.memref_squeeze %dma_start3A_49 : memref<1x128xi32, #tpu.memory_space<vmem>> -> memref<128xi32, #tpu.memory_space<vmem>>
        %dma_start3A_51 = arith.constant 0 : i32
        %dma_start3A_52 = arith.constant 0 : i32
        %dma_start3A_53 = tpu.memref_slice %arg11[%dma_start3A_51, %dma_start3A_52] : memref<10008x128xf32, #tpu.memory_space<vmem_shared>> -> memref<10008x128xf32, #tpu.memory_space<vmem_shared>>
        tpu.enqueue_indirect_dma source(%arg10 : memref<128x128xf32, #tpu.memory_space<vmem>>) target(%dma_start3A_53 : memref<10008x128xf32, #tpu.memory_space<vmem_shared>>) offsets(%dma_start3A_50 : memref<128xi32, #tpu.memory_space<vmem>>) semaphore(%run_scoped3A : memref<!tpu.dma_semaphore, #tpu.memory_space<semaphore_mem>>) {add = true}
        %dma_wait3A_54 = arith.constant 0 : i32
        %dma_wait3A_55 = tpu.memref_slice %arg9[%while3A_37, %dma_wait3A_54] : memref<101x128xi32, #tpu.memory_space<vmem>> -> memref<1x128xi32, #tpu.memory_space<vmem>>
        %dma_wait3A_56 = tpu.memref_squeeze %dma_wait3A_55 : memref<1x128xi32, #tpu.memory_space<vmem>> -> memref<128xi32, #tpu.memory_space<vmem>>
        %dma_wait3A_57 = arith.constant 0 : i32
        %dma_wait3A_58 = arith.constant 0 : i32
        %dma_wait3A_59 = tpu.memref_slice %arg11[%dma_wait3A_57, %dma_wait3A_58] : memref<10008x128xf32, #tpu.memory_space<vmem_shared>> -> memref<10008x128xf32, #tpu.memory_space<vmem_shared>>
        tpu.wait_indirect_dma semaphore(%run_scoped3A : memref<!tpu.dma_semaphore, #tpu.memory_space<semaphore_mem>>) src(%arg10 : memref<128x128xf32, #tpu.memory_space<vmem>>) dst(%dma_wait3A_59 : memref<10008x128xf32, #tpu.memory_space<vmem_shared>>)
        tpu.yield
      }) : () -> ()
    }
    %barrier3A_27 = arith.constant 0 : index
    tpu.barrier barrier_id(%barrier3A_27)
    %mul3A_28 = arith.constant 624 : i32
    %mul3A_29 = arith.muli %arg1, %mul3A_28 : i32
    %mul3A_30 = arith.constant 624 : i32
    %mul3A_31 = arith.muli %arg1, %mul3A_30 : i32
    "tpu.region"() ({
      %run_scoped3A = tpu.sem_alloc : memref<!tpu.dma_semaphore, #tpu.memory_space<semaphore_mem>>
      %dma_start3A = arith.constant 0 : i32
      %dma_start3A_37 = arith.constant 0 : i32
      %dma_start3A_38 = tpu.memref_slice %arg7[%arg0, %dma_start3A, %dma_start3A_37] : memref<2x10000x128xf32, #tpu.memory_space<hbm>> -> memref<1x10000x128xf32, #tpu.memory_space<hbm>>
      %dma_start3A_39 = tpu.memref_squeeze %dma_start3A_38 : memref<1x10000x128xf32, #tpu.memory_space<hbm>> -> memref<10000x128xf32, #tpu.memory_space<hbm>>
      %dma_start3A_40 = arith.constant 0 : i32
      %dma_start3A_41 = tpu.memref_slice %dma_start3A_39[%mul3A_31, %dma_start3A_40] : memref<10000x128xf32, #tpu.memory_space<hbm>> -> memref<624x128xf32, #tpu.memory_space<hbm>>
      %dma_start3A_42 = arith.constant 0 : i32
      %dma_start3A_43 = tpu.memref_slice %arg11[%mul3A_29, %dma_start3A_42] : memref<10008x128xf32, #tpu.memory_space<vmem_shared>> -> memref<624x128xf32, #tpu.memory_space<vmem_shared>>
      tpu.enqueue_dma source(%dma_start3A_43 : memref<624x128xf32, #tpu.memory_space<vmem_shared>>) target(%dma_start3A_41 : memref<624x128xf32, #tpu.memory_space<hbm>>) target_semaphore(%run_scoped3A : memref<!tpu.dma_semaphore, #tpu.memory_space<semaphore_mem>>)
      %dma_wait3A = arith.constant 0 : i32
      %dma_wait3A_44 = arith.constant 0 : i32
      %dma_wait3A_45 = tpu.memref_slice %arg7[%arg0, %dma_wait3A, %dma_wait3A_44] : memref<2x10000x128xf32, #tpu.memory_space<hbm>> -> memref<1x10000x128xf32, #tpu.memory_space<hbm>>
      %dma_wait3A_46 = tpu.memref_squeeze %dma_wait3A_45 : memref<1x10000x128xf32, #tpu.memory_space<hbm>> -> memref<10000x128xf32, #tpu.memory_space<hbm>>
      %dma_wait3A_47 = arith.constant 0 : i32
      %dma_wait3A_48 = tpu.memref_slice %dma_wait3A_46[%mul3A_31, %dma_wait3A_47] : memref<10000x128xf32, #tpu.memory_space<hbm>> -> memref<624x128xf32, #tpu.memory_space<hbm>>
      %dma_wait3A_49 = arith.constant 0 : i32
      %dma_wait3A_50 = tpu.memref_slice %arg11[%mul3A_29, %dma_wait3A_49] : memref<10008x128xf32, #tpu.memory_space<vmem_shared>> -> memref<624x128xf32, #tpu.memory_space<vmem_shared>>
      tpu.wait_dma2 semaphore(%run_scoped3A : memref<!tpu.dma_semaphore, #tpu.memory_space<semaphore_mem>>) src(%dma_wait3A_50 : memref<624x128xf32, #tpu.memory_space<vmem_shared>>) dst(%dma_wait3A_48 : memref<624x128xf32, #tpu.memory_space<hbm>>)
      tpu.yield
    }) : () -> ()
    %eq3A_32 = arith.constant 15 : i32
    %eq3A_33 = arith.cmpi eq, %arg1, %eq3A_32 : i32
    %convert_element_type3A_34 = arith.extui %eq3A_33 : i1 to i32
    %cond3A_35 = arith.constant 0 : i32
    %cond3A_36 = arith.cmpi ne, %convert_element_type3A_34, %cond3A_35 : i32
    scf.if %cond3A_36 {
      "tpu.region"() ({
        %run_scoped3A = tpu.sem_alloc : memref<!tpu.dma_semaphore, #tpu.memory_space<semaphore_mem>>
        %dma_start3A = arith.constant 0 : i32
        %dma_start3A_37 = arith.constant 0 : i32
        %dma_start3A_38 = tpu.memref_slice %arg7[%arg0, %dma_start3A, %dma_start3A_37] : memref<2x10000x128xf32, #tpu.memory_space<hbm>> -> memref<1x10000x128xf32, #tpu.memory_space<hbm>>
        %dma_start3A_39 = tpu.memref_squeeze %dma_start3A_38 : memref<1x10000x128xf32, #tpu.memory_space<hbm>> -> memref<10000x128xf32, #tpu.memory_space<hbm>>
        %dma_start3A_40 = arith.constant 9984 : i32
        %dma_start3A_41 = arith.constant 0 : i32
        %dma_start3A_42 = tpu.memref_slice %dma_start3A_39[%dma_start3A_40, %dma_start3A_41] : memref<10000x128xf32, #tpu.memory_space<hbm>> -> memref<16x128xf32, #tpu.memory_space<hbm>>
        %dma_start3A_43 = arith.constant 9984 : i32
        %dma_start3A_44 = arith.constant 0 : i32
        %dma_start3A_45 = tpu.memref_slice %arg11[%dma_start3A_43, %dma_start3A_44] : memref<10008x128xf32, #tpu.memory_space<vmem_shared>> -> memref<16x128xf32, #tpu.memory_space<vmem_shared>>
        tpu.enqueue_dma source(%dma_start3A_45 : memref<16x128xf32, #tpu.memory_space<vmem_shared>>) target(%dma_start3A_42 : memref<16x128xf32, #tpu.memory_space<hbm>>) target_semaphore(%run_scoped3A : memref<!tpu.dma_semaphore, #tpu.memory_space<semaphore_mem>>)
        %dma_wait3A = arith.constant 0 : i32
        %dma_wait3A_46 = arith.constant 0 : i32
        %dma_wait3A_47 = tpu.memref_slice %arg7[%arg0, %dma_wait3A, %dma_wait3A_46] : memref<2x10000x128xf32, #tpu.memory_space<hbm>> -> memref<1x10000x128xf32, #tpu.memory_space<hbm>>
        %dma_wait3A_48 = tpu.memref_squeeze %dma_wait3A_47 : memref<1x10000x128xf32, #tpu.memory_space<hbm>> -> memref<10000x128xf32, #tpu.memory_space<hbm>>
        %dma_wait3A_49 = arith.constant 9984 : i32
        %dma_wait3A_50 = arith.constant 0 : i32
        %dma_wait3A_51 = tpu.memref_slice %dma_wait3A_48[%dma_wait3A_49, %dma_wait3A_50] : memref<10000x128xf32, #tpu.memory_space<hbm>> -> memref<16x128xf32, #tpu.memory_space<hbm>>
        %dma_wait3A_52 = arith.constant 9984 : i32
        %dma_wait3A_53 = arith.constant 0 : i32
        %dma_wait3A_54 = tpu.memref_slice %arg11[%dma_wait3A_52, %dma_wait3A_53] : memref<10008x128xf32, #tpu.memory_space<vmem_shared>> -> memref<16x128xf32, #tpu.memory_space<vmem_shared>>
        tpu.wait_dma2 semaphore(%run_scoped3A : memref<!tpu.dma_semaphore, #tpu.memory_space<semaphore_mem>>) src(%dma_wait3A_54 : memref<16x128xf32, #tpu.memory_space<vmem_shared>>) dst(%dma_wait3A_51 : memref<16x128xf32, #tpu.memory_space<hbm>>)
        tpu.yield
      }) : () -> ()
    } else {
    }
    return
  }
}

module attributes {stable_mosaic.version = 14 : i64} {
  func.func @_tc_dis_body(%arg0: i32, %arg1: memref<1x2x128xf32, #tpu.memory_space<vmem>>, %arg2: memref<128x128xf32, #tpu.memory_space<vmem>>) attributes {dimension_semantics = [#tpu.dimension_semantics<arbitrary>], iteration_bounds = array<i64: 128>, scalar_prefetch = 0 : i64, scratch_operands = 0 : i64, tpu.core_type = #tpu.core_type<tc>, window_params = [{transform_indices = @transform_0, window_bounds = array<i64: 1, 2, 128>}, {transform_indices = @transform_1, window_bounds = array<i64: 128, 128>}]} {
    %get3A = arith.constant 0 : index
    %get3A_0 = arith.constant 0 : index
    %get3A_1 = arith.constant 0 : index
    %get3A_2 = vector.load %arg1[%get3A, %get3A_0, %get3A_1] : memref<1x2x128xf32, #tpu.memory_space<vmem>>, vector<1x2x128xf32>
    %get3A_3 = vector.shape_cast %get3A_2 : vector<1x2x128xf32> to vector<2x128xf32>
    %slice3A = vector.extract_strided_slice %get3A_3 {offsets = [0, 0], sizes = [1, 128], strides = [1, 1]} : vector<2x128xf32> to vector<1x128xf32>
    %slice3A_4 = vector.extract_strided_slice %get3A_3 {offsets = [1, 0], sizes = [1, 128], strides = [1, 1]} : vector<2x128xf32> to vector<1x128xf32>
    %add3A = arith.addf %slice3A, %slice3A_4 : vector<1x128xf32>
    %sub3A = arith.constant 1.000000e+00 : f32
    %sub3A_5 = vector.broadcast %sub3A : f32 to vector<1x128xf32>
    %sub3A_6 = arith.subf %add3A, %sub3A_5 : vector<1x128xf32>
    %max3A = arith.constant 9.99999996E-13 : f32
    %max3A_7 = vector.broadcast %max3A : f32 to vector<1x128xf32>
    %max3A_8 = arith.maximumf %sub3A_6, %max3A_7 : vector<1x128xf32>
    %rsqrt3A = math.rsqrt %max3A_8 : vector<1x128xf32>
    %broadcast_in_dim3A = vector.shape_cast %rsqrt3A : vector<1x128xf32> to vector<1x128xf32>
    %broadcast_in_dim3A_9 = vector.broadcast %broadcast_in_dim3A : vector<1x128xf32> to vector<128x128xf32>
    %iota3A = tpu.iota {dimensions = array<i32: 0>} : vector<128x128xi32>
    %iota3A_10 = tpu.iota {dimensions = array<i32: 1>} : vector<128x128xi32>
    %eq3A = arith.cmpi eq, %iota3A, %iota3A_10 : vector<128x128xi32>
    %jit3A = arith.constant 0.000000e+00 : f32
    %broadcast_in_dim3A_11 = vector.broadcast %jit3A : f32 to vector<128x128xf32>
    %select_n3A = arith.select %eq3A, %broadcast_in_dim3A_9, %broadcast_in_dim3A_11 : vector<128x128xi1>, vector<128x128xf32>
    %broadcast_in_dim3A_12 = arith.constant 1.000000e+00 : f32
    %broadcast_in_dim3A_13 = vector.broadcast %broadcast_in_dim3A_12 : f32 to vector<128x128xf32>
    %dot_general3A = arith.constant dense<0.000000e+00> : vector<128x128xf32>
    %dot_general3A_14 = tpu.matmul %select_n3A, %broadcast_in_dim3A_13, %dot_general3A {dimension_numbers = #tpu.dot_dimension_numbers<[1], [0], [0], [1], [0, 0, 1, 1], [], []>, precision = #tpu.contract_precision<fp32>, transpose_lhs_hint = false} : vector<128x128xf32>, vector<128x128xf32>, vector<128x128xf32> -> vector<128x128xf32>
    %swap3A = arith.constant 0 : index
    %swap3A_15 = arith.constant 0 : index
    %swap3A_16 = vector.load %arg2[%swap3A, %swap3A_15] : memref<128x128xf32, #tpu.memory_space<vmem>>, vector<128x128xf32>
    tpu.vector_store %arg2[%swap3A, %swap3A_15], %dot_general3A_14 {strides = array<i32>} : memref<128x128xf32, #tpu.memory_space<vmem>>, vector<128x128xf32>,
    return
  }
  func.func @transform_0(%arg0: i32) -> (i32, i32, i32) {
    %c0_i32 = arith.constant 0 : i32
    %c0_i32_0 = arith.constant 0 : i32
    %c0_i32_1 = arith.constant 0 : i32
    return %arg0, %c0_i32, %c0_i32_0 : i32, i32, i32
  }
  func.func @transform_1(%arg0: i32) -> (i32, i32) {
    %c0_i32 = arith.constant 0 : i32
    %c0_i32_0 = arith.constant 0 : i32
    return %arg0, %c0_i32 : i32, i32
  }
}

module attributes {stable_mosaic.version = 14 : i64} {
  func.func @_tc_in_body(%arg0: memref<10000x128xf32, #tpu.memory_space<vmem>>, %arg1: memref<128x128xf32, #tpu.memory_space<vmem>>, %arg2: memref<10000x128xf32, #tpu.memory_space<vmem>>, %arg3: memref<10000x128xf32, #tpu.memory_space<vmem>>) attributes {dimension_semantics = [], scalar_prefetch = 0 : i64, scratch_operands = 0 : i64, tpu.core_type = #tpu.core_type<tc>} {
    %get3A = arith.constant 0 : index
    %get3A_0 = arith.constant 0 : index
    %get3A_1 = vector.load %arg2[%get3A, %get3A_0] : memref<10000x128xf32, #tpu.memory_space<vmem>>, vector<10000x128xf32>
    %get3A_2 = arith.constant 0 : index
    %get3A_3 = arith.constant 0 : index
    %get3A_4 = vector.load %arg0[%get3A_2, %get3A_3] : memref<10000x128xf32, #tpu.memory_space<vmem>>, vector<10000x128xf32>
    %get3A_5 = arith.constant 0 : index
    %get3A_6 = arith.constant 0 : index
    %get3A_7 = vector.load %arg1[%get3A_5, %get3A_6] : memref<128x128xf32, #tpu.memory_space<vmem>>, vector<128x128xf32>
    %dot_general3A = arith.constant dense<0.000000e+00> : vector<10000x128xf32>
    %dot_general3A_8 = tpu.matmul %get3A_4, %get3A_7, %dot_general3A {dimension_numbers = #tpu.dot_dimension_numbers<[1], [0], [0], [1], [0, 0, 1, 1], [], []>, precision = #tpu.contract_precision<fp32>, transpose_lhs_hint = false} : vector<10000x128xf32>, vector<128x128xf32>, vector<10000x128xf32> -> vector<10000x128xf32>
    %mul3A = arith.mulf %get3A_1, %dot_general3A_8 : vector<10000x128xf32>
    %swap3A = arith.constant 0 : index
    %swap3A_9 = arith.constant 0 : index
    %swap3A_10 = vector.load %arg3[%swap3A, %swap3A_9] : memref<10000x128xf32, #tpu.memory_space<vmem>>, vector<10000x128xf32>
    tpu.vector_store %arg3[%swap3A, %swap3A_9], %mul3A {strides = array<i32>} : memref<10000x128xf32, #tpu.memory_space<vmem>>, vector<10000x128xf32>,
    return
  }
}

module attributes {stable_mosaic.version = 14 : i64} {
  func.func @_tc_mid_body(%arg0: memref<2x10000x128xf32, #tpu.memory_space<vmem>>, %arg1: memref<10000x128xf32, #tpu.memory_space<vmem>>, %arg2: memref<10000x128xf32, #tpu.memory_space<vmem>>, %arg3: memref<1x128xf32, #tpu.memory_space<vmem>>, %arg4: memref<1x128xf32, #tpu.memory_space<vmem>>, %arg5: memref<1x128xf32, #tpu.memory_space<vmem>>, %arg6: memref<128x128xf32, #tpu.memory_space<vmem>>, %arg7: memref<10000x128xf32, #tpu.memory_space<vmem>>) attributes {dimension_semantics = [], scalar_prefetch = 0 : i64, scratch_operands = 0 : i64, tpu.core_type = #tpu.core_type<tc>} {
    %get3A = arith.constant 0 : index
    %get3A_0 = arith.constant 0 : index
    %get3A_1 = vector.load %arg2[%get3A, %get3A_0] : memref<10000x128xf32, #tpu.memory_space<vmem>>, vector<10000x128xf32>
    %get3A_2 = arith.constant 0 : index
    %get3A_3 = arith.constant 0 : index
    %get3A_4 = arith.constant 0 : index
    %get3A_5 = vector.load %arg0[%get3A_2, %get3A_3, %get3A_4] : memref<2x10000x128xf32, #tpu.memory_space<vmem>>, vector<1x10000x128xf32>
    %get3A_6 = vector.shape_cast %get3A_5 : vector<1x10000x128xf32> to vector<10000x128xf32>
    %get3A_7 = arith.constant 1 : index
    %get3A_8 = arith.constant 0 : index
    %get3A_9 = arith.constant 0 : index
    %get3A_10 = vector.load %arg0[%get3A_7, %get3A_8, %get3A_9] : memref<2x10000x128xf32, #tpu.memory_space<vmem>>, vector<1x10000x128xf32>
    %get3A_11 = vector.shape_cast %get3A_10 : vector<1x10000x128xf32> to vector<10000x128xf32>
    %add3A = arith.addf %get3A_6, %get3A_11 : vector<10000x128xf32>
    %get3A_12 = arith.constant 0 : index
    %get3A_13 = arith.constant 0 : index
    %get3A_14 = vector.load %arg1[%get3A_12, %get3A_13] : memref<10000x128xf32, #tpu.memory_space<vmem>>, vector<10000x128xf32>
    %sub3A = arith.subf %add3A, %get3A_14 : vector<10000x128xf32>
    %mul3A = arith.mulf %get3A_1, %sub3A : vector<10000x128xf32>
    %get3A_15 = arith.constant 0 : index
    %get3A_16 = arith.constant 0 : index
    %get3A_17 = vector.load %arg3[%get3A_15, %get3A_16] : memref<1x128xf32, #tpu.memory_space<vmem>>, vector<1x128xf32>
    %add3A_18 = vector.broadcast %get3A_17 : vector<1x128xf32> to vector<10000x128xf32>
    %add3A_19 = arith.addf %mul3A, %add3A_18 : vector<10000x128xf32>
    %reduce_sum3A = arith.constant dense<0.000000e+00> : vector<128xf32>
    %reduce_sum3A_20 = vector.multi_reduction <add>, %add3A_19, %reduce_sum3A [0] : vector<10000x128xf32> to vector<128xf32>
    %broadcast_in_dim3A = vector.shape_cast %reduce_sum3A_20 : vector<128xf32> to vector<1x128xf32>
    %div3A = arith.constant 1.000000e+04 : f32
    %div3A_21 = vector.broadcast %div3A : f32 to vector<1x128xf32>
    %div3A_22 = arith.divf %broadcast_in_dim3A, %div3A_21 : vector<1x128xf32>
    %sub3A_23 = vector.broadcast %div3A_22 : vector<1x128xf32> to vector<10000x128xf32>
    %sub3A_24 = arith.subf %add3A_19, %sub3A_23 : vector<10000x128xf32>
    %integer_pow3A = arith.mulf %sub3A_24, %sub3A_24 : vector<10000x128xf32>
    %reduce_sum3A_25 = arith.constant dense<0.000000e+00> : vector<128xf32>
    %reduce_sum3A_26 = vector.multi_reduction <add>, %integer_pow3A, %reduce_sum3A_25 [0] : vector<10000x128xf32> to vector<128xf32>
    %broadcast_in_dim3A_27 = vector.shape_cast %reduce_sum3A_26 : vector<128xf32> to vector<1x128xf32>
    %div3A_28 = arith.constant 1.000000e+04 : f32
    %div3A_29 = vector.broadcast %div3A_28 : f32 to vector<1x128xf32>
    %div3A_30 = arith.divf %broadcast_in_dim3A_27, %div3A_29 : vector<1x128xf32>
    %sub3A_31 = vector.broadcast %div3A_22 : vector<1x128xf32> to vector<10000x128xf32>
    %sub3A_32 = arith.subf %add3A_19, %sub3A_31 : vector<10000x128xf32>
    %add3A_33 = arith.constant 9.99999974E-6 : f32
    %add3A_34 = vector.broadcast %add3A_33 : f32 to vector<1x128xf32>
    %add3A_35 = arith.addf %div3A_30, %add3A_34 : vector<1x128xf32>
    %rsqrt3A = math.rsqrt %add3A_35 : vector<1x128xf32>
    %mul3A_36 = vector.broadcast %rsqrt3A : vector<1x128xf32> to vector<10000x128xf32>
    %mul3A_37 = arith.mulf %sub3A_32, %mul3A_36 : vector<10000x128xf32>
    %get3A_38 = arith.constant 0 : index
    %get3A_39 = arith.constant 0 : index
    %get3A_40 = vector.load %arg4[%get3A_38, %get3A_39] : memref<1x128xf32, #tpu.memory_space<vmem>>, vector<1x128xf32>
    %mul3A_41 = vector.broadcast %get3A_40 : vector<1x128xf32> to vector<10000x128xf32>
    %mul3A_42 = arith.mulf %mul3A_37, %mul3A_41 : vector<10000x128xf32>
    %get3A_43 = arith.constant 0 : index
    %get3A_44 = arith.constant 0 : index
    %get3A_45 = vector.load %arg5[%get3A_43, %get3A_44] : memref<1x128xf32, #tpu.memory_space<vmem>>, vector<1x128xf32>
    %add3A_46 = vector.broadcast %get3A_45 : vector<1x128xf32> to vector<10000x128xf32>
    %add3A_47 = arith.addf %mul3A_42, %add3A_46 : vector<10000x128xf32>
    %max3A = arith.constant 0.000000e+00 : f32
    %max3A_48 = vector.broadcast %max3A : f32 to vector<10000x128xf32>
    %max3A_49 = arith.maximumf %add3A_47, %max3A_48 : vector<10000x128xf32>
    %get3A_50 = arith.constant 0 : index
    %get3A_51 = arith.constant 0 : index
    %get3A_52 = vector.load %arg6[%get3A_50, %get3A_51] : memref<128x128xf32, #tpu.memory_space<vmem>>, vector<128x128xf32>
    %dot_general3A = arith.constant dense<0.000000e+00> : vector<10000x128xf32>
    %dot_general3A_53 = tpu.matmul %max3A_49, %get3A_52, %dot_general3A {dimension_numbers = #tpu.dot_dimension_numbers<[1], [0], [0], [1], [0, 0, 1, 1], [], []>, precision = #tpu.contract_precision<fp32>, transpose_lhs_hint = false} : vector<10000x128xf32>, vector<128x128xf32>, vector<10000x128xf32> -> vector<10000x128xf32>
    %mul3A_54 = arith.mulf %get3A_1, %dot_general3A_53 : vector<10000x128xf32>
    %swap3A = arith.constant 0 : index
    %swap3A_55 = arith.constant 0 : index
    %swap3A_56 = vector.load %arg7[%swap3A, %swap3A_55] : memref<10000x128xf32, #tpu.memory_space<vmem>>, vector<10000x128xf32>
    tpu.vector_store %arg7[%swap3A, %swap3A_55], %mul3A_54 {strides = array<i32>} : memref<10000x128xf32, #tpu.memory_space<vmem>>, vector<10000x128xf32>,
    return
  }
}

module attributes {stable_mosaic.version = 14 : i64} {
  func.func @_tc_fin_body(%arg0: memref<2x10000x128xf32, #tpu.memory_space<vmem>>, %arg1: memref<10000x128xf32, #tpu.memory_space<vmem>>, %arg2: memref<10000x128xf32, #tpu.memory_space<vmem>>, %arg3: memref<1x128xf32, #tpu.memory_space<vmem>>, %arg4: memref<1x128xf32, #tpu.memory_space<vmem>>, %arg5: memref<1x128xf32, #tpu.memory_space<vmem>>, %arg6: memref<128x128xf32, #tpu.memory_space<vmem>>, %arg7: memref<1x128xf32, #tpu.memory_space<vmem>>, %arg8: memref<128x128xf32, #tpu.memory_space<vmem>>, %arg9: memref<1x128xf32, #tpu.memory_space<vmem>>, %arg10: memref<10000x128xf32, #tpu.memory_space<vmem>>) attributes {dimension_semantics = [], scalar_prefetch = 0 : i64, scratch_operands = 0 : i64, tpu.core_type = #tpu.core_type<tc>} {
    %get3A = arith.constant 0 : index
    %get3A_0 = arith.constant 0 : index
    %get3A_1 = vector.load %arg2[%get3A, %get3A_0] : memref<10000x128xf32, #tpu.memory_space<vmem>>, vector<10000x128xf32>
    %get3A_2 = arith.constant 0 : index
    %get3A_3 = arith.constant 0 : index
    %get3A_4 = arith.constant 0 : index
    %get3A_5 = vector.load %arg0[%get3A_2, %get3A_3, %get3A_4] : memref<2x10000x128xf32, #tpu.memory_space<vmem>>, vector<1x10000x128xf32>
    %get3A_6 = vector.shape_cast %get3A_5 : vector<1x10000x128xf32> to vector<10000x128xf32>
    %get3A_7 = arith.constant 1 : index
    %get3A_8 = arith.constant 0 : index
    %get3A_9 = arith.constant 0 : index
    %get3A_10 = vector.load %arg0[%get3A_7, %get3A_8, %get3A_9] : memref<2x10000x128xf32, #tpu.memory_space<vmem>>, vector<1x10000x128xf32>
    %get3A_11 = vector.shape_cast %get3A_10 : vector<1x10000x128xf32> to vector<10000x128xf32>
    %add3A = arith.addf %get3A_6, %get3A_11 : vector<10000x128xf32>
    %get3A_12 = arith.constant 0 : index
    %get3A_13 = arith.constant 0 : index
    %get3A_14 = vector.load %arg1[%get3A_12, %get3A_13] : memref<10000x128xf32, #tpu.memory_space<vmem>>, vector<10000x128xf32>
    %sub3A = arith.subf %add3A, %get3A_14 : vector<10000x128xf32>
    %mul3A = arith.mulf %get3A_1, %sub3A : vector<10000x128xf32>
    %get3A_15 = arith.constant 0 : index
    %get3A_16 = arith.constant 0 : index
    %get3A_17 = vector.load %arg3[%get3A_15, %get3A_16] : memref<1x128xf32, #tpu.memory_space<vmem>>, vector<1x128xf32>
    %add3A_18 = vector.broadcast %get3A_17 : vector<1x128xf32> to vector<10000x128xf32>
    %add3A_19 = arith.addf %mul3A, %add3A_18 : vector<10000x128xf32>
    %reduce_sum3A = arith.constant dense<0.000000e+00> : vector<128xf32>
    %reduce_sum3A_20 = vector.multi_reduction <add>, %add3A_19, %reduce_sum3A [0] : vector<10000x128xf32> to vector<128xf32>
    %broadcast_in_dim3A = vector.shape_cast %reduce_sum3A_20 : vector<128xf32> to vector<1x128xf32>
    %div3A = arith.constant 1.000000e+04 : f32
    %div3A_21 = vector.broadcast %div3A : f32 to vector<1x128xf32>
    %div3A_22 = arith.divf %broadcast_in_dim3A, %div3A_21 : vector<1x128xf32>
    %sub3A_23 = vector.broadcast %div3A_22 : vector<1x128xf32> to vector<10000x128xf32>
    %sub3A_24 = arith.subf %add3A_19, %sub3A_23 : vector<10000x128xf32>
    %integer_pow3A = arith.mulf %sub3A_24, %sub3A_24 : vector<10000x128xf32>
    %reduce_sum3A_25 = arith.constant dense<0.000000e+00> : vector<128xf32>
    %reduce_sum3A_26 = vector.multi_reduction <add>, %integer_pow3A, %reduce_sum3A_25 [0] : vector<10000x128xf32> to vector<128xf32>
    %broadcast_in_dim3A_27 = vector.shape_cast %reduce_sum3A_26 : vector<128xf32> to vector<1x128xf32>
    %div3A_28 = arith.constant 1.000000e+04 : f32
    %div3A_29 = vector.broadcast %div3A_28 : f32 to vector<1x128xf32>
    %div3A_30 = arith.divf %broadcast_in_dim3A_27, %div3A_29 : vector<1x128xf32>
    %sub3A_31 = vector.broadcast %div3A_22 : vector<1x128xf32> to vector<10000x128xf32>
    %sub3A_32 = arith.subf %add3A_19, %sub3A_31 : vector<10000x128xf32>
    %add3A_33 = arith.constant 9.99999974E-6 : f32
    %add3A_34 = vector.broadcast %add3A_33 : f32 to vector<1x128xf32>
    %add3A_35 = arith.addf %div3A_30, %add3A_34 : vector<1x128xf32>
    %rsqrt3A = math.rsqrt %add3A_35 : vector<1x128xf32>
    %mul3A_36 = vector.broadcast %rsqrt3A : vector<1x128xf32> to vector<10000x128xf32>
    %mul3A_37 = arith.mulf %sub3A_32, %mul3A_36 : vector<10000x128xf32>
    %get3A_38 = arith.constant 0 : index
    %get3A_39 = arith.constant 0 : index
    %get3A_40 = vector.load %arg4[%get3A_38, %get3A_39] : memref<1x128xf32, #tpu.memory_space<vmem>>, vector<1x128xf32>
    %mul3A_41 = vector.broadcast %get3A_40 : vector<1x128xf32> to vector<10000x128xf32>
    %mul3A_42 = arith.mulf %mul3A_37, %mul3A_41 : vector<10000x128xf32>
    %get3A_43 = arith.constant 0 : index
    %get3A_44 = arith.constant 0 : index
    %get3A_45 = vector.load %arg5[%get3A_43, %get3A_44] : memref<1x128xf32, #tpu.memory_space<vmem>>, vector<1x128xf32>
    %add3A_46 = vector.broadcast %get3A_45 : vector<1x128xf32> to vector<10000x128xf32>
    %add3A_47 = arith.addf %mul3A_42, %add3A_46 : vector<10000x128xf32>
    %max3A = arith.constant 0.000000e+00 : f32
    %max3A_48 = vector.broadcast %max3A : f32 to vector<10000x128xf32>
    %max3A_49 = arith.maximumf %add3A_47, %max3A_48 : vector<10000x128xf32>
    %get3A_50 = arith.constant 0 : index
    %get3A_51 = arith.constant 0 : index
    %get3A_52 = vector.load %arg6[%get3A_50, %get3A_51] : memref<128x128xf32, #tpu.memory_space<vmem>>, vector<128x128xf32>
    %dot_general3A = arith.constant dense<0.000000e+00> : vector<10000x128xf32>
    %dot_general3A_53 = tpu.matmul %max3A_49, %get3A_52, %dot_general3A {dimension_numbers = #tpu.dot_dimension_numbers<[1], [0], [0], [1], [0, 0, 1, 1], [], []>, precision = #tpu.contract_precision<fp32>, transpose_lhs_hint = false} : vector<10000x128xf32>, vector<128x128xf32>, vector<10000x128xf32> -> vector<10000x128xf32>
    %get3A_54 = arith.constant 0 : index
    %get3A_55 = arith.constant 0 : index
    %get3A_56 = vector.load %arg7[%get3A_54, %get3A_55] : memref<1x128xf32, #tpu.memory_space<vmem>>, vector<1x128xf32>
    %add3A_57 = vector.broadcast %get3A_56 : vector<1x128xf32> to vector<10000x128xf32>
    %add3A_58 = arith.addf %dot_general3A_53, %add3A_57 : vector<10000x128xf32>
    %max3A_59 = arith.constant 0.000000e+00 : f32
    %max3A_60 = vector.broadcast %max3A_59 : f32 to vector<10000x128xf32>
    %max3A_61 = arith.maximumf %add3A_58, %max3A_60 : vector<10000x128xf32>
    %get3A_62 = arith.constant 0 : index
    %get3A_63 = arith.constant 0 : index
    %get3A_64 = vector.load %arg8[%get3A_62, %get3A_63] : memref<128x128xf32, #tpu.memory_space<vmem>>, vector<128x128xf32>
    %dot_general3A_65 = arith.constant dense<0.000000e+00> : vector<10000x128xf32>
    %dot_general3A_66 = tpu.matmul %max3A_61, %get3A_64, %dot_general3A_65 {dimension_numbers = #tpu.dot_dimension_numbers<[1], [0], [0], [1], [0, 0, 1, 1], [], []>, precision = #tpu.contract_precision<fp32>, transpose_lhs_hint = false} : vector<10000x128xf32>, vector<128x128xf32>, vector<10000x128xf32> -> vector<10000x128xf32>
    %get3A_67 = arith.constant 0 : index
    %get3A_68 = arith.constant 0 : index
    %get3A_69 = vector.load %arg9[%get3A_67, %get3A_68] : memref<1x128xf32, #tpu.memory_space<vmem>>, vector<1x128xf32>
    %add3A_70 = vector.broadcast %get3A_69 : vector<1x128xf32> to vector<10000x128xf32>
    %add3A_71 = arith.addf %dot_general3A_66, %add3A_70 : vector<10000x128xf32>
    %swap3A = arith.constant 0 : index
    %swap3A_72 = arith.constant 0 : index
    %swap3A_73 = vector.load %arg10[%swap3A, %swap3A_72] : memref<10000x128xf32, #tpu.memory_space<vmem>>, vector<10000x128xf32>
    tpu.vector_store %arg10[%swap3A, %swap3A_72], %add3A_71 {strides = array<i32>} : memref<10000x128xf32, #tpu.memory_space<vmem>>, vector<10000x128xf32>,
    return
  }
}

</mosaic_0001>

<sc_bundles>
// kernel: kernel.11.cloned.1.call-start
scs
__scs_entry_jumppad:
0x0: {  	(pc) =	sbr.rel $0x88, $3  }
0x1: {  	(tag) =	ssettag $0x0;
	lr =	simm.s32 $0x1  }
0x2: {  	[smem:$0x3F8F] =	sst lr;
	_ =	strace $0xD0000000  }
0x3: {  	_ = 	snop  }
0x4: {  	_ = 	snop  }
0x5: {  	_ = 	snop  }
0x6: {  	_ = 	snop  }
0x7: {  	_ = 	snop  }
__scs_overlays_trampoline_lowered:
0x8: {  	[smem:$0x3F9E] =	sst s0  }
0x9: {  	[smem:$0x3F9F] =	sst s1  }
0xa: {  	[smem:$0x3FA0] =	sst s2  }
0xb: {  	[smem:$0x3FA1] =	sst s3  }
0xc: {  	[smem:$0x3FA2] =	sst s4  }
0xd: {  	[smem:$0x3FA3] =	sst s5  }
0xe: {  	[smem:$0x3FA4] =	sst s6  }
0xf: {  	[smem:$0x3FA5] =	sst s7  }
0x10: {  	[smem:$0x3FA6] =	sst s8  }
0x11: {  	[smem:$0x3FA7] =	sst s9;
	s0 =	simm.s32 @!p0 $0x0  }
0x12: {  	s1 =	sld [smem:$0x3F8D];
	s0 =	simm.s32 @p0 $0x1  }
0x13: {  	[smem:$0x3FA8] =	sst s0;
	s0 =	simm.s32 @!p1 $0x0  }
0x14: {  	s2 =	sld [smem:$0x3F8C];
	s0 =	simm.s32 @p1 $0x1  }
0x15: {  	[smem:$0x3FA9] =	sst s0;
	s0 =	simm.s32 @!p2 $0x0  }
0x16: {  	s3 =	sld [smem:$0x3FDB];
	s0 =	simm.s32 @p2 $0x1  }
0x17: {  	s4 =	simm.s32 $0x1BF5;
	[smem:$0x3FAB] =	sst s0  }
0x18: {  	s0 =	sld [smem:$0x3F8E];
	_ =	swait.ge [sflag:s4], $0x0  }
0x19: {  	s7 =	sld [smem:$0x3F8F]  }
0x1a: {  	s8 =	sadd.s32 $0xFFFFE003, lr  }
0x1b: {  	s9 =	sadd.s32 $0xFFFFFEF7, lr;
	s5 =	simm.s32 $0xFFFFFFFF;
	p2 =	slt.u32 s8, $0xFFFFF086  }
0x1c: {  	p1 =	slt.u32 s9, $0xF7A;
	s5 =	simm.s32 @!p2 $0x0  }
0x1d: {  	s5 =	simm.s32 @p1 $0x1;
	p0 =	seq.s32 s7, s2  }
0x1e: {  	s7 =	smul.u32 @!p0 $0xF7A, s2;
	p2 =	seq.s32 @!p0 s5, $0x0  }
0x1f: {  	s9 =	smul.u32 $0xF7A, s1;
	s8 =	simm.s32 @!p0 $0x1BF5;
	p2 =	por !p2, p0  }
0x20: {  	[sflag:s8] =	ssyncset.s32 @!p0 $0xFFFFF086;
	s6 =	sadd.s32 @!p0 s3, s7;
	s7 =	simm.s32 @!p0 $0x108  }
0x21: {  	s3 =	sadd.s32 s3, s9;
	s6 =	sadd.s32 @!p0 $0x88, s6;
	s7 =	simm.s32 @p2 $0x1082  }
0x22: {  	[simem:s7], [sflag:s8] =	dma.local @!p0 [hbm:s6], $0xF7A  }
0x23: {  	s9 =	sor.u32 $0xD0000000, s2;
	s6 =	simm.s32 $0x108;
	_ =	swait.ge @!p0 [sflag:s8], $0x0  }
0x24: {  	s3 =	sadd.s32 $0x88, s3;
	s6 =	simm.s32 @!p1 $0x1082;
	[sflag:s4] =	ssyncset.s32 $0xFFFFF086  }
0x25: {  	[simem:s6], [sflag:s4] =	dma.local [hbm:s3], $0xF7A  }
0x26: {  	[smem:$0x3F8F] =	sst s1;
	(tag) =	ssettag s2;
	_ =	strace s9  }
0x27: {  	s1 =	sld [smem:$0x3F9F]  }
0x28: {  	s2 =	sld [smem:$0x3FA0]  }
0x29: {  	s4 =	sld [smem:$0x3FA2]  }
0x2a: {  	p0 =	seq.s32 s5, $0x0;
	s5 =	sld [smem:$0x3FA3]  }
0x2b: {  	s6 =	sld [smem:$0x3FA4]  }
0x2c: {  	s7 =	sld [smem:$0x3FA5]  }
0x2d: {  	s3 =	simm.s32 $0x108;
	s8 =	sld [smem:$0x3FA6]  }
0x2e: {  	s3 =	simm.s32 @!p0 $0x1082;
	s9 =	sld [smem:$0x3FA7]  }
0x2f: {  	lr =	sadd.s32 s0, s3;
	s0 =	sld [smem:$0x3F9E]  }
0x30: {  	s3 =	sld [smem:$0x3FA1]  }
0x31: {  	[smem:$0x3FAA] =	sst s10  }
0x32: {  	s10 =	sld [smem:$0x3FA8];
	_ =	sdelay $0x3  }
0x33: {  	p0 =	seq.s32 s10, $0x1;
	s10 =	sld [smem:$0x3FAA];
	_ =	sdelay $0x3  }
0x34: {  	[smem:$0x3FAA] =	sst s10  }
0x35: {  	s10 =	sld [smem:$0x3FA9];
	_ =	sdelay $0x3  }
0x36: {  	p1 =	seq.s32 s10, $0x1;
	s10 =	sld [smem:$0x3FAA];
	_ =	sdelay $0x3  }
0x37: {  	[smem:$0x3FAA] =	sst s10  }
0x38: {  	s10 =	sld [smem:$0x3FAB]  }
0x39: {  	_ = 	snop;
	(pc) =	sbr.ind lr, $3  }
0x3a: {  	_ = 	snop  }
0x3b: {  	_ = 	snop  }
0x3c: {  	p2 =	seq.s32 s10, $0x1;
	s10 =	sld [smem:$0x3FAA]  }
0x3d: {  	_ =	shalt  }
0x3e: {  	_ =	shalt  }
0x3f: {  	_ =	shalt  }
0x40: {  	_ =	shalt  }
0x41: {  	_ =	shalt  }
0x42: {  	_ =	shalt  }
0x43: {  	_ =	shalt  }
0x44: {  	_ =	shalt  }
0x45: {  	_ =	shalt  }
0x46: {  	_ =	shalt  }
0x47: {  	_ =	shalt  }
0x48: {  	_ =	shalt  }
0x49: {  	_ =	shalt  }
0x4a: {  	_ =	shalt  }
0x4b: {  	_ =	shalt  }
0x4c: {  	_ =	shalt  }
0x4d: {  	_ =	shalt  }
0x4e: {  	_ =	shalt  }
0x4f: {  	_ =	shalt  }
0x50: {  	_ =	shalt  }
0x51: {  	_ =	shalt  }
0x52: {  	_ =	shalt  }
0x53: {  	_ =	shalt  }
0x54: {  	_ =	shalt  }
0x55: {  	_ =	shalt  }
0x56: {  	_ =	shalt  }
0x57: {  	_ =	shalt  }
0x58: {  	_ =	shalt  }
0x59: {  	_ =	shalt  }
0x5a: {  	_ =	shalt  }
0x5b: {  	_ =	shalt  }
0x5c: {  	_ =	shalt  }
0x5d: {  	_ =	shalt  }
0x5e: {  	_ =	shalt  }
0x5f: {  	_ =	shalt  }
0x60: {  	_ =	shalt  }
0x61: {  	_ =	shalt  }
0x62: {  	_ =	shalt  }
0x63: {  	_ =	shalt  }
0x64: {  	_ =	shalt  }
0x65: {  	_ =	shalt  }
0x66: {  	_ =	shalt  }
0x67: {  	_ =	shalt  }
0x68: {  	_ =	shalt  }
0x69: {  	_ =	shalt  }
0x6a: {  	_ =	shalt  }
0x6b: {  	_ =	shalt  }
0x6c: {  	_ =	shalt  }
0x6d: {  	_ =	shalt  }
0x6e: {  	_ =	shalt  }
0x6f: {  	_ =	shalt  }
0x70: {  	_ =	shalt  }
0x71: {  	_ =	shalt  }
0x72: {  	_ =	shalt  }
0x73: {  	_ =	shalt  }
0x74: {  	_ =	shalt  }
0x75: {  	_ =	shalt  }
0x76: {  	_ =	shalt  }
0x77: {  	_ =	shalt  }
0x78: {  	_ =	shalt  }
0x79: {  	_ =	shalt  }
0x7a: {  	_ =	shalt  }
0x7b: {  	_ =	shalt  }
0x7c: {  	_ =	shalt  }
0x7d: {  	_ =	shalt  }
0x7e: {  	_ =	shalt  }
0x7f: {  	_ =	shalt  }
0x80: {  	_ =	shalt  }
0x81: {  	_ =	shalt  }
0x82: {  	_ =	shalt  }
0x83: {  	_ =	shalt  }
0x84: {  	_ =	shalt  }
0x85: {  	_ =	shalt  }
0x86: {  	_ =	shalt  }
0x87: {  	_ =	shalt  }
.Lfunc_end0:
.L_simem_size_0:
called_computation_lowered:
.L_overlay_start_0:
0x88: {  	s2 =	sld [smem:$0x3FD9]  }
0x89: {  	s3 =	sld [smem:$0x3FFE];
	_ =	sdelay $0x1  }
0x8a: {  	s1 =	srdreg.scid  }
0x8b: {  	s0 =	sand.u32 $0x1, s1  }
0x8c: {  	s17 =	sshll.u32 s0, $0xA;
	s2 =	sadd.s32 s3, s2  }
0x8d: {  	s2 =	sadd.s32 s2, s17  }
0x8e: {  	[smem:$0x3FB6] =	sst s2  }
0x8f: {  	_ = 	snop  }
0x90: {  	s2 =	sld [smem:$0x3FD0];
	(tm) =	ssettm $0x1  }
0x91: {  	s18 =	sld [smem:$0x3FFB];
	_ =	sdelay $0x3  }
0x92: {  	_ =	strace s18  }
0x93: {  	s3 =	sld [smem:$0x3FFC];
	_ =	sdelay $0x3  }
0x94: {  	_ =	strace s3  }
0x95: {  	s3 =	sld [smem:$0x3FFD];
	_ =	sdelay $0x3  }
0x96: {  	_ =	strace s3  }
0x97: {  	_ =	strace $0x8FFFFFFF  }
0x98: {  	s19 =	sld [smem:$0x3FDB];
	_ =	sdelay $0x1  }
0x99: {  	s4 =	simm.s32 $_scs_section_size  }
0x9a: {  	s5 =	simm.s32 $_size__tile_overlayer_lowered;
	s6 =	simm.s32 $_tile_overlayer_lowered  }
0x9b: {  	s22 =	simm.s32 $0x1BFF;
	s21 =	sshll.u32 s6, $0x1;
	s3 =	sadd.s32 s4, s19  }
0x9c: {  	s7 =	simm.s32 $0x0;
	s20 =	sshll.u32 s5, $0x1;
	s5 =	sadd.s32 s21, s3  }
0x9d: {  	[timem:s7], [sflag:s22] =	dma.local [hbm:s5], s20  }
0x9e: {  	_ =	swait.ge [sflag:s22], s20  }
0x9f: {  	s4 =	ssub.s32 $0x0, s20;
	[sflag:s22] =	ssyncset.done $0x0  }
0xa0: {  	[sflag:s22] =	ssyncadd.s32 s4;
	_ =	sdelay $0x1  }
0xa1: {  	s23 =	simm.s32 $0x1B8B  }
0xa2: {  	_ =	swait.ge [sflag:s23], $0x1  }
0xa3: {  	[sflag:s23] =	ssyncset.done $0x0  }
0xa4: {  	s25 =	simm.s32 $0x1B8E;
	s24 =	sld [smem:$0x3FFE];
	[sflag:s23] =	ssyncadd.s32 $0xFFFFFFFF  }
0xa5: {  	s26 =	simm.s32 $execute0_lowered;
	[smem:$0x3FD2] =	sst s25  }
0xa6: {  	s5 =	sshll.u32 s26, $0x1;
	_ =	strace $0x80000046;
	[dreg:$0x1] =	wrdreg $0xFFFFFFFF  }
0xa7: {  	s28 =	simm.s32 $_size_execute0_lowered;
	s3 =	sadd.s32 s3, s5;
	[dreg:$0x0] =	wrdreg $0x0  }
0xa8: {  	s5 =	sshll.u32 s28, $0x1;
	[dreg:$0x2] =	wrdreg s3  }
0xa9: {  	[dreg:$0x3] =	wrdreg s5  }
0xaa: {  	[dreg:$0x4] =	wrdreg $0xC0  }
0xab: {  	_ =	task [dreg:s7], $0x5FFFF  }
0xac: {  	[dreg:$0x1] =	wrdreg $0xFFFFFFFF  }
0xad: {  	[dreg:$0x0] =	wrdreg $0x60  }
0xae: {  	[dreg:$0x2] =	wrdreg s2  }
0xaf: {  	[dreg:$0x3] =	wrdreg s24  }
0xb0: {  	[dreg:$0x4] =	wrdreg $0x30800  }
0xb1: {  	[dreg:$0x5] =	wrdreg $0x9  }
0xb2: {  	_ =	task.clear_ibuf [dreg:s7], $0x6FFFF;
	_ =	strace $0x90000046  }
0xb3: {  	s29 =	simm.s32 $0x9;
	_ =	strace $0x80000048  }
0xb4: {  	_ =	swait.ge [sflag:s29], $0x1  }
0xb5: {  	[sflag:s29] =	ssyncadd.s32 $0xFFFFFFFF  }
0xb6: {  	_ =	strace $0x90000048  }
0xb7: {  	_ =	sfence  }
0xb8: {  	s30 =	sld [smem:$0x0];
	_ =	sdelay $0x2  }
0xb9: {  	s31 =	sshll.u32 s1, $0xD;
	s1 =	sshrl.u32 s1, $0x2  }
0xba: {  	s3 =	sand.u32 $0x4000, s31;
	s1 =	sadd.s32 s1, s30  }
0xbb: {  	s0 =	sor.u32 s3, s0;
	s1 =	sshll.u32 s1, $0x11  }
0xbc: {  	s0 =	sor.u32 s1, s0  }
0xbd: {  	s0 =	sadd.s32 $0x8F2B, s0  }
0xbe: {  	[sflag:s0] =	ssyncadd.remote.s32 $0x1  }
0xbf: {  	_ =	sfence.sel $0xFFFF  }
0xc0: {  	[dreg:$0x0] =	wrdreg $0xFFFFFFFF;
	(pc) =	sbr.abs _section_cstart, $3  }
0xc1: {  	[dreg:$0x1] =	wrdreg $0xFFFFFFFF  }
0xc2: {  	_ =	task.clear_ibuf [dreg:s7], $0x2FFFF;
	_ =	strace $0x9FFFFFFF  }
0xc3: {  	(tm) =	ssettm $0x7FFFFFFF  }
tec
execute0_lowered:
.L_overlay_start_1:
0x0: {  	(tag) =	ssettag $0x1  }
0x1: {  	s4 =	rddreg [dreg:$0x0]  }
0x2: {  	s5 =	rddreg [dreg:$0x1]  }
0x3: {  	s2 =	rddreg [dreg:$0x2]  }
0x4: {  	s0 =	rddreg [dreg:$0x3];
	s3 =	simm.s32 $0x0;
	s6 =	srdreg.scid  }
0x5: {  	s1 =	stileid.u32;
	s15 =	simm.s32 $0x2800;
	s16 =	simm.s32 $0x80  }
0x6: {  	s17 =	simm.s32 $0x2C00;
	s18 =	simm.s32 $0x2C80;
	s19 =	simm.s32 $0x2D00  }
0x7: {  	s20 =	simm.s32 $0x2D80;
	s21 =	simm.s32 $0x2E00;
	s22 =	simm.s32 $0x2E80  }
0x8: {  	s23 =	simm.s32 $0x2F00;
	s26 =	simm.s32 $0x3000;
	s28 =	simm.s32 $0x0  }
0x9: {  	[smem:$0x7FF] =	sst s3;
	s6 =	sand.u32 $0x1, s6;
	s7 =	sshll.u32 s1, $0x1  }
0xa: {  	s31 =	sshll.u32 s1, $0xA;
	s25 =	sshll.u32 s1, $0x7;
	_ =	strace $0x80000047  }
0xb: {  	s7 =	sor.u32 s6, s7;
	s8 =	sshll.u32 s6, $0xB;
	s6 =	ssub.s32 $0x2, s6  }
0xc: {  	s13 =	sadd.s32 s8, s5;
	s30 =	sshrl.u32 s6, $0x1;
	s5 =	sadd.s32 s31, s2  }
0xd: {  	s7 =	smul.u32 $0x500, s7;
	s14 =	ssub.s32 s6, s30;
	s6 =	sadd.s32 $0x80, s5  }
0xe: {  	s8 =	sadd.s32 $0x180, s5;
	s9 =	sadd.s32 $0x200, s5;
	s10 =	sadd.s32 $0x280, s5  }
0xf: {  	s11 =	sadd.s32 $0x300, s5;
	s12 =	sadd.s32 $0x380, s5;
	s24 =	sadd.s32 $0x3800, s13  }
0x10: {  	s4 =	sadd.s32 s4, s7;
	s7 =	sadd.s32 $0x100, s5;
	s13 =	smax.u32 s14, $0x1  }
0x11: {  	v0 =	vimm.f32 $1.000000000e+00;
	s14 =	simm.s32 $0x1;
	s24 =	sadd.s32 s25, s24;
	s25 =	simm.s32 $0x2F80  }
.LBB2_1:
0x12: {  	[tilespmem:$0x2800] =	vst v0  }
0x13: {  	[tilespmem:$0x2810] =	vst v0  }
0x14: {  	[tilespmem:$0x2820] =	vst v0  }
0x15: {  	[tilespmem:$0x2830] =	vst v0  }
0x16: {  	[tilespmem:$0x2840] =	vst v0  }
0x17: {  	[tilespmem:$0x2850] =	vst v0  }
0x18: {  	[tilespmem:$0x2860] =	vst v0  }
0x19: {  	[tilespmem:$0x2870] =	vst v0  }
0x1a: {  	[tilespmem:$0x2880] =	vst v0  }
0x1b: {  	[tilespmem:$0x2890] =	vst v0  }
0x1c: {  	[tilespmem:$0x28A0] =	vst v0  }
0x1d: {  	[tilespmem:$0x28B0] =	vst v0  }
0x1e: {  	[tilespmem:$0x28C0] =	vst v0  }
0x1f: {  	[tilespmem:$0x28D0] =	vst v0  }
0x20: {  	[tilespmem:$0x28E0] =	vst v0  }
0x21: {  	[tilespmem:$0x28F0] =	vst v0  }
0x22: {  	[tilespmem:$0x2900] =	vst v0  }
0x23: {  	[tilespmem:$0x2910] =	vst v0  }
0x24: {  	[tilespmem:$0x2920] =	vst v0  }
0x25: {  	[tilespmem:$0x2930] =	vst v0  }
0x26: {  	[tilespmem:$0x2940] =	vst v0  }
0x27: {  	[tilespmem:$0x2950] =	vst v0  }
0x28: {  	[tilespmem:$0x2960] =	vst v0  }
0x29: {  	[tilespmem:$0x2970] =	vst v0  }
0x2a: {  	[tilespmem:$0x2980] =	vst v0  }
0x2b: {  	[tilespmem:$0x2990] =	vst v0  }
0x2c: {  	[tilespmem:$0x29A0] =	vst v0  }
0x2d: {  	[tilespmem:$0x29B0] =	vst v0  }
0x2e: {  	[tilespmem:$0x29C0] =	vst v0  }
0x2f: {  	[tilespmem:$0x29D0] =	vst v0  }
0x30: {  	[tilespmem:$0x29E0] =	vst v0  }
0x31: {  	[tilespmem:$0x29F0] =	vst v0  }
0x32: {  	[tilespmem:$0x2A00] =	vst v0  }
0x33: {  	[tilespmem:$0x2A10] =	vst v0  }
0x34: {  	[tilespmem:$0x2A20] =	vst v0  }
0x35: {  	[tilespmem:$0x2A30] =	vst v0  }
0x36: {  	[tilespmem:$0x2A40] =	vst v0  }
0x37: {  	[tilespmem:$0x2A50] =	vst v0  }
0x38: {  	[tilespmem:$0x2A60] =	vst v0  }
0x39: {  	[tilespmem:$0x2A70] =	vst v0  }
0x3a: {  	[tilespmem:$0x2A80] =	vst v0  }
0x3b: {  	[tilespmem:$0x2A90] =	vst v0  }
0x3c: {  	[tilespmem:$0x2AA0] =	vst v0  }
0x3d: {  	[tilespmem:$0x2AB0] =	vst v0  }
0x3e: {  	[tilespmem:$0x2AC0] =	vst v0  }
0x3f: {  	[tilespmem:$0x2AD0] =	vst v0  }
0x40: {  	[tilespmem:$0x2AE0] =	vst v0  }
0x41: {  	[tilespmem:$0x2AF0] =	vst v0  }
0x42: {  	[tilespmem:$0x2B00] =	vst v0  }
0x43: {  	[tilespmem:$0x2B10] =	vst v0  }
0x44: {  	[tilespmem:$0x2B20] =	vst v0  }
0x45: {  	[tilespmem:$0x2B30] =	vst v0  }
0x46: {  	[tilespmem:$0x2B40] =	vst v0  }
0x47: {  	[tilespmem:$0x2B50] =	vst v0  }
0x48: {  	[tilespmem:$0x2B60] =	vst v0  }
0x49: {  	[tilespmem:$0x2B70] =	vst v0  }
0x4a: {  	[tilespmem:$0x2B80] =	vst v0  }
0x4b: {  	[tilespmem:$0x2B90] =	vst v0  }
0x4c: {  	[tilespmem:$0x2BA0] =	vst v0  }
0x4d: {  	[tilespmem:$0x2BB0] =	vst v0  }
0x4e: {  	[tilespmem:$0x2BC0] =	vst v0  }
0x4f: {  	[tilespmem:$0x2BD0] =	vst v0  }
0x50: {  	[tilespmem:$0x2BE0] =	vst v0  }
0x51: {  	[tilespmem:$0x2BF0] =	vst v0  }
0x52: {  	[tilespmem:$0x2C00] =	vst v0  }
0x53: {  	[tilespmem:$0x2C10] =	vst v0  }
0x54: {  	[tilespmem:$0x2C20] =	vst v0  }
0x55: {  	[tilespmem:$0x2C30] =	vst v0  }
0x56: {  	[tilespmem:$0x2C40] =	vst v0  }
0x57: {  	[tilespmem:$0x2C50] =	vst v0  }
0x58: {  	[tilespmem:$0x2C60] =	vst v0  }
0x59: {  	[tilespmem:$0x2C70] =	vst v0  }
0x5a: {  	[tilespmem:s3], [sflag:$0x1] =	stream.linear.gather [hbm4b:s4+s3], $0x2780, $0x38;
	[tilespmem:$0x3480] =	vst v63  }
0x5b: {  	_ =	swait.ge [sflag:s14], $0x2780  }
0x5c: {  	[sflag:s14] =	ssyncset.done $0x0  }
0x5d: {  	[sflag:s14] =	ssyncadd.s32 $0xFFFFD880  }
0x5e: {  	[spmem:s5] =	stream.linear.scatter [tilespmem:s15], [sflag:$0x1], $0x400, $0x38;
	[tilespmem:$0x3480] =	vst v63  }
0x5f: {  	_ =	swait.ge [sflag:s14], $0x400  }
0x60: {  	[sflag:s14] =	ssyncset.done $0x0  }
0x61: {  	[sflag:s14] =	ssyncadd.s32 $0xFFFFFC00  }
0x62: {  	s29 =	simm.s32 $0x0;
	[bflag:$0x0] =	sbarrier.arrive $0xFFFF  }
0x63: {  	[spmem:s2] =	stream.indirect.scatter.add.f32 [tilespmem:s17], [sflag:$0x1], $0x1, s29, s16, $0xb8;
	[tilespmem:$0x3480] =	vst v63  }
0x64: {  	_ =	swait.ge [sflag:s14], $0x80  }
0x65: {  	s29 =	simm.s32 $0x200;
	[sflag:s14] =	ssyncset.done $0x0  }
.LBB2_2:
0x66: {  	s30 =	sshra.s32 s29, $0x2;
	[sflag:s14] =	ssyncadd.s32 $0xFFFFFF80;
	p0 =	sne.s32 s29, $0x9C00  }
0x67: {  	[spmem:s2] =	stream.indirect.scatter.add.f32 [tilespmem:s17], [sflag:$0x1], $0x1, s30, s16, $0xb8;
	[tilespmem:$0x3480] =	vst v63  }
.Ltmp0:
0x68: {  	_ = 	snop;
	(pc) =	sbr.rel @p0 .LBB2_2-.Ltmp0, $4  }
0x69: {  	_ = 	snop  }
0x6a: {  	s29 =	sadd.s32 $0x200, s29  }
0x6b: {  	_ =	swait.ge [sflag:s14], $0x80  }
0x6c: {  	[sflag:s14] =	ssyncset.done $0x0  }
0x6d: {  	[sflag:s14] =	ssyncadd.s32 $0xFFFFFF80  }
0x6e: {  	[bflag:$0x0] =	sbarrier.arrive $0xFFFF  }
0x6f: {  	[tilespmem:s18], [sflag:$0x1] =	stream.linear.gather [spmem:s5], $0x80, $0x38;
	[tilespmem:$0x3480] =	vst v63  }
0x70: {  	_ =	swait.ge [sflag:s14], $0x80  }
0x71: {  	[sflag:s14] =	ssyncset.done $0x0  }
0x72: {  	[sflag:s14] =	ssyncadd.s32 $0xFFFFFF80  }
0x73: {  	[tilespmem:s19], [sflag:$0x1] =	stream.linear.gather [spmem:s6], $0x80, $0x38;
	[tilespmem:$0x3480] =	vst v63  }
0x74: {  	_ =	swait.ge [sflag:s14], $0x80  }
0x75: {  	[sflag:s14] =	ssyncset.done $0x0  }
0x76: {  	[sflag:s14] =	ssyncadd.s32 $0xFFFFFF80  }
0x77: {  	[tilespmem:s20], [sflag:$0x1] =	stream.linear.gather [spmem:s7], $0x80, $0x38;
	[tilespmem:$0x3480] =	vst v63  }
0x78: {  	_ =	swait.ge [sflag:s14], $0x80  }
0x79: {  	[sflag:s14] =	ssyncset.done $0x0  }
0x7a: {  	[sflag:s14] =	ssyncadd.s32 $0xFFFFFF80  }
0x7b: {  	[tilespmem:s21], [sflag:$0x1] =	stream.linear.gather [spmem:s8], $0x80, $0x38;
	[tilespmem:$0x3480] =	vst v63  }
0x7c: {  	_ =	swait.ge [sflag:s14], $0x80  }
0x7d: {  	[sflag:s14] =	ssyncset.done $0x0  }
0x7e: {  	[sflag:s14] =	ssyncadd.s32 $0xFFFFFF80  }
0x7f: {  	[tilespmem:s22], [sflag:$0x1] =	stream.linear.gather [spmem:s9], $0x80, $0x38;
	[tilespmem:$0x3480] =	vst v63  }
0x80: {  	_ =	swait.ge [sflag:s14], $0x80  }
0x81: {  	[sflag:s14] =	ssyncset.done $0x0  }
0x82: {  	[sflag:s14] =	ssyncadd.s32 $0xFFFFFF80  }
0x83: {  	[tilespmem:s23], [sflag:$0x1] =	stream.linear.gather [spmem:s10], $0x80, $0x38;
	[tilespmem:$0x3480] =	vst v63  }
0x84: {  	_ =	swait.ge [sflag:s14], $0x80  }
0x85: {  	[sflag:s14] =	ssyncset.done $0x0  }
0x86: {  	[sflag:s14] =	ssyncadd.s32 $0xFFFFFF80  }
0x87: {  	[tilespmem:s25], [sflag:$0x1] =	stream.linear.gather [spmem:s11], $0x80, $0x38;
	[tilespmem:$0x3480] =	vst v63  }
0x88: {  	_ =	swait.ge [sflag:s14], $0x80  }
0x89: {  	[sflag:s14] =	ssyncset.done $0x0  }
0x8a: {  	[sflag:s14] =	ssyncadd.s32 $0xFFFFFF80  }
0x8b: {  	[tilespmem:s26], [sflag:$0x1] =	stream.linear.gather [spmem:s12], $0x80, $0x38;
	[tilespmem:$0x3480] =	vst v63  }
0x8c: {  	s28 =	sadd.s32 $0x1, s28;
	_ =	swait.ge [sflag:s14], $0x80  }
0x8d: {  	p0 =	sne.s32 s28, s13;
	[sflag:s14] =	ssyncset.done $0x0  }
.Ltmp1:
0x8e: {  	[sflag:s14] =	ssyncadd.s32 $0xFFFFFF80;
	(pc) =	sbr.rel @p0 .LBB2_1-.Ltmp1, $4  }
0x8f: {  	[hbm4b:s24+s3] =	stream.linear.scatter [tilespmem:s18], [sflag:$0x1], $0x400, $0x38;
	[tilespmem:$0x3480] =	vst v63  }
0x90: {  	_ =	swait.ge [sflag:s14], $0x400  }
0x91: {  	[sflag:s14] =	ssyncset.done $0x0  }
0x92: {  	[sflag:s14] =	ssyncadd.s32 $0xFFFFFC00  }
0x93: {  	_ =	sfence.sel $0x180000  }
0x94: {  	[bflag:$0x0] =	sbarrier.arrive $0xFFFF  }
0x95: {  	p0 =	sne.s32 s1, $0x0;
	_ =	strace $0x90000047  }
0x96: {  	s0 =	sadd.s32 @!p0 $0x100000, s0;
	[bflag:$0x2] =	sbarrier.arrive $0xFFFF  }
0x97: {  	[sflag:s0] =	ssyncadd.tile.s32 @!p0 $0x1;
	_ =	shalt  }
.Lfunc_end2:
_tile_overlayer_lowered:
.L_overlay_start_2:
0x98: {  	(tag) =	ssettag $0x2  }
0x99: {  	s0 =	rddreg [dreg:$0x0];
	s2 =	stileid.u32  }
0x9a: {  	s1 =	rddreg [dreg:$0x1];
	p0 =	sne.s32 s2, $0x0  }
0x9b: {  	s3 =	rddreg [dreg:$0x2];
	[bflag:$0x3] =	sbarrier.arrive $0xFFFF;
	s2 =	simm.s32 @!p0 $0x1C01  }
0x9c: {  	[timem:s3], [sflag:s2] =	dma.local @!p0 [hbm:s0], s1  }
0x9d: {  	s0 =	simm.s32 @!p0 $0x1  }
0x9e: {  	_ =	swait.ge @!p0 [sflag:s0], s1  }
0x9f: {  	s1 =	ssub.s32 @!p0 $0x0, s1;
	[sflag:s0] =	ssyncset.done @!p0 $0x0  }
0xa0: {  	[sflag:s0] =	ssyncadd.s32 @!p0 s1  }
0xa1: {  	[bflag:$0x3] =	sbarrier.arrive $0xFFFF  }
0xa2: {  	_ =	shalt  }

// kernel: kernel.14.cloned.1.call-start
scs
__scs_entry_jumppad:
0x0: {  	(pc) =	sbr.rel $0x88, $3  }
0x1: {  	(tag) =	ssettag $0x0;
	lr =	simm.s32 $0x1  }
0x2: {  	[smem:$0x3F8F] =	sst lr;
	_ =	strace $0xD0000000  }
0x3: {  	_ = 	snop  }
0x4: {  	_ = 	snop  }
0x5: {  	_ = 	snop  }
0x6: {  	_ = 	snop  }
0x7: {  	_ = 	snop  }
__scs_overlays_trampoline_lowered:
0x8: {  	[smem:$0x3F9E] =	sst s0  }
0x9: {  	[smem:$0x3F9F] =	sst s1  }
0xa: {  	[smem:$0x3FA0] =	sst s2  }
0xb: {  	[smem:$0x3FA1] =	sst s3  }
0xc: {  	[smem:$0x3FA2] =	sst s4  }
0xd: {  	[smem:$0x3FA3] =	sst s5  }
0xe: {  	[smem:$0x3FA4] =	sst s6  }
0xf: {  	[smem:$0x3FA5] =	sst s7  }
0x10: {  	[smem:$0x3FA6] =	sst s8  }
0x11: {  	[smem:$0x3FA7] =	sst s9;
	s0 =	simm.s32 @!p0 $0x0  }
0x12: {  	s1 =	sld [smem:$0x3F8D];
	s0 =	simm.s32 @p0 $0x1  }
0x13: {  	[smem:$0x3FA8] =	sst s0;
	s0 =	simm.s32 @!p1 $0x0  }
0x14: {  	s2 =	sld [smem:$0x3F8C];
	s0 =	simm.s32 @p1 $0x1  }
0x15: {  	[smem:$0x3FA9] =	sst s0;
	s0 =	simm.s32 @!p2 $0x0  }
0x16: {  	s3 =	sld [smem:$0x3FDB];
	s0 =	simm.s32 @p2 $0x1  }
0x17: {  	s4 =	simm.s32 $0x1BF5;
	[smem:$0x3FAB] =	sst s0  }
0x18: {  	s0 =	sld [smem:$0x3F8E];
	_ =	swait.ge [sflag:s4], $0x0  }
0x19: {  	s7 =	sld [smem:$0x3F8F]  }
0x1a: {  	s8 =	sadd.s32 $0xFFFFE003, lr  }
0x1b: {  	s9 =	sadd.s32 $0xFFFFFEF7, lr;
	s5 =	simm.s32 $0xFFFFFFFF;
	p2 =	slt.u32 s8, $0xFFFFF086  }
0x1c: {  	p1 =	slt.u32 s9, $0xF7A;
	s5 =	simm.s32 @!p2 $0x0  }
0x1d: {  	s5 =	simm.s32 @p1 $0x1;
	p0 =	seq.s32 s7, s2  }
0x1e: {  	s7 =	smul.u32 @!p0 $0xF7A, s2;
	p2 =	seq.s32 @!p0 s5, $0x0  }
0x1f: {  	s9 =	smul.u32 $0xF7A, s1;
	s8 =	simm.s32 @!p0 $0x1BF5;
	p2 =	por !p2, p0  }
0x20: {  	[sflag:s8] =	ssyncset.s32 @!p0 $0xFFFFF086;
	s6 =	sadd.s32 @!p0 s3, s7;
	s7 =	simm.s32 @!p0 $0x108  }
0x21: {  	s3 =	sadd.s32 s3, s9;
	s6 =	sadd.s32 @!p0 $0x88, s6;
	s7 =	simm.s32 @p2 $0x1082  }
0x22: {  	[simem:s7], [sflag:s8] =	dma.local @!p0 [hbm:s6], $0xF7A  }
0x23: {  	s9 =	sor.u32 $0xD0000000, s2;
	s6 =	simm.s32 $0x108;
	_ =	swait.ge @!p0 [sflag:s8], $0x0  }
0x24: {  	s3 =	sadd.s32 $0x88, s3;
	s6 =	simm.s32 @!p1 $0x1082;
	[sflag:s4] =	ssyncset.s32 $0xFFFFF086  }
0x25: {  	[simem:s6], [sflag:s4] =	dma.local [hbm:s3], $0xF7A  }
0x26: {  	[smem:$0x3F8F] =	sst s1;
	(tag) =	ssettag s2;
	_ =	strace s9  }
0x27: {  	s1 =	sld [smem:$0x3F9F]  }
0x28: {  	s2 =	sld [smem:$0x3FA0]  }
0x29: {  	s4 =	sld [smem:$0x3FA2]  }
0x2a: {  	p0 =	seq.s32 s5, $0x0;
	s5 =	sld [smem:$0x3FA3]  }
0x2b: {  	s6 =	sld [smem:$0x3FA4]  }
0x2c: {  	s7 =	sld [smem:$0x3FA5]  }
0x2d: {  	s3 =	simm.s32 $0x108;
	s8 =	sld [smem:$0x3FA6]  }
0x2e: {  	s3 =	simm.s32 @!p0 $0x1082;
	s9 =	sld [smem:$0x3FA7]  }
0x2f: {  	lr =	sadd.s32 s0, s3;
	s0 =	sld [smem:$0x3F9E]  }
0x30: {  	s3 =	sld [smem:$0x3FA1]  }
0x31: {  	[smem:$0x3FAA] =	sst s10  }
0x32: {  	s10 =	sld [smem:$0x3FA8];
	_ =	sdelay $0x3  }
0x33: {  	p0 =	seq.s32 s10, $0x1;
	s10 =	sld [smem:$0x3FAA];
	_ =	sdelay $0x3  }
0x34: {  	[smem:$0x3FAA] =	sst s10  }
0x35: {  	s10 =	sld [smem:$0x3FA9];
	_ =	sdelay $0x3  }
0x36: {  	p1 =	seq.s32 s10, $0x1;
	s10 =	sld [smem:$0x3FAA];
	_ =	sdelay $0x3  }
0x37: {  	[smem:$0x3FAA] =	sst s10  }
0x38: {  	s10 =	sld [smem:$0x3FAB]  }
0x39: {  	_ = 	snop;
	(pc) =	sbr.ind lr, $3  }
0x3a: {  	_ = 	snop  }
0x3b: {  	_ = 	snop  }
0x3c: {  	p2 =	seq.s32 s10, $0x1;
	s10 =	sld [smem:$0x3FAA]  }
0x3d: {  	_ =	shalt  }
0x3e: {  	_ =	shalt  }
0x3f: {  	_ =	shalt  }
0x40: {  	_ =	shalt  }
0x41: {  	_ =	shalt  }
0x42: {  	_ =	shalt  }
0x43: {  	_ =	shalt  }
0x44: {  	_ =	shalt  }
0x45: {  	_ =	shalt  }
0x46: {  	_ =	shalt  }
0x47: {  	_ =	shalt  }
0x48: {  	_ =	shalt  }
0x49: {  	_ =	shalt  }
0x4a: {  	_ =	shalt  }
0x4b: {  	_ =	shalt  }
0x4c: {  	_ =	shalt  }
0x4d: {  	_ =	shalt  }
0x4e: {  	_ =	shalt  }
0x4f: {  	_ =	shalt  }
0x50: {  	_ =	shalt  }
0x51: {  	_ =	shalt  }
0x52: {  	_ =	shalt  }
0x53: {  	_ =	shalt  }
0x54: {  	_ =	shalt  }
0x55: {  	_ =	shalt  }
0x56: {  	_ =	shalt  }
0x57: {  	_ =	shalt  }
0x58: {  	_ =	shalt  }
0x59: {  	_ =	shalt  }
0x5a: {  	_ =	shalt  }
0x5b: {  	_ =	shalt  }
0x5c: {  	_ =	shalt  }
0x5d: {  	_ =	shalt  }
0x5e: {  	_ =	shalt  }
0x5f: {  	_ =	shalt  }
0x60: {  	_ =	shalt  }
0x61: {  	_ =	shalt  }
0x62: {  	_ =	shalt  }
0x63: {  	_ =	shalt  }
0x64: {  	_ =	shalt  }
0x65: {  	_ =	shalt  }
0x66: {  	_ =	shalt  }
0x67: {  	_ =	shalt  }
0x68: {  	_ =	shalt  }
0x69: {  	_ =	shalt  }
0x6a: {  	_ =	shalt  }
0x6b: {  	_ =	shalt  }
0x6c: {  	_ =	shalt  }
0x6d: {  	_ =	shalt  }
0x6e: {  	_ =	shalt  }
0x6f: {  	_ =	shalt  }
0x70: {  	_ =	shalt  }
0x71: {  	_ =	shalt  }
0x72: {  	_ =	shalt  }
0x73: {  	_ =	shalt  }
0x74: {  	_ =	shalt  }
0x75: {  	_ =	shalt  }
0x76: {  	_ =	shalt  }
0x77: {  	_ =	shalt  }
0x78: {  	_ =	shalt  }
0x79: {  	_ =	shalt  }
0x7a: {  	_ =	shalt  }
0x7b: {  	_ =	shalt  }
0x7c: {  	_ =	shalt  }
0x7d: {  	_ =	shalt  }
0x7e: {  	_ =	shalt  }
0x7f: {  	_ =	shalt  }
0x80: {  	_ =	shalt  }
0x81: {  	_ =	shalt  }
0x82: {  	_ =	shalt  }
0x83: {  	_ =	shalt  }
0x84: {  	_ =	shalt  }
0x85: {  	_ =	shalt  }
0x86: {  	_ =	shalt  }
0x87: {  	_ =	shalt  }
.Lfunc_end0:
.L_simem_size_0:
called_computation.1_lowered:
.L_overlay_start_0:
0x88: {  	s2 =	sld [smem:$0x3FD9]  }
0x89: {  	s3 =	sld [smem:$0x3FFE];
	_ =	sdelay $0x1  }
0x8a: {  	s1 =	srdreg.scid  }
0x8b: {  	s0 =	sand.u32 $0x1, s1  }
0x8c: {  	s17 =	sshll.u32 s0, $0xA;
	s2 =	sadd.s32 s3, s2  }
0x8d: {  	s2 =	sadd.s32 s2, s17  }
0x8e: {  	[smem:$0x3FB6] =	sst s2  }
0x8f: {  	_ = 	snop  }
0x90: {  	s2 =	sld [smem:$0x3FD0];
	(tm) =	ssettm $0x1  }
0x91: {  	s18 =	sld [smem:$0x3FFB];
	_ =	sdelay $0x3  }
0x92: {  	_ =	strace s18  }
0x93: {  	s3 =	sld [smem:$0x3FFC];
	_ =	sdelay $0x3  }
0x94: {  	_ =	strace s3  }
0x95: {  	s3 =	sld [smem:$0x3FFD];
	_ =	sdelay $0x3  }
0x96: {  	_ =	strace s3  }
0x97: {  	_ =	strace $0x8FFFFFFF  }
0x98: {  	s19 =	sld [smem:$0x3FDB];
	_ =	sdelay $0x1  }
0x99: {  	s4 =	simm.s32 $_scs_section_size  }
0x9a: {  	s5 =	simm.s32 $_size__tile_overlayer_lowered;
	s6 =	simm.s32 $_tile_overlayer_lowered  }
0x9b: {  	s22 =	simm.s32 $0x1BFF;
	s21 =	sshll.u32 s6, $0x1;
	s3 =	sadd.s32 s4, s19  }
0x9c: {  	s7 =	simm.s32 $0x0;
	s20 =	sshll.u32 s5, $0x1;
	s5 =	sadd.s32 s21, s3  }
0x9d: {  	[timem:s7], [sflag:s22] =	dma.local [hbm:s5], s20  }
0x9e: {  	_ =	swait.ge [sflag:s22], s20  }
0x9f: {  	s4 =	ssub.s32 $0x0, s20;
	[sflag:s22] =	ssyncset.done $0x0  }
0xa0: {  	[sflag:s22] =	ssyncadd.s32 s4;
	_ =	sdelay $0x1  }
0xa1: {  	s23 =	simm.s32 $0x1B8B  }
0xa2: {  	_ =	swait.ge [sflag:s23], $0x1  }
0xa3: {  	[sflag:s23] =	ssyncset.done $0x0  }
0xa4: {  	s25 =	simm.s32 $0x1B8E;
	s24 =	sld [smem:$0x3FFE];
	[sflag:s23] =	ssyncadd.s32 $0xFFFFFFFF  }
0xa5: {  	s26 =	simm.s32 $execute0_lowered;
	[smem:$0x3FD2] =	sst s25  }
0xa6: {  	s5 =	sshll.u32 s26, $0x1;
	_ =	strace $0x80000049;
	[dreg:$0x1] =	wrdreg $0xFFFFFFFF  }
0xa7: {  	s28 =	simm.s32 $_size_execute0_lowered;
	s3 =	sadd.s32 s3, s5;
	[dreg:$0x0] =	wrdreg $0x0  }
0xa8: {  	s5 =	sshll.u32 s28, $0x1;
	[dreg:$0x2] =	wrdreg s3  }
0xa9: {  	[dreg:$0x3] =	wrdreg s5  }
0xaa: {  	[dreg:$0x4] =	wrdreg $0xC0  }
0xab: {  	_ =	task [dreg:s7], $0x5FFFF  }
0xac: {  	[dreg:$0x1] =	wrdreg $0xFFFFFFFF  }
0xad: {  	[dreg:$0x0] =	wrdreg $0x60  }
0xae: {  	[dreg:$0x2] =	wrdreg s2  }
0xaf: {  	[dreg:$0x3] =	wrdreg s24  }
0xb0: {  	[dreg:$0x4] =	wrdreg $0xA8000  }
0xb1: {  	[dreg:$0x5] =	wrdreg $0x9  }
0xb2: {  	_ =	task.clear_ibuf [dreg:s7], $0x6FFFF;
	_ =	strace $0x90000049  }
0xb3: {  	s29 =	simm.s32 $0x9;
	_ =	strace $0x8000004B  }
0xb4: {  	_ =	swait.ge [sflag:s29], $0x1  }
0xb5: {  	[sflag:s29] =	ssyncadd.s32 $0xFFFFFFFF  }
0xb6: {  	_ =	strace $0x9000004B  }
0xb7: {  	_ =	sfence  }
0xb8: {  	s30 =	sld [smem:$0x0];
	_ =	sdelay $0x2  }
0xb9: {  	s31 =	sshll.u32 s1, $0xD;
	s1 =	sshrl.u32 s1, $0x2  }
0xba: {  	s3 =	sand.u32 $0x4000, s31;
	s1 =	sadd.s32 s1, s30  }
0xbb: {  	s0 =	sor.u32 s3, s0;
	s1 =	sshll.u32 s1, $0x11  }
0xbc: {  	s0 =	sor.u32 s1, s0  }
0xbd: {  	s0 =	sadd.s32 $0x8F2B, s0  }
0xbe: {  	[sflag:s0] =	ssyncadd.remote.s32 $0x1  }
0xbf: {  	_ =	sfence.sel $0xFFFF  }
0xc0: {  	[dreg:$0x0] =	wrdreg $0xFFFFFFFF;
	(pc) =	sbr.abs _section_cstart, $3  }
0xc1: {  	[dreg:$0x1] =	wrdreg $0xFFFFFFFF  }
0xc2: {  	_ =	task.clear_ibuf [dreg:s7], $0x2FFFF;
	_ =	strace $0x9FFFFFFF  }
0xc3: {  	(tm) =	ssettm $0x7FFFFFFF  }
tec
execute0_lowered:
.L_overlay_start_1:
0x0: {  	(tag) =	ssettag $0x1  }
0x1: {  	s2 =	rddreg [dreg:$0x0]  }
0x2: {  	s6 =	rddreg [dreg:$0x1]  }
0x3: {  	s3 =	rddreg [dreg:$0x2]  }
0x4: {  	s0 =	rddreg [dreg:$0x3]  }
0x5: {  	s1 =	stileid.u32;
	s4 =	simm.s32 $0x0;
	s7 =	srdreg.scid  }
0x6: {  	s16 =	simm.s32 $0x2;
	s19 =	simm.s32 $0x6800;
	s20 =	simm.s32 $0x1  }
0x7: {  	s21 =	simm.s32 $0x0;
	s5 =	smul.u32 $0x680, s1;
	[smem:$0x7FF] =	sst s4  }
0x8: {  	s18 =	sand.u32 $0x1, s7;
	s29 =	sshll.u32 s1, $0xA;
	s9 =	smul.u32 $0x4E000, s1  }
0x9: {  	s31 =	sshll.u32 s1, $0x6;
	s17 =	sadd.s32 $0x138000, s3;
	p0 =	sne.s32 s1, $0xF  }
0xa: {  	_ =	strace $0x8000004A;
	s7 =	smul.u32 $0x27100, s18;
	s8 =	ssub.s32 $0x2, s18  }
0xb: {  	s10 =	sadd.s32 s29, s6;
	s17 =	sshrl.u32 @!p0 s17, $0x3;
	p1 =	sne.s32 s18, $0x0  }
0xc: {  	s18 =	simm.s32 $0x80;
	s12 =	sadd.s32 s5, s6;
	s11 =	sshrl.u32 s8, $0x1  }
0xd: {  	s5 =	smul.u32 $0x2700, s1;
	s30 =	sshrl.u32 s9, $0x2;
	s9 =	sadd.s32 $0x11800, s10  }
0xe: {  	s10 =	sadd.s32 $0x15800, s10;
	s13 =	sadd.s32 s7, s6;
	s14 =	ssub.s32 s8, s11  }
0xf: {  	s15 =	sadd.s32 s30, s3;
	s7 =	sor.u32 $0x1C02, s31;
	s8 =	sadd.s32 $0x27000, s2  }
0x10: {  	s11 =	sadd.s32 $0xB000, s12;
	s12 =	sadd.s32 $0x4800, s12;
	s6 =	sadd.s32 s2, s5  }
0x11: {  	s13 =	sadd.s32 $0x19800, s13;
	s14 =	smax.u32 s14, $0x1;
	s15 =	sshrl.u32 s15, $0x3  }
.LBB2_1:
0x12: {  	[spmem:s15], [sflag:s7] =	dma.local [hbm:s6], $0x2700  }
0x13: {  	_ =	swait.ge [sflag:s16], $0x2700  }
0x14: {  	[sflag:s16] =	ssyncset.done $0x0  }
0x15: {  	s22 =	simm.s32 @!p0 $0x2;
	[sflag:s16] =	ssyncadd.s32 $0xFFFFD900  }
0x16: {  	[spmem:s17], [sflag:s7] =	dma.local @!p0 [hbm:s8], $0x100  }
0x17: {  	_ =	swait.ge @!p0 [sflag:s22], $0x100  }
0x18: {  	[sflag:s22] =	ssyncset.done @!p0 $0x0  }
0x19: {  	s23 =	simm.s32 @p1 $0x0;
	s24 =	simm.s32 @p1 $0x2;
	[sflag:s22] =	ssyncadd.s32 @!p0 $0xFFFFFF00  }
0x1a: {  	[tilespmem:s23], [sflag:$0x2] =	stream.linear.gather @p1 [hbm4b:s9+s23], $0x1C80, $0x38;
	[tilespmem:$0x1E0C0] =	vst v63  }
0x1b: {  	_ =	swait.ge @p1 [sflag:s24], $0x1C80  }
0x1c: {  	[sflag:s24] =	ssyncset.done @p1 $0x0  }
0x1d: {  	s25 =	simm.s32 @p1 $0x3400;
	[sflag:s24] =	ssyncadd.s32 @p1 $0xFFFFE380  }
0x1e: {  	[tilespmem:s25], [sflag:$0x2] =	stream.linear.gather @p1 [hbm4b:s10+s23], $0x1C80, $0x38;
	[tilespmem:$0x1E0C0] =	vst v63  }
0x1f: {  	_ =	swait.ge @p1 [sflag:s24], $0x1C80  }
0x20: {  	[sflag:s24] =	ssyncset.done @p1 $0x0  }
0x21: {  	s23 =	simm.s32 @!p1 $0x0;
	[sflag:s24] =	ssyncadd.s32 @p1 $0xFFFFE380;
	s24 =	simm.s32 @!p1 $0x2  }
0x22: {  	[tilespmem:s23], [sflag:$0x2] =	stream.linear.gather @!p1 [hbm4b:s11+s23], $0x3280, $0x38;
	[tilespmem:$0x1E0C0] =	vst v63  }
0x23: {  	_ =	swait.ge @!p1 [sflag:s24], $0x3280  }
0x24: {  	[sflag:s24] =	ssyncset.done @!p1 $0x0  }
0x25: {  	s25 =	simm.s32 @!p1 $0x3400;
	[sflag:s24] =	ssyncadd.s32 @!p1 $0xFFFFCD80  }
0x26: {  	[tilespmem:s25], [sflag:$0x2] =	stream.linear.gather @!p1 [hbm4b:s12+s23], $0x3280, $0x38;
	[tilespmem:$0x1E0C0] =	vst v63  }
0x27: {  	_ =	swait.ge @!p1 [sflag:s24], $0x3280  }
0x28: {  	[sflag:s24] =	ssyncset.done @!p1 $0x0  }
0x29: {  	[sflag:s24] =	ssyncadd.s32 @!p1 $0xFFFFCD80;
	s24 =	simm.s32 @!p1 $0x65  }
0x2a: {  	[bflag:$0x0] =	sbarrier.arrive $0xFFFF;
	s24 =	simm.s32 @p1 $0x39  }
0x2b: {  	[tilespmem:s19], [sflag:$0x1] =	stream.indirect.gather [hbm4b:s2+s18], $0x80, s4, s18, $0xb8;
	[tilespmem:$0x1E0C0] =	vst v63  }
0x2c: {  	p2 =	sne.s32 s24, $0x1;
	_ =	swait.ge [sflag:s20], $0x4000  }
.Ltmp0:
0x2d: {  	[sflag:s20] =	ssyncset.done $0x0;
	(pc) =	sbr.rel @!p2 .LBB2_3-.Ltmp0, $4  }
0x2e: {  	s23 =	simm.s32 $0x3400;
	[sflag:s20] =	ssyncadd.s32 $0xFFFFC000  }
0x2f: {  	[spmem:s3] =	stream.indirect.scatter.add.f32 [tilespmem:s19], [sflag:$0x2], $0x80, s23, s18, $0xb8;
	[tilespmem:$0x1E0C0] =	vst v63  }
0x30: {  	_ =	swait.ge [sflag:s16], $0x4000  }
0x31: {  	s25 =	simm.s32 $0x0;
	s24 =	sadd.s32 $0xFFFFFFFF, s24;
	[sflag:s16] =	ssyncset.done $0x0  }
.LBB2_2:
0x32: {  	[sflag:s16] =	ssyncadd.s32 $0xFFFFC000;
	s25 =	sadd.s32 $0x80, s25;
	s23 =	sadd.s32 $0x80, s23  }
0x33: {  	[tilespmem:s19], [sflag:$0x1] =	stream.indirect.gather [hbm4b:s2+s18], $0x80, s25, s18, $0xb8;
	[tilespmem:$0x1E0C0] =	vst v63  }
0x34: {  	p2 =	sne.s32 s24, $0x1;
	s24 =	sadd.s32 $0xFFFFFFFF, s24;
	_ =	swait.ge [sflag:s20], $0x4000  }
.Ltmp1:
0x35: {  	[sflag:s20] =	ssyncset.done $0x0;
	(pc) =	sbr.rel @p2 .LBB2_2-.Ltmp1, $4  }
0x36: {  	[sflag:s20] =	ssyncadd.s32 $0xFFFFC000  }
0x37: {  	[spmem:s3] =	stream.indirect.scatter.add.f32 [tilespmem:s19], [sflag:$0x2], $0x80, s23, s18, $0xb8;
	[tilespmem:$0x1E0C0] =	vst v63  }
0x38: {  	_ =	swait.ge [sflag:s16], $0x4000  }
0x39: {  	[sflag:s16] =	ssyncset.done $0x0  }
.LBB2_3:
0x3a: {  	[sflag:s16] =	ssyncadd.s32 $0xFFFFC000  }
0x3b: {  	s23 =	sadd.s32 s5, s13;
	[bflag:$0x0] =	sbarrier.arrive $0xFFFF  }
0x3c: {  	[hbm:s23], [sflag:s7] =	dma.local [spmem:s15], $0x2700  }
0x3d: {  	s21 =	sadd.s32 $0x1, s21;
	_ =	swait.ge [sflag:s16], $0x2700  }
0x3e: {  	p2 =	sne.s32 s21, s14;
	[sflag:s16] =	ssyncset.done $0x0  }
.Ltmp2:
0x3f: {  	s23 =	sadd.s32 @!p0 $0x27000, s13;
	[sflag:s16] =	ssyncadd.s32 $0xFFFFD900;
	(pc) =	sbr.rel @p2 .LBB2_1-.Ltmp2, $4  }
0x40: {  	[hbm:s23], [sflag:s7] =	dma.local @!p0 [spmem:s17], $0x100  }
0x41: {  	_ =	swait.ge @!p0 [sflag:s22], $0x100  }
0x42: {  	[sflag:s22] =	ssyncset.done @!p0 $0x0  }
0x43: {  	[sflag:s22] =	ssyncadd.s32 @!p0 $0xFFFFFF00  }
0x44: {  	_ =	sfence.sel $0x180000  }
0x45: {  	[bflag:$0x0] =	sbarrier.arrive $0xFFFF  }
0x46: {  	p0 =	sne.s32 s1, $0x0;
	_ =	strace $0x9000004A  }
0x47: {  	s0 =	sadd.s32 @!p0 $0x100000, s0;
	[bflag:$0x2] =	sbarrier.arrive $0xFFFF  }
0x48: {  	[sflag:s0] =	ssyncadd.tile.s32 @!p0 $0x1;
	_ =	shalt  }
.Lfunc_end2:
_tile_overlayer_lowered:
.L_overlay_start_2:
0x49: {  	(tag) =	ssettag $0x2  }
0x4a: {  	s0 =	rddreg [dreg:$0x0];
	s2 =	stileid.u32  }
0x4b: {  	s1 =	rddreg [dreg:$0x1];
	p0 =	sne.s32 s2, $0x0  }
0x4c: {  	s3 =	rddreg [dreg:$0x2];
	[bflag:$0x3] =	sbarrier.arrive $0xFFFF;
	s2 =	simm.s32 @!p0 $0x1C02  }
0x4d: {  	[timem:s3], [sflag:s2] =	dma.local @!p0 [hbm:s0], s1  }
0x4e: {  	s0 =	simm.s32 @!p0 $0x2  }
0x4f: {  	_ =	swait.ge @!p0 [sflag:s0], s1  }
0x50: {  	s1 =	ssub.s32 @!p0 $0x0, s1;
	[sflag:s0] =	ssyncset.done @!p0 $0x0  }
0x51: {  	[sflag:s0] =	ssyncadd.s32 @!p0 s1  }
0x52: {  	[bflag:$0x3] =	sbarrier.arrive $0xFFFF  }
0x53: {  	_ =	shalt  }

// kernel: kernel.17.cloned.1.call-start
scs
__scs_entry_jumppad:
0x0: {  	(pc) =	sbr.rel $0x88, $3  }
0x1: {  	(tag) =	ssettag $0x0;
	lr =	simm.s32 $0x1  }
0x2: {  	[smem:$0x3F8F] =	sst lr;
	_ =	strace $0xD0000000  }
0x3: {  	_ = 	snop  }
0x4: {  	_ = 	snop  }
0x5: {  	_ = 	snop  }
0x6: {  	_ = 	snop  }
0x7: {  	_ = 	snop  }
__scs_overlays_trampoline_lowered:
0x8: {  	[smem:$0x3F9E] =	sst s0  }
0x9: {  	[smem:$0x3F9F] =	sst s1  }
0xa: {  	[smem:$0x3FA0] =	sst s2  }
0xb: {  	[smem:$0x3FA1] =	sst s3  }
0xc: {  	[smem:$0x3FA2] =	sst s4  }
0xd: {  	[smem:$0x3FA3] =	sst s5  }
0xe: {  	[smem:$0x3FA4] =	sst s6  }
0xf: {  	[smem:$0x3FA5] =	sst s7  }
0x10: {  	[smem:$0x3FA6] =	sst s8  }
0x11: {  	[smem:$0x3FA7] =	sst s9;
	s0 =	simm.s32 @!p0 $0x0  }
0x12: {  	s1 =	sld [smem:$0x3F8D];
	s0 =	simm.s32 @p0 $0x1  }
0x13: {  	[smem:$0x3FA8] =	sst s0;
	s0 =	simm.s32 @!p1 $0x0  }
0x14: {  	s2 =	sld [smem:$0x3F8C];
	s0 =	simm.s32 @p1 $0x1  }
0x15: {  	[smem:$0x3FA9] =	sst s0;
	s0 =	simm.s32 @!p2 $0x0  }
0x16: {  	s3 =	sld [smem:$0x3FDB];
	s0 =	simm.s32 @p2 $0x1  }
0x17: {  	s4 =	simm.s32 $0x1BF5;
	[smem:$0x3FAB] =	sst s0  }
0x18: {  	s0 =	sld [smem:$0x3F8E];
	_ =	swait.ge [sflag:s4], $0x0  }
0x19: {  	s7 =	sld [smem:$0x3F8F]  }
0x1a: {  	s8 =	sadd.s32 $0xFFFFE003, lr  }
0x1b: {  	s9 =	sadd.s32 $0xFFFFFEF7, lr;
	s5 =	simm.s32 $0xFFFFFFFF;
	p2 =	slt.u32 s8, $0xFFFFF086  }
0x1c: {  	p1 =	slt.u32 s9, $0xF7A;
	s5 =	simm.s32 @!p2 $0x0  }
0x1d: {  	s5 =	simm.s32 @p1 $0x1;
	p0 =	seq.s32 s7, s2  }
0x1e: {  	s7 =	smul.u32 @!p0 $0xF7A, s2;
	p2 =	seq.s32 @!p0 s5, $0x0  }
0x1f: {  	s9 =	smul.u32 $0xF7A, s1;
	s8 =	simm.s32 @!p0 $0x1BF5;
	p2 =	por !p2, p0  }
0x20: {  	[sflag:s8] =	ssyncset.s32 @!p0 $0xFFFFF086;
	s6 =	sadd.s32 @!p0 s3, s7;
	s7 =	simm.s32 @!p0 $0x108  }
0x21: {  	s3 =	sadd.s32 s3, s9;
	s6 =	sadd.s32 @!p0 $0x88, s6;
	s7 =	simm.s32 @p2 $0x1082  }
0x22: {  	[simem:s7], [sflag:s8] =	dma.local @!p0 [hbm:s6], $0xF7A  }
0x23: {  	s9 =	sor.u32 $0xD0000000, s2;
	s6 =	simm.s32 $0x108;
	_ =	swait.ge @!p0 [sflag:s8], $0x0  }
0x24: {  	s3 =	sadd.s32 $0x88, s3;
	s6 =	simm.s32 @!p1 $0x1082;
	[sflag:s4] =	ssyncset.s32 $0xFFFFF086  }
0x25: {  	[simem:s6], [sflag:s4] =	dma.local [hbm:s3], $0xF7A  }
0x26: {  	[smem:$0x3F8F] =	sst s1;
	(tag) =	ssettag s2;
	_ =	strace s9  }
0x27: {  	s1 =	sld [smem:$0x3F9F]  }
0x28: {  	s2 =	sld [smem:$0x3FA0]  }
0x29: {  	s4 =	sld [smem:$0x3FA2]  }
0x2a: {  	p0 =	seq.s32 s5, $0x0;
	s5 =	sld [smem:$0x3FA3]  }
0x2b: {  	s6 =	sld [smem:$0x3FA4]  }
0x2c: {  	s7 =	sld [smem:$0x3FA5]  }
0x2d: {  	s3 =	simm.s32 $0x108;
	s8 =	sld [smem:$0x3FA6]  }
0x2e: {  	s3 =	simm.s32 @!p0 $0x1082;
	s9 =	sld [smem:$0x3FA7]  }
0x2f: {  	lr =	sadd.s32 s0, s3;
	s0 =	sld [smem:$0x3F9E]  }
0x30: {  	s3 =	sld [smem:$0x3FA1]  }
0x31: {  	[smem:$0x3FAA] =	sst s10  }
0x32: {  	s10 =	sld [smem:$0x3FA8];
	_ =	sdelay $0x3  }
0x33: {  	p0 =	seq.s32 s10, $0x1;
	s10 =	sld [smem:$0x3FAA];
	_ =	sdelay $0x3  }
0x34: {  	[smem:$0x3FAA] =	sst s10  }
0x35: {  	s10 =	sld [smem:$0x3FA9];
	_ =	sdelay $0x3  }
0x36: {  	p1 =	seq.s32 s10, $0x1;
	s10 =	sld [smem:$0x3FAA];
	_ =	sdelay $0x3  }
0x37: {  	[smem:$0x3FAA] =	sst s10  }
0x38: {  	s10 =	sld [smem:$0x3FAB]  }
0x39: {  	_ = 	snop;
	(pc) =	sbr.ind lr, $3  }
0x3a: {  	_ = 	snop  }
0x3b: {  	_ = 	snop  }
0x3c: {  	p2 =	seq.s32 s10, $0x1;
	s10 =	sld [smem:$0x3FAA]  }
0x3d: {  	_ =	shalt  }
0x3e: {  	_ =	shalt  }
0x3f: {  	_ =	shalt  }
0x40: {  	_ =	shalt  }
0x41: {  	_ =	shalt  }
0x42: {  	_ =	shalt  }
0x43: {  	_ =	shalt  }
0x44: {  	_ =	shalt  }
0x45: {  	_ =	shalt  }
0x46: {  	_ =	shalt  }
0x47: {  	_ =	shalt  }
0x48: {  	_ =	shalt  }
0x49: {  	_ =	shalt  }
0x4a: {  	_ =	shalt  }
0x4b: {  	_ =	shalt  }
0x4c: {  	_ =	shalt  }
0x4d: {  	_ =	shalt  }
0x4e: {  	_ =	shalt  }
0x4f: {  	_ =	shalt  }
0x50: {  	_ =	shalt  }
0x51: {  	_ =	shalt  }
0x52: {  	_ =	shalt  }
0x53: {  	_ =	shalt  }
0x54: {  	_ =	shalt  }
0x55: {  	_ =	shalt  }
0x56: {  	_ =	shalt  }
0x57: {  	_ =	shalt  }
0x58: {  	_ =	shalt  }
0x59: {  	_ =	shalt  }
0x5a: {  	_ =	shalt  }
0x5b: {  	_ =	shalt  }
0x5c: {  	_ =	shalt  }
0x5d: {  	_ =	shalt  }
0x5e: {  	_ =	shalt  }
0x5f: {  	_ =	shalt  }
0x60: {  	_ =	shalt  }
0x61: {  	_ =	shalt  }
0x62: {  	_ =	shalt  }
0x63: {  	_ =	shalt  }
0x64: {  	_ =	shalt  }
0x65: {  	_ =	shalt  }
0x66: {  	_ =	shalt  }
0x67: {  	_ =	shalt  }
0x68: {  	_ =	shalt  }
0x69: {  	_ =	shalt  }
0x6a: {  	_ =	shalt  }
0x6b: {  	_ =	shalt  }
0x6c: {  	_ =	shalt  }
0x6d: {  	_ =	shalt  }
0x6e: {  	_ =	shalt  }
0x6f: {  	_ =	shalt  }
0x70: {  	_ =	shalt  }
0x71: {  	_ =	shalt  }
0x72: {  	_ =	shalt  }
0x73: {  	_ =	shalt  }
0x74: {  	_ =	shalt  }
0x75: {  	_ =	shalt  }
0x76: {  	_ =	shalt  }
0x77: {  	_ =	shalt  }
0x78: {  	_ =	shalt  }
0x79: {  	_ =	shalt  }
0x7a: {  	_ =	shalt  }
0x7b: {  	_ =	shalt  }
0x7c: {  	_ =	shalt  }
0x7d: {  	_ =	shalt  }
0x7e: {  	_ =	shalt  }
0x7f: {  	_ =	shalt  }
0x80: {  	_ =	shalt  }
0x81: {  	_ =	shalt  }
0x82: {  	_ =	shalt  }
0x83: {  	_ =	shalt  }
0x84: {  	_ =	shalt  }
0x85: {  	_ =	shalt  }
0x86: {  	_ =	shalt  }
0x87: {  	_ =	shalt  }
.Lfunc_end0:
.L_simem_size_0:
called_computation.2_lowered:
.L_overlay_start_0:
0x88: {  	s2 =	sld [smem:$0x3FD9]  }
0x89: {  	s3 =	sld [smem:$0x3FFE];
	_ =	sdelay $0x1  }
0x8a: {  	s1 =	srdreg.scid  }
0x8b: {  	s0 =	sand.u32 $0x1, s1  }
0x8c: {  	s17 =	sshll.u32 s0, $0xA;
	s2 =	sadd.s32 s3, s2  }
0x8d: {  	s2 =	sadd.s32 s2, s17  }
0x8e: {  	[smem:$0x3FB6] =	sst s2  }
0x8f: {  	_ = 	snop  }
0x90: {  	s2 =	sld [smem:$0x3FD0];
	(tm) =	ssettm $0x1  }
0x91: {  	s18 =	sld [smem:$0x3FFB];
	_ =	sdelay $0x3  }
0x92: {  	_ =	strace s18  }
0x93: {  	s3 =	sld [smem:$0x3FFC];
	_ =	sdelay $0x3  }
0x94: {  	_ =	strace s3  }
0x95: {  	s3 =	sld [smem:$0x3FFD];
	_ =	sdelay $0x3  }
0x96: {  	_ =	strace s3  }
0x97: {  	_ =	strace $0x8FFFFFFF  }
0x98: {  	s19 =	sld [smem:$0x3FDB];
	_ =	sdelay $0x1  }
0x99: {  	s4 =	simm.s32 $_scs_section_size  }
0x9a: {  	s5 =	simm.s32 $_size__tile_overlayer_lowered;
	s6 =	simm.s32 $_tile_overlayer_lowered  }
0x9b: {  	s22 =	simm.s32 $0x1BFF;
	s21 =	sshll.u32 s6, $0x1;
	s3 =	sadd.s32 s4, s19  }
0x9c: {  	s7 =	simm.s32 $0x0;
	s20 =	sshll.u32 s5, $0x1;
	s5 =	sadd.s32 s21, s3  }
0x9d: {  	[timem:s7], [sflag:s22] =	dma.local [hbm:s5], s20  }
0x9e: {  	_ =	swait.ge [sflag:s22], s20  }
0x9f: {  	s4 =	ssub.s32 $0x0, s20;
	[sflag:s22] =	ssyncset.done $0x0  }
0xa0: {  	[sflag:s22] =	ssyncadd.s32 s4;
	_ =	sdelay $0x1  }
0xa1: {  	s23 =	simm.s32 $0x1B8B  }
0xa2: {  	_ =	swait.ge [sflag:s23], $0x1  }
0xa3: {  	[sflag:s23] =	ssyncset.done $0x0  }
0xa4: {  	s25 =	simm.s32 $0x1B8E;
	s24 =	sld [smem:$0x3FFE];
	[sflag:s23] =	ssyncadd.s32 $0xFFFFFFFF  }
0xa5: {  	s26 =	simm.s32 $execute0_lowered;
	[smem:$0x3FD2] =	sst s25  }
0xa6: {  	s5 =	sshll.u32 s26, $0x1;
	_ =	strace $0x8000004C;
	[dreg:$0x1] =	wrdreg $0xFFFFFFFF  }
0xa7: {  	s28 =	simm.s32 $_size_execute0_lowered;
	s3 =	sadd.s32 s3, s5;
	[dreg:$0x0] =	wrdreg $0x0  }
0xa8: {  	s5 =	sshll.u32 s28, $0x1;
	[dreg:$0x2] =	wrdreg s3  }
0xa9: {  	[dreg:$0x3] =	wrdreg s5  }
0xaa: {  	[dreg:$0x4] =	wrdreg $0xC0  }
0xab: {  	_ =	task [dreg:s7], $0x5FFFF  }
0xac: {  	[dreg:$0x1] =	wrdreg $0xFFFFFFFF  }
0xad: {  	[dreg:$0x0] =	wrdreg $0x60  }
0xae: {  	[dreg:$0x2] =	wrdreg s2  }
0xaf: {  	[dreg:$0x3] =	wrdreg s24  }
0xb0: {  	[dreg:$0x4] =	wrdreg $0xA8000  }
0xb1: {  	[dreg:$0x5] =	wrdreg $0x9  }
0xb2: {  	_ =	task.clear_ibuf [dreg:s7], $0x6FFFF;
	_ =	strace $0x9000004C  }
0xb3: {  	s29 =	simm.s32 $0x9;
	_ =	strace $0x8000004E  }
0xb4: {  	_ =	swait.ge [sflag:s29], $0x1  }
0xb5: {  	[sflag:s29] =	ssyncadd.s32 $0xFFFFFFFF  }
0xb6: {  	_ =	strace $0x9000004E  }
0xb7: {  	_ =	sfence  }
0xb8: {  	s30 =	sld [smem:$0x0];
	_ =	sdelay $0x2  }
0xb9: {  	s31 =	sshll.u32 s1, $0xD;
	s1 =	sshrl.u32 s1, $0x2  }
0xba: {  	s3 =	sand.u32 $0x4000, s31;
	s1 =	sadd.s32 s1, s30  }
0xbb: {  	s0 =	sor.u32 s3, s0;
	s1 =	sshll.u32 s1, $0x11  }
0xbc: {  	s0 =	sor.u32 s1, s0  }
0xbd: {  	s0 =	sadd.s32 $0x8F2B, s0  }
0xbe: {  	[sflag:s0] =	ssyncadd.remote.s32 $0x1  }
0xbf: {  	_ =	sfence.sel $0xFFFF  }
0xc0: {  	[dreg:$0x0] =	wrdreg $0xFFFFFFFF;
	(pc) =	sbr.abs _section_cstart, $3  }
0xc1: {  	[dreg:$0x1] =	wrdreg $0xFFFFFFFF  }
0xc2: {  	_ =	task.clear_ibuf [dreg:s7], $0x2FFFF;
	_ =	strace $0x9FFFFFFF  }
0xc3: {  	(tm) =	ssettm $0x7FFFFFFF  }
tec
execute0_lowered:
.L_overlay_start_1:
0x0: {  	(tag) =	ssettag $0x1  }
0x1: {  	s2 =	rddreg [dreg:$0x0]  }
0x2: {  	s6 =	rddreg [dreg:$0x1]  }
0x3: {  	s3 =	rddreg [dreg:$0x2]  }
0x4: {  	s0 =	rddreg [dreg:$0x3]  }
0x5: {  	s1 =	stileid.u32;
	s4 =	simm.s32 $0x0;
	s7 =	srdreg.scid  }
0x6: {  	s16 =	simm.s32 $0x2;
	s19 =	simm.s32 $0x6800;
	s20 =	simm.s32 $0x1  }
0x7: {  	s21 =	simm.s32 $0x0;
	s5 =	smul.u32 $0x680, s1;
	[smem:$0x7FF] =	sst s4  }
0x8: {  	s18 =	sand.u32 $0x1, s7;
	s29 =	sshll.u32 s1, $0xA;
	s9 =	smul.u32 $0x4E000, s1  }
0x9: {  	s31 =	sshll.u32 s1, $0x6;
	s17 =	sadd.s32 $0x138000, s3;
	p0 =	sne.s32 s1, $0xF  }
0xa: {  	_ =	strace $0x8000004D;
	s7 =	smul.u32 $0x27100, s18;
	s8 =	ssub.s32 $0x2, s18  }
0xb: {  	s10 =	sadd.s32 s29, s6;
	s17 =	sshrl.u32 @!p0 s17, $0x3;
	p1 =	sne.s32 s18, $0x0  }
0xc: {  	s18 =	simm.s32 $0x80;
	s12 =	sadd.s32 s5, s6;
	s11 =	sshrl.u32 s8, $0x1  }
0xd: {  	s5 =	smul.u32 $0x2700, s1;
	s30 =	sshrl.u32 s9, $0x2;
	s9 =	sadd.s32 $0x11800, s10  }
0xe: {  	s10 =	sadd.s32 $0x15800, s10;
	s13 =	sadd.s32 s7, s6;
	s14 =	ssub.s32 s8, s11  }
0xf: {  	s15 =	sadd.s32 s30, s3;
	s7 =	sor.u32 $0x1C02, s31;
	s8 =	sadd.s32 $0x27000, s2  }
0x10: {  	s11 =	sadd.s32 $0xB000, s12;
	s12 =	sadd.s32 $0x4800, s12;
	s6 =	sadd.s32 s2, s5  }
0x11: {  	s13 =	sadd.s32 $0x19800, s13;
	s14 =	smax.u32 s14, $0x1;
	s15 =	sshrl.u32 s15, $0x3  }
.LBB2_1:
0x12: {  	[spmem:s15], [sflag:s7] =	dma.local [hbm:s6], $0x2700  }
0x13: {  	_ =	swait.ge [sflag:s16], $0x2700  }
0x14: {  	[sflag:s16] =	ssyncset.done $0x0  }
0x15: {  	s22 =	simm.s32 @!p0 $0x2;
	[sflag:s16] =	ssyncadd.s32 $0xFFFFD900  }
0x16: {  	[spmem:s17], [sflag:s7] =	dma.local @!p0 [hbm:s8], $0x100  }
0x17: {  	_ =	swait.ge @!p0 [sflag:s22], $0x100  }
0x18: {  	[sflag:s22] =	ssyncset.done @!p0 $0x0  }
0x19: {  	s23 =	simm.s32 @p1 $0x0;
	s24 =	simm.s32 @p1 $0x2;
	[sflag:s22] =	ssyncadd.s32 @!p0 $0xFFFFFF00  }
0x1a: {  	[tilespmem:s23], [sflag:$0x2] =	stream.linear.gather @p1 [hbm4b:s9+s23], $0x1C80, $0x38;
	[tilespmem:$0x1E0C0] =	vst v63  }
0x1b: {  	_ =	swait.ge @p1 [sflag:s24], $0x1C80  }
0x1c: {  	[sflag:s24] =	ssyncset.done @p1 $0x0  }
0x1d: {  	s25 =	simm.s32 @p1 $0x3400;
	[sflag:s24] =	ssyncadd.s32 @p1 $0xFFFFE380  }
0x1e: {  	[tilespmem:s25], [sflag:$0x2] =	stream.linear.gather @p1 [hbm4b:s10+s23], $0x1C80, $0x38;
	[tilespmem:$0x1E0C0] =	vst v63  }
0x1f: {  	_ =	swait.ge @p1 [sflag:s24], $0x1C80  }
0x20: {  	[sflag:s24] =	ssyncset.done @p1 $0x0  }
0x21: {  	s23 =	simm.s32 @!p1 $0x0;
	[sflag:s24] =	ssyncadd.s32 @p1 $0xFFFFE380;
	s24 =	simm.s32 @!p1 $0x2  }
0x22: {  	[tilespmem:s23], [sflag:$0x2] =	stream.linear.gather @!p1 [hbm4b:s11+s23], $0x3280, $0x38;
	[tilespmem:$0x1E0C0] =	vst v63  }
0x23: {  	_ =	swait.ge @!p1 [sflag:s24], $0x3280  }
0x24: {  	[sflag:s24] =	ssyncset.done @!p1 $0x0  }
0x25: {  	s25 =	simm.s32 @!p1 $0x3400;
	[sflag:s24] =	ssyncadd.s32 @!p1 $0xFFFFCD80  }
0x26: {  	[tilespmem:s25], [sflag:$0x2] =	stream.linear.gather @!p1 [hbm4b:s12+s23], $0x3280, $0x38;
	[tilespmem:$0x1E0C0] =	vst v63  }
0x27: {  	_ =	swait.ge @!p1 [sflag:s24], $0x3280  }
0x28: {  	[sflag:s24] =	ssyncset.done @!p1 $0x0  }
0x29: {  	[sflag:s24] =	ssyncadd.s32 @!p1 $0xFFFFCD80;
	s24 =	simm.s32 @!p1 $0x65  }
0x2a: {  	[bflag:$0x0] =	sbarrier.arrive $0xFFFF;
	s24 =	simm.s32 @p1 $0x39  }
0x2b: {  	[tilespmem:s19], [sflag:$0x1] =	stream.indirect.gather [hbm4b:s2+s18], $0x80, s4, s18, $0xb8;
	[tilespmem:$0x1E0C0] =	vst v63  }
0x2c: {  	p2 =	sne.s32 s24, $0x1;
	_ =	swait.ge [sflag:s20], $0x4000  }
.Ltmp0:
0x2d: {  	[sflag:s20] =	ssyncset.done $0x0;
	(pc) =	sbr.rel @!p2 .LBB2_3-.Ltmp0, $4  }
0x2e: {  	s23 =	simm.s32 $0x3400;
	[sflag:s20] =	ssyncadd.s32 $0xFFFFC000  }
0x2f: {  	[spmem:s3] =	stream.indirect.scatter.add.f32 [tilespmem:s19], [sflag:$0x2], $0x80, s23, s18, $0xb8;
	[tilespmem:$0x1E0C0] =	vst v63  }
0x30: {  	_ =	swait.ge [sflag:s16], $0x4000  }
0x31: {  	s25 =	simm.s32 $0x0;
	s24 =	sadd.s32 $0xFFFFFFFF, s24;
	[sflag:s16] =	ssyncset.done $0x0  }
.LBB2_2:
0x32: {  	[sflag:s16] =	ssyncadd.s32 $0xFFFFC000;
	s25 =	sadd.s32 $0x80, s25;
	s23 =	sadd.s32 $0x80, s23  }
0x33: {  	[tilespmem:s19], [sflag:$0x1] =	stream.indirect.gather [hbm4b:s2+s18], $0x80, s25, s18, $0xb8;
	[tilespmem:$0x1E0C0] =	vst v63  }
0x34: {  	p2 =	sne.s32 s24, $0x1;
	s24 =	sadd.s32 $0xFFFFFFFF, s24;
	_ =	swait.ge [sflag:s20], $0x4000  }
.Ltmp1:
0x35: {  	[sflag:s20] =	ssyncset.done $0x0;
	(pc) =	sbr.rel @p2 .LBB2_2-.Ltmp1, $4  }
0x36: {  	[sflag:s20] =	ssyncadd.s32 $0xFFFFC000  }
0x37: {  	[spmem:s3] =	stream.indirect.scatter.add.f32 [tilespmem:s19], [sflag:$0x2], $0x80, s23, s18, $0xb8;
	[tilespmem:$0x1E0C0] =	vst v63  }
0x38: {  	_ =	swait.ge [sflag:s16], $0x4000  }
0x39: {  	[sflag:s16] =	ssyncset.done $0x0  }
.LBB2_3:
0x3a: {  	[sflag:s16] =	ssyncadd.s32 $0xFFFFC000  }
0x3b: {  	s23 =	sadd.s32 s5, s13;
	[bflag:$0x0] =	sbarrier.arrive $0xFFFF  }
0x3c: {  	[hbm:s23], [sflag:s7] =	dma.local [spmem:s15], $0x2700  }
0x3d: {  	s21 =	sadd.s32 $0x1, s21;
	_ =	swait.ge [sflag:s16], $0x2700  }
0x3e: {  	p2 =	sne.s32 s21, s14;
	[sflag:s16] =	ssyncset.done $0x0  }
.Ltmp2:
0x3f: {  	s23 =	sadd.s32 @!p0 $0x27000, s13;
	[sflag:s16] =	ssyncadd.s32 $0xFFFFD900;
	(pc) =	sbr.rel @p2 .LBB2_1-.Ltmp2, $4  }
0x40: {  	[hbm:s23], [sflag:s7] =	dma.local @!p0 [spmem:s17], $0x100  }
0x41: {  	_ =	swait.ge @!p0 [sflag:s22], $0x100  }
0x42: {  	[sflag:s22] =	ssyncset.done @!p0 $0x0  }
0x43: {  	[sflag:s22] =	ssyncadd.s32 @!p0 $0xFFFFFF00  }
0x44: {  	_ =	sfence.sel $0x180000  }
0x45: {  	[bflag:$0x0] =	sbarrier.arrive $0xFFFF  }
0x46: {  	p0 =	sne.s32 s1, $0x0;
	_ =	strace $0x9000004D  }
0x47: {  	s0 =	sadd.s32 @!p0 $0x100000, s0;
	[bflag:$0x2] =	sbarrier.arrive $0xFFFF  }
0x48: {  	[sflag:s0] =	ssyncadd.tile.s32 @!p0 $0x1;
	_ =	shalt  }
.Lfunc_end2:
_tile_overlayer_lowered:
.L_overlay_start_2:
0x49: {  	(tag) =	ssettag $0x2  }
0x4a: {  	s0 =	rddreg [dreg:$0x0];
	s2 =	stileid.u32  }
0x4b: {  	s1 =	rddreg [dreg:$0x1];
	p0 =	sne.s32 s2, $0x0  }
0x4c: {  	s3 =	rddreg [dreg:$0x2];
	[bflag:$0x3] =	sbarrier.arrive $0xFFFF;
	s2 =	simm.s32 @!p0 $0x1C02  }
0x4d: {  	[timem:s3], [sflag:s2] =	dma.local @!p0 [hbm:s0], s1  }
0x4e: {  	s0 =	simm.s32 @!p0 $0x2  }
0x4f: {  	_ =	swait.ge @!p0 [sflag:s0], s1  }
0x50: {  	s1 =	ssub.s32 @!p0 $0x0, s1;
	[sflag:s0] =	ssyncset.done @!p0 $0x0  }
0x51: {  	[sflag:s0] =	ssyncadd.s32 @!p0 s1  }
0x52: {  	[bflag:$0x3] =	sbarrier.arrive $0xFFFF  }
0x53: {  	_ =	shalt  }

// kernel: kernel.20.cloned.1.call-start
scs
__scs_entry_jumppad:
0x0: {  	(pc) =	sbr.rel $0x88, $3  }
0x1: {  	(tag) =	ssettag $0x0;
	lr =	simm.s32 $0x1  }
0x2: {  	[smem:$0x3F8F] =	sst lr;
	_ =	strace $0xD0000000  }
0x3: {  	_ = 	snop  }
0x4: {  	_ = 	snop  }
0x5: {  	_ = 	snop  }
0x6: {  	_ = 	snop  }
0x7: {  	_ = 	snop  }
__scs_overlays_trampoline_lowered:
0x8: {  	[smem:$0x3F9E] =	sst s0  }
0x9: {  	[smem:$0x3F9F] =	sst s1  }
0xa: {  	[smem:$0x3FA0] =	sst s2  }
0xb: {  	[smem:$0x3FA1] =	sst s3  }
0xc: {  	[smem:$0x3FA2] =	sst s4  }
0xd: {  	[smem:$0x3FA3] =	sst s5  }
0xe: {  	[smem:$0x3FA4] =	sst s6  }
0xf: {  	[smem:$0x3FA5] =	sst s7  }
0x10: {  	[smem:$0x3FA6] =	sst s8  }
0x11: {  	[smem:$0x3FA7] =	sst s9;
	s0 =	simm.s32 @!p0 $0x0  }
0x12: {  	s1 =	sld [smem:$0x3F8D];
	s0 =	simm.s32 @p0 $0x1  }
0x13: {  	[smem:$0x3FA8] =	sst s0;
	s0 =	simm.s32 @!p1 $0x0  }
0x14: {  	s2 =	sld [smem:$0x3F8C];
	s0 =	simm.s32 @p1 $0x1  }
0x15: {  	[smem:$0x3FA9] =	sst s0;
	s0 =	simm.s32 @!p2 $0x0  }
0x16: {  	s3 =	sld [smem:$0x3FDB];
	s0 =	simm.s32 @p2 $0x1  }
0x17: {  	s4 =	simm.s32 $0x1BF5;
	[smem:$0x3FAB] =	sst s0  }
0x18: {  	s0 =	sld [smem:$0x3F8E];
	_ =	swait.ge [sflag:s4], $0x0  }
0x19: {  	s7 =	sld [smem:$0x3F8F]  }
0x1a: {  	s8 =	sadd.s32 $0xFFFFE003, lr  }
0x1b: {  	s9 =	sadd.s32 $0xFFFFFEF7, lr;
	s5 =	simm.s32 $0xFFFFFFFF;
	p2 =	slt.u32 s8, $0xFFFFF086  }
0x1c: {  	p1 =	slt.u32 s9, $0xF7A;
	s5 =	simm.s32 @!p2 $0x0  }
0x1d: {  	s5 =	simm.s32 @p1 $0x1;
	p0 =	seq.s32 s7, s2  }
0x1e: {  	s7 =	smul.u32 @!p0 $0xF7A, s2;
	p2 =	seq.s32 @!p0 s5, $0x0  }
0x1f: {  	s9 =	smul.u32 $0xF7A, s1;
	s8 =	simm.s32 @!p0 $0x1BF5;
	p2 =	por !p2, p0  }
0x20: {  	[sflag:s8] =	ssyncset.s32 @!p0 $0xFFFFF086;
	s6 =	sadd.s32 @!p0 s3, s7;
	s7 =	simm.s32 @!p0 $0x108  }
0x21: {  	s3 =	sadd.s32 s3, s9;
	s6 =	sadd.s32 @!p0 $0x88, s6;
	s7 =	simm.s32 @p2 $0x1082  }
0x22: {  	[simem:s7], [sflag:s8] =	dma.local @!p0 [hbm:s6], $0xF7A  }
0x23: {  	s9 =	sor.u32 $0xD0000000, s2;
	s6 =	simm.s32 $0x108;
	_ =	swait.ge @!p0 [sflag:s8], $0x0  }
0x24: {  	s3 =	sadd.s32 $0x88, s3;
	s6 =	simm.s32 @!p1 $0x1082;
	[sflag:s4] =	ssyncset.s32 $0xFFFFF086  }
0x25: {  	[simem:s6], [sflag:s4] =	dma.local [hbm:s3], $0xF7A  }
0x26: {  	[smem:$0x3F8F] =	sst s1;
	(tag) =	ssettag s2;
	_ =	strace s9  }
0x27: {  	s1 =	sld [smem:$0x3F9F]  }
0x28: {  	s2 =	sld [smem:$0x3FA0]  }
0x29: {  	s4 =	sld [smem:$0x3FA2]  }
0x2a: {  	p0 =	seq.s32 s5, $0x0;
	s5 =	sld [smem:$0x3FA3]  }
0x2b: {  	s6 =	sld [smem:$0x3FA4]  }
0x2c: {  	s7 =	sld [smem:$0x3FA5]  }
0x2d: {  	s3 =	simm.s32 $0x108;
	s8 =	sld [smem:$0x3FA6]  }
0x2e: {  	s3 =	simm.s32 @!p0 $0x1082;
	s9 =	sld [smem:$0x3FA7]  }
0x2f: {  	lr =	sadd.s32 s0, s3;
	s0 =	sld [smem:$0x3F9E]  }
0x30: {  	s3 =	sld [smem:$0x3FA1]  }
0x31: {  	[smem:$0x3FAA] =	sst s10  }
0x32: {  	s10 =	sld [smem:$0x3FA8];
	_ =	sdelay $0x3  }
0x33: {  	p0 =	seq.s32 s10, $0x1;
	s10 =	sld [smem:$0x3FAA];
	_ =	sdelay $0x3  }
0x34: {  	[smem:$0x3FAA] =	sst s10  }
0x35: {  	s10 =	sld [smem:$0x3FA9];
	_ =	sdelay $0x3  }
0x36: {  	p1 =	seq.s32 s10, $0x1;
	s10 =	sld [smem:$0x3FAA];
	_ =	sdelay $0x3  }
0x37: {  	[smem:$0x3FAA] =	sst s10  }
0x38: {  	s10 =	sld [smem:$0x3FAB]  }
0x39: {  	_ = 	snop;
	(pc) =	sbr.ind lr, $3  }
0x3a: {  	_ = 	snop  }
0x3b: {  	_ = 	snop  }
0x3c: {  	p2 =	seq.s32 s10, $0x1;
	s10 =	sld [smem:$0x3FAA]  }
0x3d: {  	_ =	shalt  }
0x3e: {  	_ =	shalt  }
0x3f: {  	_ =	shalt  }
0x40: {  	_ =	shalt  }
0x41: {  	_ =	shalt  }
0x42: {  	_ =	shalt  }
0x43: {  	_ =	shalt  }
0x44: {  	_ =	shalt  }
0x45: {  	_ =	shalt  }
0x46: {  	_ =	shalt  }
0x47: {  	_ =	shalt  }
0x48: {  	_ =	shalt  }
0x49: {  	_ =	shalt  }
0x4a: {  	_ =	shalt  }
0x4b: {  	_ =	shalt  }
0x4c: {  	_ =	shalt  }
0x4d: {  	_ =	shalt  }
0x4e: {  	_ =	shalt  }
0x4f: {  	_ =	shalt  }
0x50: {  	_ =	shalt  }
0x51: {  	_ =	shalt  }
0x52: {  	_ =	shalt  }
0x53: {  	_ =	shalt  }
0x54: {  	_ =	shalt  }
0x55: {  	_ =	shalt  }
0x56: {  	_ =	shalt  }
0x57: {  	_ =	shalt  }
0x58: {  	_ =	shalt  }
0x59: {  	_ =	shalt  }
0x5a: {  	_ =	shalt  }
0x5b: {  	_ =	shalt  }
0x5c: {  	_ =	shalt  }
0x5d: {  	_ =	shalt  }
0x5e: {  	_ =	shalt  }
0x5f: {  	_ =	shalt  }
0x60: {  	_ =	shalt  }
0x61: {  	_ =	shalt  }
0x62: {  	_ =	shalt  }
0x63: {  	_ =	shalt  }
0x64: {  	_ =	shalt  }
0x65: {  	_ =	shalt  }
0x66: {  	_ =	shalt  }
0x67: {  	_ =	shalt  }
0x68: {  	_ =	shalt  }
0x69: {  	_ =	shalt  }
0x6a: {  	_ =	shalt  }
0x6b: {  	_ =	shalt  }
0x6c: {  	_ =	shalt  }
0x6d: {  	_ =	shalt  }
0x6e: {  	_ =	shalt  }
0x6f: {  	_ =	shalt  }
0x70: {  	_ =	shalt  }
0x71: {  	_ =	shalt  }
0x72: {  	_ =	shalt  }
0x73: {  	_ =	shalt  }
0x74: {  	_ =	shalt  }
0x75: {  	_ =	shalt  }
0x76: {  	_ =	shalt  }
0x77: {  	_ =	shalt  }
0x78: {  	_ =	shalt  }
0x79: {  	_ =	shalt  }
0x7a: {  	_ =	shalt  }
0x7b: {  	_ =	shalt  }
0x7c: {  	_ =	shalt  }
0x7d: {  	_ =	shalt  }
0x7e: {  	_ =	shalt  }
0x7f: {  	_ =	shalt  }
0x80: {  	_ =	shalt  }
0x81: {  	_ =	shalt  }
0x82: {  	_ =	shalt  }
0x83: {  	_ =	shalt  }
0x84: {  	_ =	shalt  }
0x85: {  	_ =	shalt  }
0x86: {  	_ =	shalt  }
0x87: {  	_ =	shalt  }
.Lfunc_end0:
.L_simem_size_0:
called_computation.3_lowered:
.L_overlay_start_0:
0x88: {  	s2 =	sld [smem:$0x3FD9]  }
0x89: {  	s3 =	sld [smem:$0x3FFE];
	_ =	sdelay $0x1  }
0x8a: {  	s1 =	srdreg.scid  }
0x8b: {  	s0 =	sand.u32 $0x1, s1  }
0x8c: {  	s17 =	sshll.u32 s0, $0xA;
	s2 =	sadd.s32 s3, s2  }
0x8d: {  	s2 =	sadd.s32 s2, s17  }
0x8e: {  	[smem:$0x3FB6] =	sst s2  }
0x8f: {  	_ = 	snop  }
0x90: {  	s2 =	sld [smem:$0x3FD0];
	(tm) =	ssettm $0x1  }
0x91: {  	s18 =	sld [smem:$0x3FFB];
	_ =	sdelay $0x3  }
0x92: {  	_ =	strace s18  }
0x93: {  	s3 =	sld [smem:$0x3FFC];
	_ =	sdelay $0x3  }
0x94: {  	_ =	strace s3  }
0x95: {  	s3 =	sld [smem:$0x3FFD];
	_ =	sdelay $0x3  }
0x96: {  	_ =	strace s3  }
0x97: {  	_ =	strace $0x8FFFFFFF  }
0x98: {  	s19 =	sld [smem:$0x3FDB];
	_ =	sdelay $0x1  }
0x99: {  	s4 =	simm.s32 $_scs_section_size  }
0x9a: {  	s5 =	simm.s32 $_size__tile_overlayer_lowered;
	s6 =	simm.s32 $_tile_overlayer_lowered  }
0x9b: {  	s22 =	simm.s32 $0x1BFF;
	s21 =	sshll.u32 s6, $0x1;
	s3 =	sadd.s32 s4, s19  }
0x9c: {  	s7 =	simm.s32 $0x0;
	s20 =	sshll.u32 s5, $0x1;
	s5 =	sadd.s32 s21, s3  }
0x9d: {  	[timem:s7], [sflag:s22] =	dma.local [hbm:s5], s20  }
0x9e: {  	_ =	swait.ge [sflag:s22], s20  }
0x9f: {  	s4 =	ssub.s32 $0x0, s20;
	[sflag:s22] =	ssyncset.done $0x0  }
0xa0: {  	[sflag:s22] =	ssyncadd.s32 s4;
	_ =	sdelay $0x1  }
0xa1: {  	s23 =	simm.s32 $0x1B8B  }
0xa2: {  	_ =	swait.ge [sflag:s23], $0x1  }
0xa3: {  	[sflag:s23] =	ssyncset.done $0x0  }
0xa4: {  	s25 =	simm.s32 $0x1B8E;
	s24 =	sld [smem:$0x3FFE];
	[sflag:s23] =	ssyncadd.s32 $0xFFFFFFFF  }
0xa5: {  	s26 =	simm.s32 $execute0_lowered;
	[smem:$0x3FD2] =	sst s25  }
0xa6: {  	s5 =	sshll.u32 s26, $0x1;
	_ =	strace $0x8000004F;
	[dreg:$0x1] =	wrdreg $0xFFFFFFFF  }
0xa7: {  	s28 =	simm.s32 $_size_execute0_lowered;
	s3 =	sadd.s32 s3, s5;
	[dreg:$0x0] =	wrdreg $0x0  }
0xa8: {  	s5 =	sshll.u32 s28, $0x1;
	[dreg:$0x2] =	wrdreg s3  }
0xa9: {  	[dreg:$0x3] =	wrdreg s5  }
0xaa: {  	[dreg:$0x4] =	wrdreg $0xC0  }
0xab: {  	_ =	task [dreg:s7], $0x5FFFF  }
0xac: {  	[dreg:$0x1] =	wrdreg $0xFFFFFFFF  }
0xad: {  	[dreg:$0x0] =	wrdreg $0x60  }
0xae: {  	[dreg:$0x2] =	wrdreg s2  }
0xaf: {  	[dreg:$0x3] =	wrdreg s24  }
0xb0: {  	[dreg:$0x4] =	wrdreg $0xA8000  }
0xb1: {  	[dreg:$0x5] =	wrdreg $0x9  }
0xb2: {  	_ =	task.clear_ibuf [dreg:s7], $0x6FFFF;
	_ =	strace $0x9000004F  }
0xb3: {  	s29 =	simm.s32 $0x9;
	_ =	strace $0x80000051  }
0xb4: {  	_ =	swait.ge [sflag:s29], $0x1  }
0xb5: {  	[sflag:s29] =	ssyncadd.s32 $0xFFFFFFFF  }
0xb6: {  	_ =	strace $0x90000051  }
0xb7: {  	_ =	sfence  }
0xb8: {  	s30 =	sld [smem:$0x0];
	_ =	sdelay $0x2  }
0xb9: {  	s31 =	sshll.u32 s1, $0xD;
	s1 =	sshrl.u32 s1, $0x2  }
0xba: {  	s3 =	sand.u32 $0x4000, s31;
	s1 =	sadd.s32 s1, s30  }
0xbb: {  	s0 =	sor.u32 s3, s0;
	s1 =	sshll.u32 s1, $0x11  }
0xbc: {  	s0 =	sor.u32 s1, s0  }
0xbd: {  	s0 =	sadd.s32 $0x8F2B, s0  }
0xbe: {  	[sflag:s0] =	ssyncadd.remote.s32 $0x1  }
0xbf: {  	_ =	sfence.sel $0xFFFF  }
0xc0: {  	[dreg:$0x0] =	wrdreg $0xFFFFFFFF;
	(pc) =	sbr.abs _section_cstart, $3  }
0xc1: {  	[dreg:$0x1] =	wrdreg $0xFFFFFFFF  }
0xc2: {  	_ =	task.clear_ibuf [dreg:s7], $0x2FFFF;
	_ =	strace $0x9FFFFFFF  }
0xc3: {  	(tm) =	ssettm $0x7FFFFFFF  }
tec
execute0_lowered:
.L_overlay_start_1:
0x0: {  	(tag) =	ssettag $0x1  }
0x1: {  	s2 =	rddreg [dreg:$0x0]  }
0x2: {  	s6 =	rddreg [dreg:$0x1]  }
0x3: {  	s3 =	rddreg [dreg:$0x2]  }
0x4: {  	s0 =	rddreg [dreg:$0x3]  }
0x5: {  	s1 =	stileid.u32;
	s4 =	simm.s32 $0x0;
	s7 =	srdreg.scid  }
0x6: {  	s16 =	simm.s32 $0x2;
	s19 =	simm.s32 $0x6800;
	s20 =	simm.s32 $0x1  }
0x7: {  	s21 =	simm.s32 $0x0;
	s5 =	smul.u32 $0x680, s1;
	[smem:$0x7FF] =	sst s4  }
0x8: {  	s18 =	sand.u32 $0x1, s7;
	s29 =	sshll.u32 s1, $0xA;
	s9 =	smul.u32 $0x4E000, s1  }
0x9: {  	s31 =	sshll.u32 s1, $0x6;
	s17 =	sadd.s32 $0x138000, s3;
	p0 =	sne.s32 s1, $0xF  }
0xa: {  	_ =	strace $0x80000050;
	s7 =	smul.u32 $0x27100, s18;
	s8 =	ssub.s32 $0x2, s18  }
0xb: {  	s10 =	sadd.s32 s29, s6;
	s17 =	sshrl.u32 @!p0 s17, $0x3;
	p1 =	sne.s32 s18, $0x0  }
0xc: {  	s18 =	simm.s32 $0x80;
	s12 =	sadd.s32 s5, s6;
	s11 =	sshrl.u32 s8, $0x1  }
0xd: {  	s5 =	smul.u32 $0x2700, s1;
	s30 =	sshrl.u32 s9, $0x2;
	s9 =	sadd.s32 $0x11800, s10  }
0xe: {  	s10 =	sadd.s32 $0x15800, s10;
	s13 =	sadd.s32 s7, s6;
	s14 =	ssub.s32 s8, s11  }
0xf: {  	s15 =	sadd.s32 s30, s3;
	s7 =	sor.u32 $0x1C02, s31;
	s8 =	sadd.s32 $0x27000, s2  }
0x10: {  	s11 =	sadd.s32 $0xB000, s12;
	s12 =	sadd.s32 $0x4800, s12;
	s6 =	sadd.s32 s2, s5  }
0x11: {  	s13 =	sadd.s32 $0x19800, s13;
	s14 =	smax.u32 s14, $0x1;
	s15 =	sshrl.u32 s15, $0x3  }
.LBB2_1:
0x12: {  	[spmem:s15], [sflag:s7] =	dma.local [hbm:s6], $0x2700  }
0x13: {  	_ =	swait.ge [sflag:s16], $0x2700  }
0x14: {  	[sflag:s16] =	ssyncset.done $0x0  }
0x15: {  	s22 =	simm.s32 @!p0 $0x2;
	[sflag:s16] =	ssyncadd.s32 $0xFFFFD900  }
0x16: {  	[spmem:s17], [sflag:s7] =	dma.local @!p0 [hbm:s8], $0x100  }
0x17: {  	_ =	swait.ge @!p0 [sflag:s22], $0x100  }
0x18: {  	[sflag:s22] =	ssyncset.done @!p0 $0x0  }
0x19: {  	s23 =	simm.s32 @p1 $0x0;
	s24 =	simm.s32 @p1 $0x2;
	[sflag:s22] =	ssyncadd.s32 @!p0 $0xFFFFFF00  }
0x1a: {  	[tilespmem:s23], [sflag:$0x2] =	stream.linear.gather @p1 [hbm4b:s9+s23], $0x1C80, $0x38;
	[tilespmem:$0x1E0C0] =	vst v63  }
0x1b: {  	_ =	swait.ge @p1 [sflag:s24], $0x1C80  }
0x1c: {  	[sflag:s24] =	ssyncset.done @p1 $0x0  }
0x1d: {  	s25 =	simm.s32 @p1 $0x3400;
	[sflag:s24] =	ssyncadd.s32 @p1 $0xFFFFE380  }
0x1e: {  	[tilespmem:s25], [sflag:$0x2] =	stream.linear.gather @p1 [hbm4b:s10+s23], $0x1C80, $0x38;
	[tilespmem:$0x1E0C0] =	vst v63  }
0x1f: {  	_ =	swait.ge @p1 [sflag:s24], $0x1C80  }
0x20: {  	[sflag:s24] =	ssyncset.done @p1 $0x0  }
0x21: {  	s23 =	simm.s32 @!p1 $0x0;
	[sflag:s24] =	ssyncadd.s32 @p1 $0xFFFFE380;
	s24 =	simm.s32 @!p1 $0x2  }
0x22: {  	[tilespmem:s23], [sflag:$0x2] =	stream.linear.gather @!p1 [hbm4b:s11+s23], $0x3280, $0x38;
	[tilespmem:$0x1E0C0] =	vst v63  }
0x23: {  	_ =	swait.ge @!p1 [sflag:s24], $0x3280  }
0x24: {  	[sflag:s24] =	ssyncset.done @!p1 $0x0  }
0x25: {  	s25 =	simm.s32 @!p1 $0x3400;
	[sflag:s24] =	ssyncadd.s32 @!p1 $0xFFFFCD80  }
0x26: {  	[tilespmem:s25], [sflag:$0x2] =	stream.linear.gather @!p1 [hbm4b:s12+s23], $0x3280, $0x38;
	[tilespmem:$0x1E0C0] =	vst v63  }
0x27: {  	_ =	swait.ge @!p1 [sflag:s24], $0x3280  }
0x28: {  	[sflag:s24] =	ssyncset.done @!p1 $0x0  }
0x29: {  	[sflag:s24] =	ssyncadd.s32 @!p1 $0xFFFFCD80;
	s24 =	simm.s32 @!p1 $0x65  }
0x2a: {  	[bflag:$0x0] =	sbarrier.arrive $0xFFFF;
	s24 =	simm.s32 @p1 $0x39  }
0x2b: {  	[tilespmem:s19], [sflag:$0x1] =	stream.indirect.gather [hbm4b:s2+s18], $0x80, s4, s18, $0xb8;
	[tilespmem:$0x1E0C0] =	vst v63  }
0x2c: {  	p2 =	sne.s32 s24, $0x1;
	_ =	swait.ge [sflag:s20], $0x4000  }
.Ltmp0:
0x2d: {  	[sflag:s20] =	ssyncset.done $0x0;
	(pc) =	sbr.rel @!p2 .LBB2_3-.Ltmp0, $4  }
0x2e: {  	s23 =	simm.s32 $0x3400;
	[sflag:s20] =	ssyncadd.s32 $0xFFFFC000  }
0x2f: {  	[spmem:s3] =	stream.indirect.scatter.add.f32 [tilespmem:s19], [sflag:$0x2], $0x80, s23, s18, $0xb8;
	[tilespmem:$0x1E0C0] =	vst v63  }
0x30: {  	_ =	swait.ge [sflag:s16], $0x4000  }
0x31: {  	s25 =	simm.s32 $0x0;
	s24 =	sadd.s32 $0xFFFFFFFF, s24;
	[sflag:s16] =	ssyncset.done $0x0  }
.LBB2_2:
0x32: {  	[sflag:s16] =	ssyncadd.s32 $0xFFFFC000;
	s25 =	sadd.s32 $0x80, s25;
	s23 =	sadd.s32 $0x80, s23  }
0x33: {  	[tilespmem:s19], [sflag:$0x1] =	stream.indirect.gather [hbm4b:s2+s18], $0x80, s25, s18, $0xb8;
	[tilespmem:$0x1E0C0] =	vst v63  }
0x34: {  	p2 =	sne.s32 s24, $0x1;
	s24 =	sadd.s32 $0xFFFFFFFF, s24;
	_ =	swait.ge [sflag:s20], $0x4000  }
.Ltmp1:
0x35: {  	[sflag:s20] =	ssyncset.done $0x0;
	(pc) =	sbr.rel @p2 .LBB2_2-.Ltmp1, $4  }
0x36: {  	[sflag:s20] =	ssyncadd.s32 $0xFFFFC000  }
0x37: {  	[spmem:s3] =	stream.indirect.scatter.add.f32 [tilespmem:s19], [sflag:$0x2], $0x80, s23, s18, $0xb8;
	[tilespmem:$0x1E0C0] =	vst v63  }
0x38: {  	_ =	swait.ge [sflag:s16], $0x4000  }
0x39: {  	[sflag:s16] =	ssyncset.done $0x0  }
.LBB2_3:
0x3a: {  	[sflag:s16] =	ssyncadd.s32 $0xFFFFC000  }
0x3b: {  	s23 =	sadd.s32 s5, s13;
	[bflag:$0x0] =	sbarrier.arrive $0xFFFF  }
0x3c: {  	[hbm:s23], [sflag:s7] =	dma.local [spmem:s15], $0x2700  }
0x3d: {  	s21 =	sadd.s32 $0x1, s21;
	_ =	swait.ge [sflag:s16], $0x2700  }
0x3e: {  	p2 =	sne.s32 s21, s14;
	[sflag:s16] =	ssyncset.done $0x0  }
.Ltmp2:
0x3f: {  	s23 =	sadd.s32 @!p0 $0x27000, s13;
	[sflag:s16] =	ssyncadd.s32 $0xFFFFD900;
	(pc) =	sbr.rel @p2 .LBB2_1-.Ltmp2, $4  }
0x40: {  	[hbm:s23], [sflag:s7] =	dma.local @!p0 [spmem:s17], $0x100  }
0x41: {  	_ =	swait.ge @!p0 [sflag:s22], $0x100  }
0x42: {  	[sflag:s22] =	ssyncset.done @!p0 $0x0  }
0x43: {  	[sflag:s22] =	ssyncadd.s32 @!p0 $0xFFFFFF00  }
0x44: {  	_ =	sfence.sel $0x180000  }
0x45: {  	[bflag:$0x0] =	sbarrier.arrive $0xFFFF  }
0x46: {  	p0 =	sne.s32 s1, $0x0;
	_ =	strace $0x90000050  }
0x47: {  	s0 =	sadd.s32 @!p0 $0x100000, s0;
	[bflag:$0x2] =	sbarrier.arrive $0xFFFF  }
0x48: {  	[sflag:s0] =	ssyncadd.tile.s32 @!p0 $0x1;
	_ =	shalt  }
.Lfunc_end2:
_tile_overlayer_lowered:
.L_overlay_start_2:
0x49: {  	(tag) =	ssettag $0x2  }
0x4a: {  	s0 =	rddreg [dreg:$0x0];
	s2 =	stileid.u32  }
0x4b: {  	s1 =	rddreg [dreg:$0x1];
	p0 =	sne.s32 s2, $0x0  }
0x4c: {  	s3 =	rddreg [dreg:$0x2];
	[bflag:$0x3] =	sbarrier.arrive $0xFFFF;
	s2 =	simm.s32 @!p0 $0x1C02  }
0x4d: {  	[timem:s3], [sflag:s2] =	dma.local @!p0 [hbm:s0], s1  }
0x4e: {  	s0 =	simm.s32 @!p0 $0x2  }
0x4f: {  	_ =	swait.ge @!p0 [sflag:s0], s1  }
0x50: {  	s1 =	ssub.s32 @!p0 $0x0, s1;
	[sflag:s0] =	ssyncset.done @!p0 $0x0  }
0x51: {  	[sflag:s0] =	ssyncadd.s32 @!p0 s1  }
0x52: {  	[bflag:$0x3] =	sbarrier.arrive $0xFFFF  }
0x53: {  	_ =	shalt  }

</sc_bundles>
